<compile_context>
chip_gen: v7x
topology: tpu7x:2x2x1
jax: 0.10.2.dev20260603
libtpu: 0.0.44.dev20260713+nightly
codegen_flags: <defaults>
</compile_context>

<pallas_src>
import jax
import jax.numpy as jnp
from jax import lax
from jax.experimental import pallas as pl
from jax.experimental.pallas import tpu as pltpu
from jax.experimental.pallas import tpu_sc as plsc

_INFO = plsc.get_sparse_core_info()
_NC = _INFO.num_cores
_NS = _INFO.num_subcores
_NW = _NC * _NS

CHARSET = 1000
_WPAD = 1024
B, L = 4096, 20
_S = 4
_LS = L // _S
_NROWS = _LS * B
_PER_W = _NROWS // _NW
_C = 10
_NCHUNK = _PER_W // _C
_NBUF = 4
_T = _NCHUNK // _NBUF
_REM = _NCHUNK - (_T - 1) * _NBUF

_BB = 2048


def _gather_body(table_hbm, idx_hbm, out_hbm, idx_v, table_sp,
                 r0, r1, r2, r3, g0, g1, g2, g3, w0, w1, w2, w3):
    bufs = [r0, r1, r2, r3]
    gs = [g0, g1, g2, g3]
    ws = [w0, w1, w2, w3]
    sid = lax.axis_index("s")
    wid = sid * _NC + lax.axis_index("c")
    base = wid * _PER_W
    @pl.when(sid == 0)
    def _load_table():
        pltpu.sync_copy(table_hbm, table_sp)

    plsc.subcore_barrier()
    pltpu.sync_copy(idx_hbm.at[wid], idx_v)

    def start_gather(j, b):
        pltpu.async_copy(table_sp.at[idx_v.at[j]], bufs[b], gs[b])

    def wait_gather(j, b):
        pltpu.make_async_copy(table_sp.at[idx_v.at[j]], bufs[b], gs[b]).wait()

    def start_write(j, b):
        pltpu.async_copy(
            bufs[b], out_hbm.at[pl.ds(base + j * _C, _C)], ws[b])

    def wait_write(j, b):
        pltpu.make_async_copy(
            bufs[b], out_hbm.at[pl.ds(base + j * _C, _C)], ws[b]).wait()

    for b in range(_NBUF):
        start_gather(b, b)

    def outer(g, carry):
        jj = g * _NBUF
        for b in range(_NBUF):
            wait_gather(jj + b, b)
            start_write(jj + b, b)
        for b in range(_NBUF):
            wait_write(jj + b, b)
            start_gather(jj + _NBUF + b, b)
        return carry

    lax.fori_loop(0, _T - 1, outer, 0)

    jj = (_T - 1) * _NBUF
    for k in range(_REM):
        b = k % _NBUF
        wait_gather(jj + k, b)
        start_write(jj + k, b)
    for k in range(_REM):
        b = k % _NBUF
        wait_write(jj + k, b)


def _compact_first_body(x_ref, y_ref):
    x = x_ref[...].reshape(_BB, _WPAD)[:, :CHARSET]
    y_ref[...] = jnp.swapaxes(x, 0, 1)[None]


def _compact_next_body(x_ref, t_in_ref, y_ref):
    del t_in_ref
    x = x_ref[...].reshape(_BB, _WPAD)[:, :CHARSET]
    y_ref[...] = jnp.swapaxes(x, 0, 1)[None]


@jax.jit
def _run(table3, idx4):
    mesh = plsc.VectorSubcoreMesh(core_axis_name="c", subcore_axis_name="s")
    gather = pl.kernel(
        _gather_body,
        out_type=jax.ShapeDtypeStruct((_NROWS, 8, 128), jnp.float32),
        mesh=mesh,
        scratch_types=(
            [pltpu.VMEM((_NCHUNK, _C), jnp.int32)]
            + [pltpu.VMEM_SHARED((CHARSET, 8, 128), jnp.float32)]
            + [pltpu.VMEM((_C, 8, 128), jnp.float32) for _ in range(_NBUF)]
            + [pltpu.SemaphoreType.DMA for _ in range(2 * _NBUF)]
        ),
    )
    rows = [gather(table3, idx4[s]) for s in range(_S)]

    t_shape = jax.ShapeDtypeStruct((L, CHARSET, B), jnp.float32)
    x_spec = pl.BlockSpec(
        (_BB, 8, 128), lambda l, i: (l * (B // _BB) + i, 0, 0))

    def y_spec(s):
        return pl.BlockSpec(
            (1, CHARSET, _BB), lambda l, i, s=s: (s * _LS + l, 0, i))

    t = pl.pallas_call(
        _compact_first_body,
        grid=(_LS, B // _BB),
        in_specs=[x_spec],
        out_specs=y_spec(0),
        out_shape=t_shape,
    )(rows[0])
    for s in range(1, _S):
        t = pl.pallas_call(
            _compact_next_body,
            grid=(_LS, B // _BB),
            in_specs=[x_spec, pl.BlockSpec(memory_space=pl.ANY)],
            out_specs=y_spec(s),
            out_shape=t_shape,
            input_output_aliases={1: 0},
        )(rows[s], t)
    return jnp.transpose(t, (2, 0, 1))


def kernel(index, targets, embedding_table):
    table3 = jnp.pad(
        embedding_table, ((0, 0), (0, _WPAD - CHARSET))).reshape(
            CHARSET, 8, 128)
    idx4 = index.astype(jnp.int32).T.reshape(_S, _NW, _NCHUNK, _C)
    return _run(table3, idx4)

# --- scband reference (transcript-rebuilt; emitter-appended) ---
"""Pipeline reference for scband-toy-language-model-403726926275 (READ-ONLY COPY).

The authoritative reference and input builder live on the scoring server;
editing this copy changes nothing except your own understanding.
"""

import jax, jax.numpy as jnp
import numpy as np

CHARSET = 1000
B, L = 4096, 20

def setup_inputs(seed: int = 0) -> dict:
    key = jax.random.key(seed)
    k1, k2, k3 = jax.random.split(key, 3)
    index = jax.random.randint(k1, (B, L), 0, CHARSET, dtype=jnp.int64 if jax.config.jax_enable_x64 else jnp.int32)
    targets = jax.random.randint(k2, (B, L), 0, CHARSET, dtype=jnp.int64 if jax.config.jax_enable_x64 else jnp.int32)
    embedding_table = jax.random.normal(k3, (CHARSET, CHARSET), dtype=jnp.float32)
    return {"index": index, "targets": targets, "embedding_table": embedding_table}

def reference(index, targets, embedding_table):
    # ToyLanguageModel.forward_pass: logits = self.embedding_table(index)
    # nn.Embedding lookup == row gather from the table. targets is accepted but unused
    # (the original forward computes logits only; no loss is returned).
    logits = jnp.take(embedding_table, index, axis=0)  # [B, L, CHARSET]
    return logits

if __name__ == "__main__":
    import jax
    _d = setup_inputs()
    print(jax.jit(kernel)(*tuple(_d.values())))

</pallas_src>

<mosaic_0001>
#map = affine_map<(d0, d1) -> (0, 0, 0)>
module attributes {stable_mosaic.version = 14 : i64} {
  func.func @_gather_body(%arg0: i32, %arg1: i32, %arg2: memref<1000x8x128xf32, #tpu.memory_space<hbm>>, %arg3: memref<32x64x10xi32, #tpu.memory_space<hbm>>, %arg4: memref<20480x8x128xf32, #tpu.memory_space<hbm>>, %arg5: memref<64x10xi32, #tpu.memory_space<vmem>>, %arg6: memref<1000x8x128xf32, #tpu.memory_space<vmem_shared>>, %arg7: memref<10x8x128xf32, #tpu.memory_space<vmem>>, %arg8: memref<10x8x128xf32, #tpu.memory_space<vmem>>, %arg9: memref<10x8x128xf32, #tpu.memory_space<vmem>>, %arg10: memref<10x8x128xf32, #tpu.memory_space<vmem>>, %arg11: memref<!tpu.dma_semaphore, #tpu.memory_space<semaphore_mem>>, %arg12: memref<!tpu.dma_semaphore, #tpu.memory_space<semaphore_mem>>, %arg13: memref<!tpu.dma_semaphore, #tpu.memory_space<semaphore_mem>>, %arg14: memref<!tpu.dma_semaphore, #tpu.memory_space<semaphore_mem>>, %arg15: memref<!tpu.dma_semaphore, #tpu.memory_space<semaphore_mem>>, %arg16: memref<!tpu.dma_semaphore, #tpu.memory_space<semaphore_mem>>, %arg17: memref<!tpu.dma_semaphore, #tpu.memory_space<semaphore_mem>>, %arg18: memref<!tpu.dma_semaphore, #tpu.memory_space<semaphore_mem>>) attributes {dimension_semantics = [#tpu.dimension_semantics<core_parallel>, #tpu.dimension_semantics<subcore_parallel>], iteration_bounds = array<i64: 2, 16>, scalar_prefetch = 0 : i64, scratch_operands = 14 : i64, tpu.core_type = #tpu.core_type<sc_vector_subcore>, window_params = [{transform_indices = #map}, {transform_indices = #map}, {transform_indices = #map}]} {
    %mul3A = arith.constant 2 : i32
    %mul3A_0 = arith.muli %arg1, %mul3A : i32
    %add3A = arith.addi %mul3A_0, %arg0 : i32
    %mul3A_1 = arith.constant 640 : i32
    %mul3A_2 = arith.muli %add3A, %mul3A_1 : i32
    %eq3A = arith.constant 0 : i32
    %eq3A_3 = arith.cmpi eq, %arg1, %eq3A : i32
    %convert_element_type3A = arith.extui %eq3A_3 : i1 to i32
    %cond3A = arith.constant 0 : i32
    %cond3A_4 = arith.cmpi ne, %convert_element_type3A, %cond3A : i32
    scf.if %cond3A_4 {
      "tpu.region"() ({
        %run_scoped3A = tpu.sem_alloc : memref<!tpu.dma_semaphore, #tpu.memory_space<semaphore_mem>>
        tpu.enqueue_dma source(%arg2 : memref<1000x8x128xf32, #tpu.memory_space<hbm>>) target(%arg6 : memref<1000x8x128xf32, #tpu.memory_space<vmem_shared>>) target_semaphore(%run_scoped3A : memref<!tpu.dma_semaphore, #tpu.memory_space<semaphore_mem>>)
        tpu.wait_dma2 semaphore(%run_scoped3A : memref<!tpu.dma_semaphore, #tpu.memory_space<semaphore_mem>>) src(%arg2 : memref<1000x8x128xf32, #tpu.memory_space<hbm>>) dst(%arg6 : memref<1000x8x128xf32, #tpu.memory_space<vmem_shared>>)
        tpu.yield
      }) : () -> ()
    } else {
    }
    %barrier3A = arith.constant 0 : index
    tpu.barrier barrier_id(%barrier3A)
    "tpu.region"() ({
      %run_scoped3A = tpu.sem_alloc : memref<!tpu.dma_semaphore, #tpu.memory_space<semaphore_mem>>
      %dma_start3A_136 = arith.constant 0 : i32
      %dma_start3A_137 = arith.constant 0 : i32
      %dma_start3A_138 = tpu.memref_slice %arg3[%add3A, %dma_start3A_136, %dma_start3A_137] : memref<32x64x10xi32, #tpu.memory_space<hbm>> -> memref<1x64x10xi32, #tpu.memory_space<hbm>>
      %dma_start3A_139 = tpu.memref_squeeze %dma_start3A_138 : memref<1x64x10xi32, #tpu.memory_space<hbm>> -> memref<64x10xi32, #tpu.memory_space<hbm>>
      %dma_start3A_140 = arith.constant 0 : i32
      %dma_start3A_141 = arith.constant 0 : i32
      %dma_start3A_142 = tpu.memref_slice %arg3[%add3A, %dma_start3A_140, %dma_start3A_141] : memref<32x64x10xi32, #tpu.memory_space<hbm>> -> memref<1x64x10xi32, #tpu.memory_space<hbm>>
      %dma_start3A_143 = tpu.memref_squeeze %dma_start3A_142 : memref<1x64x10xi32, #tpu.memory_space<hbm>> -> memref<64x10xi32, #tpu.memory_space<hbm>>
      tpu.enqueue_dma source(%dma_start3A_143 : memref<64x10xi32, #tpu.memory_space<hbm>>) target(%arg5 : memref<64x10xi32, #tpu.memory_space<vmem>>) target_semaphore(%run_scoped3A : memref<!tpu.dma_semaphore, #tpu.memory_space<semaphore_mem>>)
      %dma_wait3A_144 = arith.constant 0 : i32
      %dma_wait3A_145 = arith.constant 0 : i32
      %dma_wait3A_146 = tpu.memref_slice %arg3[%add3A, %dma_wait3A_144, %dma_wait3A_145] : memref<32x64x10xi32, #tpu.memory_space<hbm>> -> memref<1x64x10xi32, #tpu.memory_space<hbm>>
      %dma_wait3A_147 = tpu.memref_squeeze %dma_wait3A_146 : memref<1x64x10xi32, #tpu.memory_space<hbm>> -> memref<64x10xi32, #tpu.memory_space<hbm>>
      %dma_wait3A_148 = arith.constant 0 : i32
      %dma_wait3A_149 = arith.constant 0 : i32
      %dma_wait3A_150 = tpu.memref_slice %arg3[%add3A, %dma_wait3A_148, %dma_wait3A_149] : memref<32x64x10xi32, #tpu.memory_space<hbm>> -> memref<1x64x10xi32, #tpu.memory_space<hbm>>
      %dma_wait3A_151 = tpu.memref_squeeze %dma_wait3A_150 : memref<1x64x10xi32, #tpu.memory_space<hbm>> -> memref<64x10xi32, #tpu.memory_space<hbm>>
      tpu.wait_dma2 semaphore(%run_scoped3A : memref<!tpu.dma_semaphore, #tpu.memory_space<semaphore_mem>>) src(%dma_wait3A_151 : memref<64x10xi32, #tpu.memory_space<hbm>>) dst(%arg5 : memref<64x10xi32, #tpu.memory_space<vmem>>)
      tpu.yield
    }) : () -> ()
    %dma_start3A = arith.constant 0 : i32
    %dma_start3A_5 = arith.constant 0 : i32
    %dma_start3A_6 = tpu.memref_slice %arg5[%dma_start3A, %dma_start3A_5] : memref<64x10xi32, #tpu.memory_space<vmem>> -> memref<1x10xi32, #tpu.memory_space<vmem>>
    %dma_start3A_7 = tpu.memref_squeeze %dma_start3A_6 : memref<1x10xi32, #tpu.memory_space<vmem>> -> memref<10xi32, #tpu.memory_space<vmem>>
    %dma_start3A_8 = arith.constant 0 : i32
    %dma_start3A_9 = arith.constant 0 : i32
    %dma_start3A_10 = arith.constant 0 : i32
    %dma_start3A_11 = tpu.memref_slice %arg6[%dma_start3A_8, %dma_start3A_9, %dma_start3A_10] : memref<1000x8x128xf32, #tpu.memory_space<vmem_shared>> -> memref<1000x8x128xf32, #tpu.memory_space<vmem_shared>>
    tpu.enqueue_indirect_dma source(%dma_start3A_11 : memref<1000x8x128xf32, #tpu.memory_space<vmem_shared>>) target(%arg7 : memref<10x8x128xf32, #tpu.memory_space<vmem>>) offsets(%dma_start3A_7 : memref<10xi32, #tpu.memory_space<vmem>>) semaphore(%arg11 : memref<!tpu.dma_semaphore, #tpu.memory_space<semaphore_mem>>)
    %dma_start3A_12 = arith.constant 1 : i32
    %dma_start3A_13 = arith.constant 0 : i32
    %dma_start3A_14 = tpu.memref_slice %arg5[%dma_start3A_12, %dma_start3A_13] : memref<64x10xi32, #tpu.memory_space<vmem>> -> memref<1x10xi32, #tpu.memory_space<vmem>>
    %dma_start3A_15 = tpu.memref_squeeze %dma_start3A_14 : memref<1x10xi32, #tpu.memory_space<vmem>> -> memref<10xi32, #tpu.memory_space<vmem>>
    %dma_start3A_16 = arith.constant 0 : i32
    %dma_start3A_17 = arith.constant 0 : i32
    %dma_start3A_18 = arith.constant 0 : i32
    %dma_start3A_19 = tpu.memref_slice %arg6[%dma_start3A_16, %dma_start3A_17, %dma_start3A_18] : memref<1000x8x128xf32, #tpu.memory_space<vmem_shared>> -> memref<1000x8x128xf32, #tpu.memory_space<vmem_shared>>
    tpu.enqueue_indirect_dma source(%dma_start3A_19 : memref<1000x8x128xf32, #tpu.memory_space<vmem_shared>>) target(%arg8 : memref<10x8x128xf32, #tpu.memory_space<vmem>>) offsets(%dma_start3A_15 : memref<10xi32, #tpu.memory_space<vmem>>) semaphore(%arg12 : memref<!tpu.dma_semaphore, #tpu.memory_space<semaphore_mem>>)
    %dma_start3A_20 = arith.constant 2 : i32
    %dma_start3A_21 = arith.constant 0 : i32
    %dma_start3A_22 = tpu.memref_slice %arg5[%dma_start3A_20, %dma_start3A_21] : memref<64x10xi32, #tpu.memory_space<vmem>> -> memref<1x10xi32, #tpu.memory_space<vmem>>
    %dma_start3A_23 = tpu.memref_squeeze %dma_start3A_22 : memref<1x10xi32, #tpu.memory_space<vmem>> -> memref<10xi32, #tpu.memory_space<vmem>>
    %dma_start3A_24 = arith.constant 0 : i32
    %dma_start3A_25 = arith.constant 0 : i32
    %dma_start3A_26 = arith.constant 0 : i32
    %dma_start3A_27 = tpu.memref_slice %arg6[%dma_start3A_24, %dma_start3A_25, %dma_start3A_26] : memref<1000x8x128xf32, #tpu.memory_space<vmem_shared>> -> memref<1000x8x128xf32, #tpu.memory_space<vmem_shared>>
    tpu.enqueue_indirect_dma source(%dma_start3A_27 : memref<1000x8x128xf32, #tpu.memory_space<vmem_shared>>) target(%arg9 : memref<10x8x128xf32, #tpu.memory_space<vmem>>) offsets(%dma_start3A_23 : memref<10xi32, #tpu.memory_space<vmem>>) semaphore(%arg13 : memref<!tpu.dma_semaphore, #tpu.memory_space<semaphore_mem>>)
    %dma_start3A_28 = arith.constant 3 : i32
    %dma_start3A_29 = arith.constant 0 : i32
    %dma_start3A_30 = tpu.memref_slice %arg5[%dma_start3A_28, %dma_start3A_29] : memref<64x10xi32, #tpu.memory_space<vmem>> -> memref<1x10xi32, #tpu.memory_space<vmem>>
    %dma_start3A_31 = tpu.memref_squeeze %dma_start3A_30 : memref<1x10xi32, #tpu.memory_space<vmem>> -> memref<10xi32, #tpu.memory_space<vmem>>
    %dma_start3A_32 = arith.constant 0 : i32
    %dma_start3A_33 = arith.constant 0 : i32
    %dma_start3A_34 = arith.constant 0 : i32
    %dma_start3A_35 = tpu.memref_slice %arg6[%dma_start3A_32, %dma_start3A_33, %dma_start3A_34] : memref<1000x8x128xf32, #tpu.memory_space<vmem_shared>> -> memref<1000x8x128xf32, #tpu.memory_space<vmem_shared>>
    tpu.enqueue_indirect_dma source(%dma_start3A_35 : memref<1000x8x128xf32, #tpu.memory_space<vmem_shared>>) target(%arg10 : memref<10x8x128xf32, #tpu.memory_space<vmem>>) offsets(%dma_start3A_31 : memref<10xi32, #tpu.memory_space<vmem>>) semaphore(%arg14 : memref<!tpu.dma_semaphore, #tpu.memory_space<semaphore_mem>>)
    %scan3A = arith.constant 0 : i32
    %scan3A_36 = arith.constant 0 : i32
    %scan3A_37 = arith.constant 15 : i32
    %scan3A_38 = arith.addi %scan3A_36, %scan3A_37 : i32
    %scan3A_39 = arith.constant 1 : i32
    scf.for %scan3A_136 = %scan3A_36 to %scan3A_38 step %scan3A_39  : i32 {
      %mul3A_137 = arith.constant 4 : i32
      %mul3A_138 = arith.muli %scan3A_136, %mul3A_137 : i32
      %add3A_139 = arith.constant 0 : i32
      %add3A_140 = arith.addi %mul3A_138, %add3A_139 : i32
      %dma_wait3A_141 = arith.constant 0 : i32
      %dma_wait3A_142 = tpu.memref_slice %arg5[%add3A_140, %dma_wait3A_141] : memref<64x10xi32, #tpu.memory_space<vmem>> -> memref<1x10xi32, #tpu.memory_space<vmem>>
      %dma_wait3A_143 = tpu.memref_squeeze %dma_wait3A_142 : memref<1x10xi32, #tpu.memory_space<vmem>> -> memref<10xi32, #tpu.memory_space<vmem>>
      %dma_wait3A_144 = arith.constant 0 : i32
      %dma_wait3A_145 = arith.constant 0 : i32
      %dma_wait3A_146 = arith.constant 0 : i32
      %dma_wait3A_147 = tpu.memref_slice %arg6[%dma_wait3A_144, %dma_wait3A_145, %dma_wait3A_146] : memref<1000x8x128xf32, #tpu.memory_space<vmem_shared>> -> memref<1000x8x128xf32, #tpu.memory_space<vmem_shared>>
      tpu.wait_indirect_dma semaphore(%arg11 : memref<!tpu.dma_semaphore, #tpu.memory_space<semaphore_mem>>) src(%dma_wait3A_147 : memref<1000x8x128xf32, #tpu.memory_space<vmem_shared>>) dst(%arg7 : memref<10x8x128xf32, #tpu.memory_space<vmem>>)
      %add3A_148 = arith.constant 0 : i32
      %add3A_149 = arith.addi %mul3A_138, %add3A_148 : i32
      %mul3A_150 = arith.constant 10 : i32
      %mul3A_151 = arith.muli %add3A_149, %mul3A_150 : i32
      %add3A_152 = arith.addi %mul3A_2, %mul3A_151 : i32
      %dma_start3A_153 = arith.constant 0 : i32
      %dma_start3A_154 = arith.constant 0 : i32
      %dma_start3A_155 = tpu.memref_slice %arg4[%add3A_152, %dma_start3A_153, %dma_start3A_154] : memref<20480x8x128xf32, #tpu.memory_space<hbm>> -> memref<10x8x128xf32, #tpu.memory_space<hbm>>
      %dma_start3A_156 = arith.constant 0 : i32
      %dma_start3A_157 = arith.constant 0 : i32
      %dma_start3A_158 = tpu.memref_slice %arg4[%add3A_152, %dma_start3A_156, %dma_start3A_157] : memref<20480x8x128xf32, #tpu.memory_space<hbm>> -> memref<10x8x128xf32, #tpu.memory_space<hbm>>
      tpu.enqueue_dma source(%arg7 : memref<10x8x128xf32, #tpu.memory_space<vmem>>) target(%dma_start3A_158 : memref<10x8x128xf32, #tpu.memory_space<hbm>>) target_semaphore(%arg15 : memref<!tpu.dma_semaphore, #tpu.memory_space<semaphore_mem>>)
      %add3A_159 = arith.constant 1 : i32
      %add3A_160 = arith.addi %mul3A_138, %add3A_159 : i32
      %dma_wait3A_161 = arith.constant 0 : i32
      %dma_wait3A_162 = tpu.memref_slice %arg5[%add3A_160, %dma_wait3A_161] : memref<64x10xi32, #tpu.memory_space<vmem>> -> memref<1x10xi32, #tpu.memory_space<vmem>>
      %dma_wait3A_163 = tpu.memref_squeeze %dma_wait3A_162 : memref<1x10xi32, #tpu.memory_space<vmem>> -> memref<10xi32, #tpu.memory_space<vmem>>
      %dma_wait3A_164 = arith.constant 0 : i32
      %dma_wait3A_165 = arith.constant 0 : i32
      %dma_wait3A_166 = arith.constant 0 : i32
      %dma_wait3A_167 = tpu.memref_slice %arg6[%dma_wait3A_164, %dma_wait3A_165, %dma_wait3A_166] : memref<1000x8x128xf32, #tpu.memory_space<vmem_shared>> -> memref<1000x8x128xf32, #tpu.memory_space<vmem_shared>>
      tpu.wait_indirect_dma semaphore(%arg12 : memref<!tpu.dma_semaphore, #tpu.memory_space<semaphore_mem>>) src(%dma_wait3A_167 : memref<1000x8x128xf32, #tpu.memory_space<vmem_shared>>) dst(%arg8 : memref<10x8x128xf32, #tpu.memory_space<vmem>>)
      %add3A_168 = arith.constant 1 : i32
      %add3A_169 = arith.addi %mul3A_138, %add3A_168 : i32
      %mul3A_170 = arith.constant 10 : i32
      %mul3A_171 = arith.muli %add3A_169, %mul3A_170 : i32
      %add3A_172 = arith.addi %mul3A_2, %mul3A_171 : i32
      %dma_start3A_173 = arith.constant 0 : i32
      %dma_start3A_174 = arith.constant 0 : i32
      %dma_start3A_175 = tpu.memref_slice %arg4[%add3A_172, %dma_start3A_173, %dma_start3A_174] : memref<20480x8x128xf32, #tpu.memory_space<hbm>> -> memref<10x8x128xf32, #tpu.memory_space<hbm>>
      %dma_start3A_176 = arith.constant 0 : i32
      %dma_start3A_177 = arith.constant 0 : i32
      %dma_start3A_178 = tpu.memref_slice %arg4[%add3A_172, %dma_start3A_176, %dma_start3A_177] : memref<20480x8x128xf32, #tpu.memory_space<hbm>> -> memref<10x8x128xf32, #tpu.memory_space<hbm>>
      tpu.enqueue_dma source(%arg8 : memref<10x8x128xf32, #tpu.memory_space<vmem>>) target(%dma_start3A_178 : memref<10x8x128xf32, #tpu.memory_space<hbm>>) target_semaphore(%arg16 : memref<!tpu.dma_semaphore, #tpu.memory_space<semaphore_mem>>)
      %add3A_179 = arith.constant 2 : i32
      %add3A_180 = arith.addi %mul3A_138, %add3A_179 : i32
      %dma_wait3A_181 = arith.constant 0 : i32
      %dma_wait3A_182 = tpu.memref_slice %arg5[%add3A_180, %dma_wait3A_181] : memref<64x10xi32, #tpu.memory_space<vmem>> -> memref<1x10xi32, #tpu.memory_space<vmem>>
      %dma_wait3A_183 = tpu.memref_squeeze %dma_wait3A_182 : memref<1x10xi32, #tpu.memory_space<vmem>> -> memref<10xi32, #tpu.memory_space<vmem>>
      %dma_wait3A_184 = arith.constant 0 : i32
      %dma_wait3A_185 = arith.constant 0 : i32
      %dma_wait3A_186 = arith.constant 0 : i32
      %dma_wait3A_187 = tpu.memref_slice %arg6[%dma_wait3A_184, %dma_wait3A_185, %dma_wait3A_186] : memref<1000x8x128xf32, #tpu.memory_space<vmem_shared>> -> memref<1000x8x128xf32, #tpu.memory_space<vmem_shared>>
      tpu.wait_indirect_dma semaphore(%arg13 : memref<!tpu.dma_semaphore, #tpu.memory_space<semaphore_mem>>) src(%dma_wait3A_187 : memref<1000x8x128xf32, #tpu.memory_space<vmem_shared>>) dst(%arg9 : memref<10x8x128xf32, #tpu.memory_space<vmem>>)
      %add3A_188 = arith.constant 2 : i32
      %add3A_189 = arith.addi %mul3A_138, %add3A_188 : i32
      %mul3A_190 = arith.constant 10 : i32
      %mul3A_191 = arith.muli %add3A_189, %mul3A_190 : i32
      %add3A_192 = arith.addi %mul3A_2, %mul3A_191 : i32
      %dma_start3A_193 = arith.constant 0 : i32
      %dma_start3A_194 = arith.constant 0 : i32
      %dma_start3A_195 = tpu.memref_slice %arg4[%add3A_192, %dma_start3A_193, %dma_start3A_194] : memref<20480x8x128xf32, #tpu.memory_space<hbm>> -> memref<10x8x128xf32, #tpu.memory_space<hbm>>
      %dma_start3A_196 = arith.constant 0 : i32
      %dma_start3A_197 = arith.constant 0 : i32
      %dma_start3A_198 = tpu.memref_slice %arg4[%add3A_192, %dma_start3A_196, %dma_start3A_197] : memref<20480x8x128xf32, #tpu.memory_space<hbm>> -> memref<10x8x128xf32, #tpu.memory_space<hbm>>
      tpu.enqueue_dma source(%arg9 : memref<10x8x128xf32, #tpu.memory_space<vmem>>) target(%dma_start3A_198 : memref<10x8x128xf32, #tpu.memory_space<hbm>>) target_semaphore(%arg17 : memref<!tpu.dma_semaphore, #tpu.memory_space<semaphore_mem>>)
      %add3A_199 = arith.constant 3 : i32
      %add3A_200 = arith.addi %mul3A_138, %add3A_199 : i32
      %dma_wait3A_201 = arith.constant 0 : i32
      %dma_wait3A_202 = tpu.memref_slice %arg5[%add3A_200, %dma_wait3A_201] : memref<64x10xi32, #tpu.memory_space<vmem>> -> memref<1x10xi32, #tpu.memory_space<vmem>>
      %dma_wait3A_203 = tpu.memref_squeeze %dma_wait3A_202 : memref<1x10xi32, #tpu.memory_space<vmem>> -> memref<10xi32, #tpu.memory_space<vmem>>
      %dma_wait3A_204 = arith.constant 0 : i32
      %dma_wait3A_205 = arith.constant 0 : i32
      %dma_wait3A_206 = arith.constant 0 : i32
      %dma_wait3A_207 = tpu.memref_slice %arg6[%dma_wait3A_204, %dma_wait3A_205, %dma_wait3A_206] : memref<1000x8x128xf32, #tpu.memory_space<vmem_shared>> -> memref<1000x8x128xf32, #tpu.memory_space<vmem_shared>>
      tpu.wait_indirect_dma semaphore(%arg14 : memref<!tpu.dma_semaphore, #tpu.memory_space<semaphore_mem>>) src(%dma_wait3A_207 : memref<1000x8x128xf32, #tpu.memory_space<vmem_shared>>) dst(%arg10 : memref<10x8x128xf32, #tpu.memory_space<vmem>>)
      %add3A_208 = arith.constant 3 : i32
      %add3A_209 = arith.addi %mul3A_138, %add3A_208 : i32
      %mul3A_210 = arith.constant 10 : i32
      %mul3A_211 = arith.muli %add3A_209, %mul3A_210 : i32
      %add3A_212 = arith.addi %mul3A_2, %mul3A_211 : i32
      %dma_start3A_213 = arith.constant 0 : i32
      %dma_start3A_214 = arith.constant 0 : i32
      %dma_start3A_215 = tpu.memref_slice %arg4[%add3A_212, %dma_start3A_213, %dma_start3A_214] : memref<20480x8x128xf32, #tpu.memory_space<hbm>> -> memref<10x8x128xf32, #tpu.memory_space<hbm>>
      %dma_start3A_216 = arith.constant 0 : i32
      %dma_start3A_217 = arith.constant 0 : i32
      %dma_start3A_218 = tpu.memref_slice %arg4[%add3A_212, %dma_start3A_216, %dma_start3A_217] : memref<20480x8x128xf32, #tpu.memory_space<hbm>> -> memref<10x8x128xf32, #tpu.memory_space<hbm>>
      tpu.enqueue_dma source(%arg10 : memref<10x8x128xf32, #tpu.memory_space<vmem>>) target(%dma_start3A_218 : memref<10x8x128xf32, #tpu.memory_space<hbm>>) target_semaphore(%arg18 : memref<!tpu.dma_semaphore, #tpu.memory_space<semaphore_mem>>)
      %add3A_219 = arith.constant 0 : i32
      %add3A_220 = arith.addi %mul3A_138, %add3A_219 : i32
      %mul3A_221 = arith.constant 10 : i32
      %mul3A_222 = arith.muli %add3A_220, %mul3A_221 : i32
      %add3A_223 = arith.addi %mul3A_2, %mul3A_222 : i32
      %dma_wait3A_224 = arith.constant 0 : i32
      %dma_wait3A_225 = arith.constant 0 : i32
      %dma_wait3A_226 = tpu.memref_slice %arg4[%add3A_223, %dma_wait3A_224, %dma_wait3A_225] : memref<20480x8x128xf32, #tpu.memory_space<hbm>> -> memref<10x8x128xf32, #tpu.memory_space<hbm>>
      %dma_wait3A_227 = arith.constant 0 : i32
      %dma_wait3A_228 = arith.constant 0 : i32
      %dma_wait3A_229 = tpu.memref_slice %arg4[%add3A_223, %dma_wait3A_227, %dma_wait3A_228] : memref<20480x8x128xf32, #tpu.memory_space<hbm>> -> memref<10x8x128xf32, #tpu.memory_space<hbm>>
      tpu.wait_dma2 semaphore(%arg15 : memref<!tpu.dma_semaphore, #tpu.memory_space<semaphore_mem>>) src(%arg7 : memref<10x8x128xf32, #tpu.memory_space<vmem>>) dst(%dma_wait3A_229 : memref<10x8x128xf32, #tpu.memory_space<hbm>>)
      %add3A_230 = arith.constant 4 : i32
      %add3A_231 = arith.addi %mul3A_138, %add3A_230 : i32
      %add3A_232 = arith.constant 0 : i32
      %add3A_233 = arith.addi %add3A_231, %add3A_232 : i32
      %dma_start3A_234 = arith.constant 0 : i32
      %dma_start3A_235 = tpu.memref_slice %arg5[%add3A_233, %dma_start3A_234] : memref<64x10xi32, #tpu.memory_space<vmem>> -> memref<1x10xi32, #tpu.memory_space<vmem>>
      %dma_start3A_236 = tpu.memref_squeeze %dma_start3A_235 : memref<1x10xi32, #tpu.memory_space<vmem>> -> memref<10xi32, #tpu.memory_space<vmem>>
      %dma_start3A_237 = arith.constant 0 : i32
      %dma_start3A_238 = arith.constant 0 : i32
      %dma_start3A_239 = arith.constant 0 : i32
      %dma_start3A_240 = tpu.memref_slice %arg6[%dma_start3A_237, %dma_start3A_238, %dma_start3A_239] : memref<1000x8x128xf32, #tpu.memory_space<vmem_shared>> -> memref<1000x8x128xf32, #tpu.memory_space<vmem_shared>>
      tpu.enqueue_indirect_dma source(%dma_start3A_240 : memref<1000x8x128xf32, #tpu.memory_space<vmem_shared>>) target(%arg7 : memref<10x8x128xf32, #tpu.memory_space<vmem>>) offsets(%dma_start3A_236 : memref<10xi32, #tpu.memory_space<vmem>>) semaphore(%arg11 : memref<!tpu.dma_semaphore, #tpu.memory_space<semaphore_mem>>)
      %add3A_241 = arith.constant 1 : i32
      %add3A_242 = arith.addi %mul3A_138, %add3A_241 : i32
      %mul3A_243 = arith.constant 10 : i32
      %mul3A_244 = arith.muli %add3A_242, %mul3A_243 : i32
      %add3A_245 = arith.addi %mul3A_2, %mul3A_244 : i32
      %dma_wait3A_246 = arith.constant 0 : i32
      %dma_wait3A_247 = arith.constant 0 : i32
      %dma_wait3A_248 = tpu.memref_slice %arg4[%add3A_245, %dma_wait3A_246, %dma_wait3A_247] : memref<20480x8x128xf32, #tpu.memory_space<hbm>> -> memref<10x8x128xf32, #tpu.memory_space<hbm>>
      %dma_wait3A_249 = arith.constant 0 : i32
      %dma_wait3A_250 = arith.constant 0 : i32
      %dma_wait3A_251 = tpu.memref_slice %arg4[%add3A_245, %dma_wait3A_249, %dma_wait3A_250] : memref<20480x8x128xf32, #tpu.memory_space<hbm>> -> memref<10x8x128xf32, #tpu.memory_space<hbm>>
      tpu.wait_dma2 semaphore(%arg16 : memref<!tpu.dma_semaphore, #tpu.memory_space<semaphore_mem>>) src(%arg8 : memref<10x8x128xf32, #tpu.memory_space<vmem>>) dst(%dma_wait3A_251 : memref<10x8x128xf32, #tpu.memory_space<hbm>>)
      %add3A_252 = arith.constant 4 : i32
      %add3A_253 = arith.addi %mul3A_138, %add3A_252 : i32
      %add3A_254 = arith.constant 1 : i32
      %add3A_255 = arith.addi %add3A_253, %add3A_254 : i32
      %dma_start3A_256 = arith.constant 0 : i32
      %dma_start3A_257 = tpu.memref_slice %arg5[%add3A_255, %dma_start3A_256] : memref<64x10xi32, #tpu.memory_space<vmem>> -> memref<1x10xi32, #tpu.memory_space<vmem>>
      %dma_start3A_258 = tpu.memref_squeeze %dma_start3A_257 : memref<1x10xi32, #tpu.memory_space<vmem>> -> memref<10xi32, #tpu.memory_space<vmem>>
      %dma_start3A_259 = arith.constant 0 : i32
      %dma_start3A_260 = arith.constant 0 : i32
      %dma_start3A_261 = arith.constant 0 : i32
      %dma_start3A_262 = tpu.memref_slice %arg6[%dma_start3A_259, %dma_start3A_260, %dma_start3A_261] : memref<1000x8x128xf32, #tpu.memory_space<vmem_shared>> -> memref<1000x8x128xf32, #tpu.memory_space<vmem_shared>>
      tpu.enqueue_indirect_dma source(%dma_start3A_262 : memref<1000x8x128xf32, #tpu.memory_space<vmem_shared>>) target(%arg8 : memref<10x8x128xf32, #tpu.memory_space<vmem>>) offsets(%dma_start3A_258 : memref<10xi32, #tpu.memory_space<vmem>>) semaphore(%arg12 : memref<!tpu.dma_semaphore, #tpu.memory_space<semaphore_mem>>)
      %add3A_263 = arith.constant 2 : i32
      %add3A_264 = arith.addi %mul3A_138, %add3A_263 : i32
      %mul3A_265 = arith.constant 10 : i32
      %mul3A_266 = arith.muli %add3A_264, %mul3A_265 : i32
      %add3A_267 = arith.addi %mul3A_2, %mul3A_266 : i32
      %dma_wait3A_268 = arith.constant 0 : i32
      %dma_wait3A_269 = arith.constant 0 : i32
      %dma_wait3A_270 = tpu.memref_slice %arg4[%add3A_267, %dma_wait3A_268, %dma_wait3A_269] : memref<20480x8x128xf32, #tpu.memory_space<hbm>> -> memref<10x8x128xf32, #tpu.memory_space<hbm>>
      %dma_wait3A_271 = arith.constant 0 : i32
      %dma_wait3A_272 = arith.constant 0 : i32
      %dma_wait3A_273 = tpu.memref_slice %arg4[%add3A_267, %dma_wait3A_271, %dma_wait3A_272] : memref<20480x8x128xf32, #tpu.memory_space<hbm>> -> memref<10x8x128xf32, #tpu.memory_space<hbm>>
      tpu.wait_dma2 semaphore(%arg17 : memref<!tpu.dma_semaphore, #tpu.memory_space<semaphore_mem>>) src(%arg9 : memref<10x8x128xf32, #tpu.memory_space<vmem>>) dst(%dma_wait3A_273 : memref<10x8x128xf32, #tpu.memory_space<hbm>>)
      %add3A_274 = arith.constant 4 : i32
      %add3A_275 = arith.addi %mul3A_138, %add3A_274 : i32
      %add3A_276 = arith.constant 2 : i32
      %add3A_277 = arith.addi %add3A_275, %add3A_276 : i32
      %dma_start3A_278 = arith.constant 0 : i32
      %dma_start3A_279 = tpu.memref_slice %arg5[%add3A_277, %dma_start3A_278] : memref<64x10xi32, #tpu.memory_space<vmem>> -> memref<1x10xi32, #tpu.memory_space<vmem>>
      %dma_start3A_280 = tpu.memref_squeeze %dma_start3A_279 : memref<1x10xi32, #tpu.memory_space<vmem>> -> memref<10xi32, #tpu.memory_space<vmem>>
      %dma_start3A_281 = arith.constant 0 : i32
      %dma_start3A_282 = arith.constant 0 : i32
      %dma_start3A_283 = arith.constant 0 : i32
      %dma_start3A_284 = tpu.memref_slice %arg6[%dma_start3A_281, %dma_start3A_282, %dma_start3A_283] : memref<1000x8x128xf32, #tpu.memory_space<vmem_shared>> -> memref<1000x8x128xf32, #tpu.memory_space<vmem_shared>>
      tpu.enqueue_indirect_dma source(%dma_start3A_284 : memref<1000x8x128xf32, #tpu.memory_space<vmem_shared>>) target(%arg9 : memref<10x8x128xf32, #tpu.memory_space<vmem>>) offsets(%dma_start3A_280 : memref<10xi32, #tpu.memory_space<vmem>>) semaphore(%arg13 : memref<!tpu.dma_semaphore, #tpu.memory_space<semaphore_mem>>)
      %add3A_285 = arith.constant 3 : i32
      %add3A_286 = arith.addi %mul3A_138, %add3A_285 : i32
      %mul3A_287 = arith.constant 10 : i32
      %mul3A_288 = arith.muli %add3A_286, %mul3A_287 : i32
      %add3A_289 = arith.addi %mul3A_2, %mul3A_288 : i32
      %dma_wait3A_290 = arith.constant 0 : i32
      %dma_wait3A_291 = arith.constant 0 : i32
      %dma_wait3A_292 = tpu.memref_slice %arg4[%add3A_289, %dma_wait3A_290, %dma_wait3A_291] : memref<20480x8x128xf32, #tpu.memory_space<hbm>> -> memref<10x8x128xf32, #tpu.memory_space<hbm>>
      %dma_wait3A_293 = arith.constant 0 : i32
      %dma_wait3A_294 = arith.constant 0 : i32
      %dma_wait3A_295 = tpu.memref_slice %arg4[%add3A_289, %dma_wait3A_293, %dma_wait3A_294] : memref<20480x8x128xf32, #tpu.memory_space<hbm>> -> memref<10x8x128xf32, #tpu.memory_space<hbm>>
      tpu.wait_dma2 semaphore(%arg18 : memref<!tpu.dma_semaphore, #tpu.memory_space<semaphore_mem>>) src(%arg10 : memref<10x8x128xf32, #tpu.memory_space<vmem>>) dst(%dma_wait3A_295 : memref<10x8x128xf32, #tpu.memory_space<hbm>>)
      %add3A_296 = arith.constant 4 : i32
      %add3A_297 = arith.addi %mul3A_138, %add3A_296 : i32
      %add3A_298 = arith.constant 3 : i32
      %add3A_299 = arith.addi %add3A_297, %add3A_298 : i32
      %dma_start3A_300 = arith.constant 0 : i32
      %dma_start3A_301 = tpu.memref_slice %arg5[%add3A_299, %dma_start3A_300] : memref<64x10xi32, #tpu.memory_space<vmem>> -> memref<1x10xi32, #tpu.memory_space<vmem>>
      %dma_start3A_302 = tpu.memref_squeeze %dma_start3A_301 : memref<1x10xi32, #tpu.memory_space<vmem>> -> memref<10xi32, #tpu.memory_space<vmem>>
      %dma_start3A_303 = arith.constant 0 : i32
      %dma_start3A_304 = arith.constant 0 : i32
      %dma_start3A_305 = arith.constant 0 : i32
      %dma_start3A_306 = tpu.memref_slice %arg6[%dma_start3A_303, %dma_start3A_304, %dma_start3A_305] : memref<1000x8x128xf32, #tpu.memory_space<vmem_shared>> -> memref<1000x8x128xf32, #tpu.memory_space<vmem_shared>>
      tpu.enqueue_indirect_dma source(%dma_start3A_306 : memref<1000x8x128xf32, #tpu.memory_space<vmem_shared>>) target(%arg10 : memref<10x8x128xf32, #tpu.memory_space<vmem>>) offsets(%dma_start3A_302 : memref<10xi32, #tpu.memory_space<vmem>>) semaphore(%arg14 : memref<!tpu.dma_semaphore, #tpu.memory_space<semaphore_mem>>)
    }
    %scan3A_40 = arith.constant 15 : i32
    %dma_wait3A = arith.constant 60 : i32
    %dma_wait3A_41 = arith.constant 0 : i32
    %dma_wait3A_42 = tpu.memref_slice %arg5[%dma_wait3A, %dma_wait3A_41] : memref<64x10xi32, #tpu.memory_space<vmem>> -> memref<1x10xi32, #tpu.memory_space<vmem>>
    %dma_wait3A_43 = tpu.memref_squeeze %dma_wait3A_42 : memref<1x10xi32, #tpu.memory_space<vmem>> -> memref<10xi32, #tpu.memory_space<vmem>>
    %dma_wait3A_44 = arith.constant 0 : i32
    %dma_wait3A_45 = arith.constant 0 : i32
    %dma_wait3A_46 = arith.constant 0 : i32
    %dma_wait3A_47 = tpu.memref_slice %arg6[%dma_wait3A_44, %dma_wait3A_45, %dma_wait3A_46] : memref<1000x8x128xf32, #tpu.memory_space<vmem_shared>> -> memref<1000x8x128xf32, #tpu.memory_space<vmem_shared>>
    tpu.wait_indirect_dma semaphore(%arg11 : memref<!tpu.dma_semaphore, #tpu.memory_space<semaphore_mem>>) src(%dma_wait3A_47 : memref<1000x8x128xf32, #tpu.memory_space<vmem_shared>>) dst(%arg7 : memref<10x8x128xf32, #tpu.memory_space<vmem>>)
    %add3A_48 = arith.constant 600 : i32
    %add3A_49 = arith.addi %mul3A_2, %add3A_48 : i32
    %dma_start3A_50 = arith.constant 0 : i32
    %dma_start3A_51 = arith.constant 0 : i32
    %dma_start3A_52 = tpu.memref_slice %arg4[%add3A_49, %dma_start3A_50, %dma_start3A_51] : memref<20480x8x128xf32, #tpu.memory_space<hbm>> -> memref<10x8x128xf32, #tpu.memory_space<hbm>>
    %dma_start3A_53 = arith.constant 0 : i32
    %dma_start3A_54 = arith.constant 0 : i32
    %dma_start3A_55 = tpu.memref_slice %arg4[%add3A_49, %dma_start3A_53, %dma_start3A_54] : memref<20480x8x128xf32, #tpu.memory_space<hbm>> -> memref<10x8x128xf32, #tpu.memory_space<hbm>>
    tpu.enqueue_dma source(%arg7 : memref<10x8x128xf32, #tpu.memory_space<vmem>>) target(%dma_start3A_55 : memref<10x8x128xf32, #tpu.memory_space<hbm>>) target_semaphore(%arg15 : memref<!tpu.dma_semaphore, #tpu.memory_space<semaphore_mem>>)
    %dma_wait3A_56 = arith.constant 61 : i32
    %dma_wait3A_57 = arith.constant 0 : i32
    %dma_wait3A_58 = tpu.memref_slice %arg5[%dma_wait3A_56, %dma_wait3A_57] : memref<64x10xi32, #tpu.memory_space<vmem>> -> memref<1x10xi32, #tpu.memory_space<vmem>>
    %dma_wait3A_59 = tpu.memref_squeeze %dma_wait3A_58 : memref<1x10xi32, #tpu.memory_space<vmem>> -> memref<10xi32, #tpu.memory_space<vmem>>
    %dma_wait3A_60 = arith.constant 0 : i32
    %dma_wait3A_61 = arith.constant 0 : i32
    %dma_wait3A_62 = arith.constant 0 : i32
    %dma_wait3A_63 = tpu.memref_slice %arg6[%dma_wait3A_60, %dma_wait3A_61, %dma_wait3A_62] : memref<1000x8x128xf32, #tpu.memory_space<vmem_shared>> -> memref<1000x8x128xf32, #tpu.memory_space<vmem_shared>>
    tpu.wait_indirect_dma semaphore(%arg12 : memref<!tpu.dma_semaphore, #tpu.memory_space<semaphore_mem>>) src(%dma_wait3A_63 : memref<1000x8x128xf32, #tpu.memory_space<vmem_shared>>) dst(%arg8 : memref<10x8x128xf32, #tpu.memory_space<vmem>>)
    %add3A_64 = arith.constant 610 : i32
    %add3A_65 = arith.addi %mul3A_2, %add3A_64 : i32
    %dma_start3A_66 = arith.constant 0 : i32
    %dma_start3A_67 = arith.constant 0 : i32
    %dma_start3A_68 = tpu.memref_slice %arg4[%add3A_65, %dma_start3A_66, %dma_start3A_67] : memref<20480x8x128xf32, #tpu.memory_space<hbm>> -> memref<10x8x128xf32, #tpu.memory_space<hbm>>
    %dma_start3A_69 = arith.constant 0 : i32
    %dma_start3A_70 = arith.constant 0 : i32
    %dma_start3A_71 = tpu.memref_slice %arg4[%add3A_65, %dma_start3A_69, %dma_start3A_70] : memref<20480x8x128xf32, #tpu.memory_space<hbm>> -> memref<10x8x128xf32, #tpu.memory_space<hbm>>
    tpu.enqueue_dma source(%arg8 : memref<10x8x128xf32, #tpu.memory_space<vmem>>) target(%dma_start3A_71 : memref<10x8x128xf32, #tpu.memory_space<hbm>>) target_semaphore(%arg16 : memref<!tpu.dma_semaphore, #tpu.memory_space<semaphore_mem>>)
    %dma_wait3A_72 = arith.constant 62 : i32
    %dma_wait3A_73 = arith.constant 0 : i32
    %dma_wait3A_74 = tpu.memref_slice %arg5[%dma_wait3A_72, %dma_wait3A_73] : memref<64x10xi32, #tpu.memory_space<vmem>> -> memref<1x10xi32, #tpu.memory_space<vmem>>
    %dma_wait3A_75 = tpu.memref_squeeze %dma_wait3A_74 : memref<1x10xi32, #tpu.memory_space<vmem>> -> memref<10xi32, #tpu.memory_space<vmem>>
    %dma_wait3A_76 = arith.constant 0 : i32
    %dma_wait3A_77 = arith.constant 0 : i32
    %dma_wait3A_78 = arith.constant 0 : i32
    %dma_wait3A_79 = tpu.memref_slice %arg6[%dma_wait3A_76, %dma_wait3A_77, %dma_wait3A_78] : memref<1000x8x128xf32, #tpu.memory_space<vmem_shared>> -> memref<1000x8x128xf32, #tpu.memory_space<vmem_shared>>
    tpu.wait_indirect_dma semaphore(%arg13 : memref<!tpu.dma_semaphore, #tpu.memory_space<semaphore_mem>>) src(%dma_wait3A_79 : memref<1000x8x128xf32, #tpu.memory_space<vmem_shared>>) dst(%arg9 : memref<10x8x128xf32, #tpu.memory_space<vmem>>)
    %add3A_80 = arith.constant 620 : i32
    %add3A_81 = arith.addi %mul3A_2, %add3A_80 : i32
    %dma_start3A_82 = arith.constant 0 : i32
    %dma_start3A_83 = arith.constant 0 : i32
    %dma_start3A_84 = tpu.memref_slice %arg4[%add3A_81, %dma_start3A_82, %dma_start3A_83] : memref<20480x8x128xf32, #tpu.memory_space<hbm>> -> memref<10x8x128xf32, #tpu.memory_space<hbm>>
    %dma_start3A_85 = arith.constant 0 : i32
    %dma_start3A_86 = arith.constant 0 : i32
    %dma_start3A_87 = tpu.memref_slice %arg4[%add3A_81, %dma_start3A_85, %dma_start3A_86] : memref<20480x8x128xf32, #tpu.memory_space<hbm>> -> memref<10x8x128xf32, #tpu.memory_space<hbm>>
    tpu.enqueue_dma source(%arg9 : memref<10x8x128xf32, #tpu.memory_space<vmem>>) target(%dma_start3A_87 : memref<10x8x128xf32, #tpu.memory_space<hbm>>) target_semaphore(%arg17 : memref<!tpu.dma_semaphore, #tpu.memory_space<semaphore_mem>>)
    %dma_wait3A_88 = arith.constant 63 : i32
    %dma_wait3A_89 = arith.constant 0 : i32
    %dma_wait3A_90 = tpu.memref_slice %arg5[%dma_wait3A_88, %dma_wait3A_89] : memref<64x10xi32, #tpu.memory_space<vmem>> -> memref<1x10xi32, #tpu.memory_space<vmem>>
    %dma_wait3A_91 = tpu.memref_squeeze %dma_wait3A_90 : memref<1x10xi32, #tpu.memory_space<vmem>> -> memref<10xi32, #tpu.memory_space<vmem>>
    %dma_wait3A_92 = arith.constant 0 : i32
    %dma_wait3A_93 = arith.constant 0 : i32
    %dma_wait3A_94 = arith.constant 0 : i32
    %dma_wait3A_95 = tpu.memref_slice %arg6[%dma_wait3A_92, %dma_wait3A_93, %dma_wait3A_94] : memref<1000x8x128xf32, #tpu.memory_space<vmem_shared>> -> memref<1000x8x128xf32, #tpu.memory_space<vmem_shared>>
    tpu.wait_indirect_dma semaphore(%arg14 : memref<!tpu.dma_semaphore, #tpu.memory_space<semaphore_mem>>) src(%dma_wait3A_95 : memref<1000x8x128xf32, #tpu.memory_space<vmem_shared>>) dst(%arg10 : memref<10x8x128xf32, #tpu.memory_space<vmem>>)
    %add3A_96 = arith.constant 630 : i32
    %add3A_97 = arith.addi %mul3A_2, %add3A_96 : i32
    %dma_start3A_98 = arith.constant 0 : i32
    %dma_start3A_99 = arith.constant 0 : i32
    %dma_start3A_100 = tpu.memref_slice %arg4[%add3A_97, %dma_start3A_98, %dma_start3A_99] : memref<20480x8x128xf32, #tpu.memory_space<hbm>> -> memref<10x8x128xf32, #tpu.memory_space<hbm>>
    %dma_start3A_101 = arith.constant 0 : i32
    %dma_start3A_102 = arith.constant 0 : i32
    %dma_start3A_103 = tpu.memref_slice %arg4[%add3A_97, %dma_start3A_101, %dma_start3A_102] : memref<20480x8x128xf32, #tpu.memory_space<hbm>> -> memref<10x8x128xf32, #tpu.memory_space<hbm>>
    tpu.enqueue_dma source(%arg10 : memref<10x8x128xf32, #tpu.memory_space<vmem>>) target(%dma_start3A_103 : memref<10x8x128xf32, #tpu.memory_space<hbm>>) target_semaphore(%arg18 : memref<!tpu.dma_semaphore, #tpu.memory_space<semaphore_mem>>)
    %add3A_104 = arith.constant 600 : i32
    %add3A_105 = arith.addi %mul3A_2, %add3A_104 : i32
    %dma_wait3A_106 = arith.constant 0 : i32
    %dma_wait3A_107 = arith.constant 0 : i32
    %dma_wait3A_108 = tpu.memref_slice %arg4[%add3A_105, %dma_wait3A_106, %dma_wait3A_107] : memref<20480x8x128xf32, #tpu.memory_space<hbm>> -> memref<10x8x128xf32, #tpu.memory_space<hbm>>
    %dma_wait3A_109 = arith.constant 0 : i32
    %dma_wait3A_110 = arith.constant 0 : i32
    %dma_wait3A_111 = tpu.memref_slice %arg4[%add3A_105, %dma_wait3A_109, %dma_wait3A_110] : memref<20480x8x128xf32, #tpu.memory_space<hbm>> -> memref<10x8x128xf32, #tpu.memory_space<hbm>>
    tpu.wait_dma2 semaphore(%arg15 : memref<!tpu.dma_semaphore, #tpu.memory_space<semaphore_mem>>) src(%arg7 : memref<10x8x128xf32, #tpu.memory_space<vmem>>) dst(%dma_wait3A_111 : memref<10x8x128xf32, #tpu.memory_space<hbm>>)
    %add3A_112 = arith.constant 610 : i32
    %add3A_113 = arith.addi %mul3A_2, %add3A_112 : i32
    %dma_wait3A_114 = arith.constant 0 : i32
    %dma_wait3A_115 = arith.constant 0 : i32
    %dma_wait3A_116 = tpu.memref_slice %arg4[%add3A_113, %dma_wait3A_114, %dma_wait3A_115] : memref<20480x8x128xf32, #tpu.memory_space<hbm>> -> memref<10x8x128xf32, #tpu.memory_space<hbm>>
    %dma_wait3A_117 = arith.constant 0 : i32
    %dma_wait3A_118 = arith.constant 0 : i32
    %dma_wait3A_119 = tpu.memref_slice %arg4[%add3A_113, %dma_wait3A_117, %dma_wait3A_118] : memref<20480x8x128xf32, #tpu.memory_space<hbm>> -> memref<10x8x128xf32, #tpu.memory_space<hbm>>
    tpu.wait_dma2 semaphore(%arg16 : memref<!tpu.dma_semaphore, #tpu.memory_space<semaphore_mem>>) src(%arg8 : memref<10x8x128xf32, #tpu.memory_space<vmem>>) dst(%dma_wait3A_119 : memref<10x8x128xf32, #tpu.memory_space<hbm>>)
    %add3A_120 = arith.constant 620 : i32
    %add3A_121 = arith.addi %mul3A_2, %add3A_120 : i32
    %dma_wait3A_122 = arith.constant 0 : i32
    %dma_wait3A_123 = arith.constant 0 : i32
    %dma_wait3A_124 = tpu.memref_slice %arg4[%add3A_121, %dma_wait3A_122, %dma_wait3A_123] : memref<20480x8x128xf32, #tpu.memory_space<hbm>> -> memref<10x8x128xf32, #tpu.memory_space<hbm>>
    %dma_wait3A_125 = arith.constant 0 : i32
    %dma_wait3A_126 = arith.constant 0 : i32
    %dma_wait3A_127 = tpu.memref_slice %arg4[%add3A_121, %dma_wait3A_125, %dma_wait3A_126] : memref<20480x8x128xf32, #tpu.memory_space<hbm>> -> memref<10x8x128xf32, #tpu.memory_space<hbm>>
    tpu.wait_dma2 semaphore(%arg17 : memref<!tpu.dma_semaphore, #tpu.memory_space<semaphore_mem>>) src(%arg9 : memref<10x8x128xf32, #tpu.memory_space<vmem>>) dst(%dma_wait3A_127 : memref<10x8x128xf32, #tpu.memory_space<hbm>>)
    %add3A_128 = arith.constant 630 : i32
    %add3A_129 = arith.addi %mul3A_2, %add3A_128 : i32
    %dma_wait3A_130 = arith.constant 0 : i32
    %dma_wait3A_131 = arith.constant 0 : i32
    %dma_wait3A_132 = tpu.memref_slice %arg4[%add3A_129, %dma_wait3A_130, %dma_wait3A_131] : memref<20480x8x128xf32, #tpu.memory_space<hbm>> -> memref<10x8x128xf32, #tpu.memory_space<hbm>>
    %dma_wait3A_133 = arith.constant 0 : i32
    %dma_wait3A_134 = arith.constant 0 : i32
    %dma_wait3A_135 = tpu.memref_slice %arg4[%add3A_129, %dma_wait3A_133, %dma_wait3A_134] : memref<20480x8x128xf32, #tpu.memory_space<hbm>> -> memref<10x8x128xf32, #tpu.memory_space<hbm>>
    tpu.wait_dma2 semaphore(%arg18 : memref<!tpu.dma_semaphore, #tpu.memory_space<semaphore_mem>>) src(%arg10 : memref<10x8x128xf32, #tpu.memory_space<vmem>>) dst(%dma_wait3A_135 : memref<10x8x128xf32, #tpu.memory_space<hbm>>)
    return
  }
}

#map = affine_map<(d0, d1) -> (0, 0, 0)>
module attributes {stable_mosaic.version = 14 : i64} {
  func.func @_gather_body(%arg0: i32, %arg1: i32, %arg2: memref<1000x8x128xf32, #tpu.memory_space<hbm>>, %arg3: memref<32x64x10xi32, #tpu.memory_space<hbm>>, %arg4: memref<20480x8x128xf32, #tpu.memory_space<hbm>>, %arg5: memref<64x10xi32, #tpu.memory_space<vmem>>, %arg6: memref<1000x8x128xf32, #tpu.memory_space<vmem_shared>>, %arg7: memref<10x8x128xf32, #tpu.memory_space<vmem>>, %arg8: memref<10x8x128xf32, #tpu.memory_space<vmem>>, %arg9: memref<10x8x128xf32, #tpu.memory_space<vmem>>, %arg10: memref<10x8x128xf32, #tpu.memory_space<vmem>>, %arg11: memref<!tpu.dma_semaphore, #tpu.memory_space<semaphore_mem>>, %arg12: memref<!tpu.dma_semaphore, #tpu.memory_space<semaphore_mem>>, %arg13: memref<!tpu.dma_semaphore, #tpu.memory_space<semaphore_mem>>, %arg14: memref<!tpu.dma_semaphore, #tpu.memory_space<semaphore_mem>>, %arg15: memref<!tpu.dma_semaphore, #tpu.memory_space<semaphore_mem>>, %arg16: memref<!tpu.dma_semaphore, #tpu.memory_space<semaphore_mem>>, %arg17: memref<!tpu.dma_semaphore, #tpu.memory_space<semaphore_mem>>, %arg18: memref<!tpu.dma_semaphore, #tpu.memory_space<semaphore_mem>>) attributes {dimension_semantics = [#tpu.dimension_semantics<core_parallel>, #tpu.dimension_semantics<subcore_parallel>], iteration_bounds = array<i64: 2, 16>, scalar_prefetch = 0 : i64, scratch_operands = 14 : i64, tpu.core_type = #tpu.core_type<sc_vector_subcore>, window_params = [{transform_indices = #map}, {transform_indices = #map}, {transform_indices = #map}]} {
    %mul3A = arith.constant 2 : i32
    %mul3A_0 = arith.muli %arg1, %mul3A : i32
    %add3A = arith.addi %mul3A_0, %arg0 : i32
    %mul3A_1 = arith.constant 640 : i32
    %mul3A_2 = arith.muli %add3A, %mul3A_1 : i32
    %eq3A = arith.constant 0 : i32
    %eq3A_3 = arith.cmpi eq, %arg1, %eq3A : i32
    %convert_element_type3A = arith.extui %eq3A_3 : i1 to i32
    %cond3A = arith.constant 0 : i32
    %cond3A_4 = arith.cmpi ne, %convert_element_type3A, %cond3A : i32
    scf.if %cond3A_4 {
      "tpu.region"() ({
        %run_scoped3A = tpu.sem_alloc : memref<!tpu.dma_semaphore, #tpu.memory_space<semaphore_mem>>
        tpu.enqueue_dma source(%arg2 : memref<1000x8x128xf32, #tpu.memory_space<hbm>>) target(%arg6 : memref<1000x8x128xf32, #tpu.memory_space<vmem_shared>>) target_semaphore(%run_scoped3A : memref<!tpu.dma_semaphore, #tpu.memory_space<semaphore_mem>>)
        tpu.wait_dma2 semaphore(%run_scoped3A : memref<!tpu.dma_semaphore, #tpu.memory_space<semaphore_mem>>) src(%arg2 : memref<1000x8x128xf32, #tpu.memory_space<hbm>>) dst(%arg6 : memref<1000x8x128xf32, #tpu.memory_space<vmem_shared>>)
        tpu.yield
      }) : () -> ()
    } else {
    }
    %barrier3A = arith.constant 0 : index
    tpu.barrier barrier_id(%barrier3A)
    "tpu.region"() ({
      %run_scoped3A = tpu.sem_alloc : memref<!tpu.dma_semaphore, #tpu.memory_space<semaphore_mem>>
      %dma_start3A_136 = arith.constant 0 : i32
      %dma_start3A_137 = arith.constant 0 : i32
      %dma_start3A_138 = tpu.memref_slice %arg3[%add3A, %dma_start3A_136, %dma_start3A_137] : memref<32x64x10xi32, #tpu.memory_space<hbm>> -> memref<1x64x10xi32, #tpu.memory_space<hbm>>
      %dma_start3A_139 = tpu.memref_squeeze %dma_start3A_138 : memref<1x64x10xi32, #tpu.memory_space<hbm>> -> memref<64x10xi32, #tpu.memory_space<hbm>>
      %dma_start3A_140 = arith.constant 0 : i32
      %dma_start3A_141 = arith.constant 0 : i32
      %dma_start3A_142 = tpu.memref_slice %arg3[%add3A, %dma_start3A_140, %dma_start3A_141] : memref<32x64x10xi32, #tpu.memory_space<hbm>> -> memref<1x64x10xi32, #tpu.memory_space<hbm>>
      %dma_start3A_143 = tpu.memref_squeeze %dma_start3A_142 : memref<1x64x10xi32, #tpu.memory_space<hbm>> -> memref<64x10xi32, #tpu.memory_space<hbm>>
      tpu.enqueue_dma source(%dma_start3A_143 : memref<64x10xi32, #tpu.memory_space<hbm>>) target(%arg5 : memref<64x10xi32, #tpu.memory_space<vmem>>) target_semaphore(%run_scoped3A : memref<!tpu.dma_semaphore, #tpu.memory_space<semaphore_mem>>)
      %dma_wait3A_144 = arith.constant 0 : i32
      %dma_wait3A_145 = arith.constant 0 : i32
      %dma_wait3A_146 = tpu.memref_slice %arg3[%add3A, %dma_wait3A_144, %dma_wait3A_145] : memref<32x64x10xi32, #tpu.memory_space<hbm>> -> memref<1x64x10xi32, #tpu.memory_space<hbm>>
      %dma_wait3A_147 = tpu.memref_squeeze %dma_wait3A_146 : memref<1x64x10xi32, #tpu.memory_space<hbm>> -> memref<64x10xi32, #tpu.memory_space<hbm>>
      %dma_wait3A_148 = arith.constant 0 : i32
      %dma_wait3A_149 = arith.constant 0 : i32
      %dma_wait3A_150 = tpu.memref_slice %arg3[%add3A, %dma_wait3A_148, %dma_wait3A_149] : memref<32x64x10xi32, #tpu.memory_space<hbm>> -> memref<1x64x10xi32, #tpu.memory_space<hbm>>
      %dma_wait3A_151 = tpu.memref_squeeze %dma_wait3A_150 : memref<1x64x10xi32, #tpu.memory_space<hbm>> -> memref<64x10xi32, #tpu.memory_space<hbm>>
      tpu.wait_dma2 semaphore(%run_scoped3A : memref<!tpu.dma_semaphore, #tpu.memory_space<semaphore_mem>>) src(%dma_wait3A_151 : memref<64x10xi32, #tpu.memory_space<hbm>>) dst(%arg5 : memref<64x10xi32, #tpu.memory_space<vmem>>)
      tpu.yield
    }) : () -> ()
    %dma_start3A = arith.constant 0 : i32
    %dma_start3A_5 = arith.constant 0 : i32
    %dma_start3A_6 = tpu.memref_slice %arg5[%dma_start3A, %dma_start3A_5] : memref<64x10xi32, #tpu.memory_space<vmem>> -> memref<1x10xi32, #tpu.memory_space<vmem>>
    %dma_start3A_7 = tpu.memref_squeeze %dma_start3A_6 : memref<1x10xi32, #tpu.memory_space<vmem>> -> memref<10xi32, #tpu.memory_space<vmem>>
    %dma_start3A_8 = arith.constant 0 : i32
    %dma_start3A_9 = arith.constant 0 : i32
    %dma_start3A_10 = arith.constant 0 : i32
    %dma_start3A_11 = tpu.memref_slice %arg6[%dma_start3A_8, %dma_start3A_9, %dma_start3A_10] : memref<1000x8x128xf32, #tpu.memory_space<vmem_shared>> -> memref<1000x8x128xf32, #tpu.memory_space<vmem_shared>>
    tpu.enqueue_indirect_dma source(%dma_start3A_11 : memref<1000x8x128xf32, #tpu.memory_space<vmem_shared>>) target(%arg7 : memref<10x8x128xf32, #tpu.memory_space<vmem>>) offsets(%dma_start3A_7 : memref<10xi32, #tpu.memory_space<vmem>>) semaphore(%arg11 : memref<!tpu.dma_semaphore, #tpu.memory_space<semaphore_mem>>)
    %dma_start3A_12 = arith.constant 1 : i32
    %dma_start3A_13 = arith.constant 0 : i32
    %dma_start3A_14 = tpu.memref_slice %arg5[%dma_start3A_12, %dma_start3A_13] : memref<64x10xi32, #tpu.memory_space<vmem>> -> memref<1x10xi32, #tpu.memory_space<vmem>>
    %dma_start3A_15 = tpu.memref_squeeze %dma_start3A_14 : memref<1x10xi32, #tpu.memory_space<vmem>> -> memref<10xi32, #tpu.memory_space<vmem>>
    %dma_start3A_16 = arith.constant 0 : i32
    %dma_start3A_17 = arith.constant 0 : i32
    %dma_start3A_18 = arith.constant 0 : i32
    %dma_start3A_19 = tpu.memref_slice %arg6[%dma_start3A_16, %dma_start3A_17, %dma_start3A_18] : memref<1000x8x128xf32, #tpu.memory_space<vmem_shared>> -> memref<1000x8x128xf32, #tpu.memory_space<vmem_shared>>
    tpu.enqueue_indirect_dma source(%dma_start3A_19 : memref<1000x8x128xf32, #tpu.memory_space<vmem_shared>>) target(%arg8 : memref<10x8x128xf32, #tpu.memory_space<vmem>>) offsets(%dma_start3A_15 : memref<10xi32, #tpu.memory_space<vmem>>) semaphore(%arg12 : memref<!tpu.dma_semaphore, #tpu.memory_space<semaphore_mem>>)
    %dma_start3A_20 = arith.constant 2 : i32
    %dma_start3A_21 = arith.constant 0 : i32
    %dma_start3A_22 = tpu.memref_slice %arg5[%dma_start3A_20, %dma_start3A_21] : memref<64x10xi32, #tpu.memory_space<vmem>> -> memref<1x10xi32, #tpu.memory_space<vmem>>
    %dma_start3A_23 = tpu.memref_squeeze %dma_start3A_22 : memref<1x10xi32, #tpu.memory_space<vmem>> -> memref<10xi32, #tpu.memory_space<vmem>>
    %dma_start3A_24 = arith.constant 0 : i32
    %dma_start3A_25 = arith.constant 0 : i32
    %dma_start3A_26 = arith.constant 0 : i32
    %dma_start3A_27 = tpu.memref_slice %arg6[%dma_start3A_24, %dma_start3A_25, %dma_start3A_26] : memref<1000x8x128xf32, #tpu.memory_space<vmem_shared>> -> memref<1000x8x128xf32, #tpu.memory_space<vmem_shared>>
    tpu.enqueue_indirect_dma source(%dma_start3A_27 : memref<1000x8x128xf32, #tpu.memory_space<vmem_shared>>) target(%arg9 : memref<10x8x128xf32, #tpu.memory_space<vmem>>) offsets(%dma_start3A_23 : memref<10xi32, #tpu.memory_space<vmem>>) semaphore(%arg13 : memref<!tpu.dma_semaphore, #tpu.memory_space<semaphore_mem>>)
    %dma_start3A_28 = arith.constant 3 : i32
    %dma_start3A_29 = arith.constant 0 : i32
    %dma_start3A_30 = tpu.memref_slice %arg5[%dma_start3A_28, %dma_start3A_29] : memref<64x10xi32, #tpu.memory_space<vmem>> -> memref<1x10xi32, #tpu.memory_space<vmem>>
    %dma_start3A_31 = tpu.memref_squeeze %dma_start3A_30 : memref<1x10xi32, #tpu.memory_space<vmem>> -> memref<10xi32, #tpu.memory_space<vmem>>
    %dma_start3A_32 = arith.constant 0 : i32
    %dma_start3A_33 = arith.constant 0 : i32
    %dma_start3A_34 = arith.constant 0 : i32
    %dma_start3A_35 = tpu.memref_slice %arg6[%dma_start3A_32, %dma_start3A_33, %dma_start3A_34] : memref<1000x8x128xf32, #tpu.memory_space<vmem_shared>> -> memref<1000x8x128xf32, #tpu.memory_space<vmem_shared>>
    tpu.enqueue_indirect_dma source(%dma_start3A_35 : memref<1000x8x128xf32, #tpu.memory_space<vmem_shared>>) target(%arg10 : memref<10x8x128xf32, #tpu.memory_space<vmem>>) offsets(%dma_start3A_31 : memref<10xi32, #tpu.memory_space<vmem>>) semaphore(%arg14 : memref<!tpu.dma_semaphore, #tpu.memory_space<semaphore_mem>>)
    %scan3A = arith.constant 0 : i32
    %scan3A_36 = arith.constant 0 : i32
    %scan3A_37 = arith.constant 15 : i32
    %scan3A_38 = arith.addi %scan3A_36, %scan3A_37 : i32
    %scan3A_39 = arith.constant 1 : i32
    scf.for %scan3A_136 = %scan3A_36 to %scan3A_38 step %scan3A_39  : i32 {
      %mul3A_137 = arith.constant 4 : i32
      %mul3A_138 = arith.muli %scan3A_136, %mul3A_137 : i32
      %add3A_139 = arith.constant 0 : i32
      %add3A_140 = arith.addi %mul3A_138, %add3A_139 : i32
      %dma_wait3A_141 = arith.constant 0 : i32
      %dma_wait3A_142 = tpu.memref_slice %arg5[%add3A_140, %dma_wait3A_141] : memref<64x10xi32, #tpu.memory_space<vmem>> -> memref<1x10xi32, #tpu.memory_space<vmem>>
      %dma_wait3A_143 = tpu.memref_squeeze %dma_wait3A_142 : memref<1x10xi32, #tpu.memory_space<vmem>> -> memref<10xi32, #tpu.memory_space<vmem>>
      %dma_wait3A_144 = arith.constant 0 : i32
      %dma_wait3A_145 = arith.constant 0 : i32
      %dma_wait3A_146 = arith.constant 0 : i32
      %dma_wait3A_147 = tpu.memref_slice %arg6[%dma_wait3A_144, %dma_wait3A_145, %dma_wait3A_146] : memref<1000x8x128xf32, #tpu.memory_space<vmem_shared>> -> memref<1000x8x128xf32, #tpu.memory_space<vmem_shared>>
      tpu.wait_indirect_dma semaphore(%arg11 : memref<!tpu.dma_semaphore, #tpu.memory_space<semaphore_mem>>) src(%dma_wait3A_147 : memref<1000x8x128xf32, #tpu.memory_space<vmem_shared>>) dst(%arg7 : memref<10x8x128xf32, #tpu.memory_space<vmem>>)
      %add3A_148 = arith.constant 0 : i32
      %add3A_149 = arith.addi %mul3A_138, %add3A_148 : i32
      %mul3A_150 = arith.constant 10 : i32
      %mul3A_151 = arith.muli %add3A_149, %mul3A_150 : i32
      %add3A_152 = arith.addi %mul3A_2, %mul3A_151 : i32
      %dma_start3A_153 = arith.constant 0 : i32
      %dma_start3A_154 = arith.constant 0 : i32
      %dma_start3A_155 = tpu.memref_slice %arg4[%add3A_152, %dma_start3A_153, %dma_start3A_154] : memref<20480x8x128xf32, #tpu.memory_space<hbm>> -> memref<10x8x128xf32, #tpu.memory_space<hbm>>
      %dma_start3A_156 = arith.constant 0 : i32
      %dma_start3A_157 = arith.constant 0 : i32
      %dma_start3A_158 = tpu.memref_slice %arg4[%add3A_152, %dma_start3A_156, %dma_start3A_157] : memref<20480x8x128xf32, #tpu.memory_space<hbm>> -> memref<10x8x128xf32, #tpu.memory_space<hbm>>
      tpu.enqueue_dma source(%arg7 : memref<10x8x128xf32, #tpu.memory_space<vmem>>) target(%dma_start3A_158 : memref<10x8x128xf32, #tpu.memory_space<hbm>>) target_semaphore(%arg15 : memref<!tpu.dma_semaphore, #tpu.memory_space<semaphore_mem>>)
      %add3A_159 = arith.constant 1 : i32
      %add3A_160 = arith.addi %mul3A_138, %add3A_159 : i32
      %dma_wait3A_161 = arith.constant 0 : i32
      %dma_wait3A_162 = tpu.memref_slice %arg5[%add3A_160, %dma_wait3A_161] : memref<64x10xi32, #tpu.memory_space<vmem>> -> memref<1x10xi32, #tpu.memory_space<vmem>>
      %dma_wait3A_163 = tpu.memref_squeeze %dma_wait3A_162 : memref<1x10xi32, #tpu.memory_space<vmem>> -> memref<10xi32, #tpu.memory_space<vmem>>
      %dma_wait3A_164 = arith.constant 0 : i32
      %dma_wait3A_165 = arith.constant 0 : i32
      %dma_wait3A_166 = arith.constant 0 : i32
      %dma_wait3A_167 = tpu.memref_slice %arg6[%dma_wait3A_164, %dma_wait3A_165, %dma_wait3A_166] : memref<1000x8x128xf32, #tpu.memory_space<vmem_shared>> -> memref<1000x8x128xf32, #tpu.memory_space<vmem_shared>>
      tpu.wait_indirect_dma semaphore(%arg12 : memref<!tpu.dma_semaphore, #tpu.memory_space<semaphore_mem>>) src(%dma_wait3A_167 : memref<1000x8x128xf32, #tpu.memory_space<vmem_shared>>) dst(%arg8 : memref<10x8x128xf32, #tpu.memory_space<vmem>>)
      %add3A_168 = arith.constant 1 : i32
      %add3A_169 = arith.addi %mul3A_138, %add3A_168 : i32
      %mul3A_170 = arith.constant 10 : i32
      %mul3A_171 = arith.muli %add3A_169, %mul3A_170 : i32
      %add3A_172 = arith.addi %mul3A_2, %mul3A_171 : i32
      %dma_start3A_173 = arith.constant 0 : i32
      %dma_start3A_174 = arith.constant 0 : i32
      %dma_start3A_175 = tpu.memref_slice %arg4[%add3A_172, %dma_start3A_173, %dma_start3A_174] : memref<20480x8x128xf32, #tpu.memory_space<hbm>> -> memref<10x8x128xf32, #tpu.memory_space<hbm>>
      %dma_start3A_176 = arith.constant 0 : i32
      %dma_start3A_177 = arith.constant 0 : i32
      %dma_start3A_178 = tpu.memref_slice %arg4[%add3A_172, %dma_start3A_176, %dma_start3A_177] : memref<20480x8x128xf32, #tpu.memory_space<hbm>> -> memref<10x8x128xf32, #tpu.memory_space<hbm>>
      tpu.enqueue_dma source(%arg8 : memref<10x8x128xf32, #tpu.memory_space<vmem>>) target(%dma_start3A_178 : memref<10x8x128xf32, #tpu.memory_space<hbm>>) target_semaphore(%arg16 : memref<!tpu.dma_semaphore, #tpu.memory_space<semaphore_mem>>)
      %add3A_179 = arith.constant 2 : i32
      %add3A_180 = arith.addi %mul3A_138, %add3A_179 : i32
      %dma_wait3A_181 = arith.constant 0 : i32
      %dma_wait3A_182 = tpu.memref_slice %arg5[%add3A_180, %dma_wait3A_181] : memref<64x10xi32, #tpu.memory_space<vmem>> -> memref<1x10xi32, #tpu.memory_space<vmem>>
      %dma_wait3A_183 = tpu.memref_squeeze %dma_wait3A_182 : memref<1x10xi32, #tpu.memory_space<vmem>> -> memref<10xi32, #tpu.memory_space<vmem>>
      %dma_wait3A_184 = arith.constant 0 : i32
      %dma_wait3A_185 = arith.constant 0 : i32
      %dma_wait3A_186 = arith.constant 0 : i32
      %dma_wait3A_187 = tpu.memref_slice %arg6[%dma_wait3A_184, %dma_wait3A_185, %dma_wait3A_186] : memref<1000x8x128xf32, #tpu.memory_space<vmem_shared>> -> memref<1000x8x128xf32, #tpu.memory_space<vmem_shared>>
      tpu.wait_indirect_dma semaphore(%arg13 : memref<!tpu.dma_semaphore, #tpu.memory_space<semaphore_mem>>) src(%dma_wait3A_187 : memref<1000x8x128xf32, #tpu.memory_space<vmem_shared>>) dst(%arg9 : memref<10x8x128xf32, #tpu.memory_space<vmem>>)
      %add3A_188 = arith.constant 2 : i32
      %add3A_189 = arith.addi %mul3A_138, %add3A_188 : i32
      %mul3A_190 = arith.constant 10 : i32
      %mul3A_191 = arith.muli %add3A_189, %mul3A_190 : i32
      %add3A_192 = arith.addi %mul3A_2, %mul3A_191 : i32
      %dma_start3A_193 = arith.constant 0 : i32
      %dma_start3A_194 = arith.constant 0 : i32
      %dma_start3A_195 = tpu.memref_slice %arg4[%add3A_192, %dma_start3A_193, %dma_start3A_194] : memref<20480x8x128xf32, #tpu.memory_space<hbm>> -> memref<10x8x128xf32, #tpu.memory_space<hbm>>
      %dma_start3A_196 = arith.constant 0 : i32
      %dma_start3A_197 = arith.constant 0 : i32
      %dma_start3A_198 = tpu.memref_slice %arg4[%add3A_192, %dma_start3A_196, %dma_start3A_197] : memref<20480x8x128xf32, #tpu.memory_space<hbm>> -> memref<10x8x128xf32, #tpu.memory_space<hbm>>
      tpu.enqueue_dma source(%arg9 : memref<10x8x128xf32, #tpu.memory_space<vmem>>) target(%dma_start3A_198 : memref<10x8x128xf32, #tpu.memory_space<hbm>>) target_semaphore(%arg17 : memref<!tpu.dma_semaphore, #tpu.memory_space<semaphore_mem>>)
      %add3A_199 = arith.constant 3 : i32
      %add3A_200 = arith.addi %mul3A_138, %add3A_199 : i32
      %dma_wait3A_201 = arith.constant 0 : i32
      %dma_wait3A_202 = tpu.memref_slice %arg5[%add3A_200, %dma_wait3A_201] : memref<64x10xi32, #tpu.memory_space<vmem>> -> memref<1x10xi32, #tpu.memory_space<vmem>>
      %dma_wait3A_203 = tpu.memref_squeeze %dma_wait3A_202 : memref<1x10xi32, #tpu.memory_space<vmem>> -> memref<10xi32, #tpu.memory_space<vmem>>
      %dma_wait3A_204 = arith.constant 0 : i32
      %dma_wait3A_205 = arith.constant 0 : i32
      %dma_wait3A_206 = arith.constant 0 : i32
      %dma_wait3A_207 = tpu.memref_slice %arg6[%dma_wait3A_204, %dma_wait3A_205, %dma_wait3A_206] : memref<1000x8x128xf32, #tpu.memory_space<vmem_shared>> -> memref<1000x8x128xf32, #tpu.memory_space<vmem_shared>>
      tpu.wait_indirect_dma semaphore(%arg14 : memref<!tpu.dma_semaphore, #tpu.memory_space<semaphore_mem>>) src(%dma_wait3A_207 : memref<1000x8x128xf32, #tpu.memory_space<vmem_shared>>) dst(%arg10 : memref<10x8x128xf32, #tpu.memory_space<vmem>>)
      %add3A_208 = arith.constant 3 : i32
      %add3A_209 = arith.addi %mul3A_138, %add3A_208 : i32
      %mul3A_210 = arith.constant 10 : i32
      %mul3A_211 = arith.muli %add3A_209, %mul3A_210 : i32
      %add3A_212 = arith.addi %mul3A_2, %mul3A_211 : i32
      %dma_start3A_213 = arith.constant 0 : i32
      %dma_start3A_214 = arith.constant 0 : i32
      %dma_start3A_215 = tpu.memref_slice %arg4[%add3A_212, %dma_start3A_213, %dma_start3A_214] : memref<20480x8x128xf32, #tpu.memory_space<hbm>> -> memref<10x8x128xf32, #tpu.memory_space<hbm>>
      %dma_start3A_216 = arith.constant 0 : i32
      %dma_start3A_217 = arith.constant 0 : i32
      %dma_start3A_218 = tpu.memref_slice %arg4[%add3A_212, %dma_start3A_216, %dma_start3A_217] : memref<20480x8x128xf32, #tpu.memory_space<hbm>> -> memref<10x8x128xf32, #tpu.memory_space<hbm>>
      tpu.enqueue_dma source(%arg10 : memref<10x8x128xf32, #tpu.memory_space<vmem>>) target(%dma_start3A_218 : memref<10x8x128xf32, #tpu.memory_space<hbm>>) target_semaphore(%arg18 : memref<!tpu.dma_semaphore, #tpu.memory_space<semaphore_mem>>)
      %add3A_219 = arith.constant 0 : i32
      %add3A_220 = arith.addi %mul3A_138, %add3A_219 : i32
      %mul3A_221 = arith.constant 10 : i32
      %mul3A_222 = arith.muli %add3A_220, %mul3A_221 : i32
      %add3A_223 = arith.addi %mul3A_2, %mul3A_222 : i32
      %dma_wait3A_224 = arith.constant 0 : i32
      %dma_wait3A_225 = arith.constant 0 : i32
      %dma_wait3A_226 = tpu.memref_slice %arg4[%add3A_223, %dma_wait3A_224, %dma_wait3A_225] : memref<20480x8x128xf32, #tpu.memory_space<hbm>> -> memref<10x8x128xf32, #tpu.memory_space<hbm>>
      %dma_wait3A_227 = arith.constant 0 : i32
      %dma_wait3A_228 = arith.constant 0 : i32
      %dma_wait3A_229 = tpu.memref_slice %arg4[%add3A_223, %dma_wait3A_227, %dma_wait3A_228] : memref<20480x8x128xf32, #tpu.memory_space<hbm>> -> memref<10x8x128xf32, #tpu.memory_space<hbm>>
      tpu.wait_dma2 semaphore(%arg15 : memref<!tpu.dma_semaphore, #tpu.memory_space<semaphore_mem>>) src(%arg7 : memref<10x8x128xf32, #tpu.memory_space<vmem>>) dst(%dma_wait3A_229 : memref<10x8x128xf32, #tpu.memory_space<hbm>>)
      %add3A_230 = arith.constant 4 : i32
      %add3A_231 = arith.addi %mul3A_138, %add3A_230 : i32
      %add3A_232 = arith.constant 0 : i32
      %add3A_233 = arith.addi %add3A_231, %add3A_232 : i32
      %dma_start3A_234 = arith.constant 0 : i32
      %dma_start3A_235 = tpu.memref_slice %arg5[%add3A_233, %dma_start3A_234] : memref<64x10xi32, #tpu.memory_space<vmem>> -> memref<1x10xi32, #tpu.memory_space<vmem>>
      %dma_start3A_236 = tpu.memref_squeeze %dma_start3A_235 : memref<1x10xi32, #tpu.memory_space<vmem>> -> memref<10xi32, #tpu.memory_space<vmem>>
      %dma_start3A_237 = arith.constant 0 : i32
      %dma_start3A_238 = arith.constant 0 : i32
      %dma_start3A_239 = arith.constant 0 : i32
      %dma_start3A_240 = tpu.memref_slice %arg6[%dma_start3A_237, %dma_start3A_238, %dma_start3A_239] : memref<1000x8x128xf32, #tpu.memory_space<vmem_shared>> -> memref<1000x8x128xf32, #tpu.memory_space<vmem_shared>>
      tpu.enqueue_indirect_dma source(%dma_start3A_240 : memref<1000x8x128xf32, #tpu.memory_space<vmem_shared>>) target(%arg7 : memref<10x8x128xf32, #tpu.memory_space<vmem>>) offsets(%dma_start3A_236 : memref<10xi32, #tpu.memory_space<vmem>>) semaphore(%arg11 : memref<!tpu.dma_semaphore, #tpu.memory_space<semaphore_mem>>)
      %add3A_241 = arith.constant 1 : i32
      %add3A_242 = arith.addi %mul3A_138, %add3A_241 : i32
      %mul3A_243 = arith.constant 10 : i32
      %mul3A_244 = arith.muli %add3A_242, %mul3A_243 : i32
      %add3A_245 = arith.addi %mul3A_2, %mul3A_244 : i32
      %dma_wait3A_246 = arith.constant 0 : i32
      %dma_wait3A_247 = arith.constant 0 : i32
      %dma_wait3A_248 = tpu.memref_slice %arg4[%add3A_245, %dma_wait3A_246, %dma_wait3A_247] : memref<20480x8x128xf32, #tpu.memory_space<hbm>> -> memref<10x8x128xf32, #tpu.memory_space<hbm>>
      %dma_wait3A_249 = arith.constant 0 : i32
      %dma_wait3A_250 = arith.constant 0 : i32
      %dma_wait3A_251 = tpu.memref_slice %arg4[%add3A_245, %dma_wait3A_249, %dma_wait3A_250] : memref<20480x8x128xf32, #tpu.memory_space<hbm>> -> memref<10x8x128xf32, #tpu.memory_space<hbm>>
      tpu.wait_dma2 semaphore(%arg16 : memref<!tpu.dma_semaphore, #tpu.memory_space<semaphore_mem>>) src(%arg8 : memref<10x8x128xf32, #tpu.memory_space<vmem>>) dst(%dma_wait3A_251 : memref<10x8x128xf32, #tpu.memory_space<hbm>>)
      %add3A_252 = arith.constant 4 : i32
      %add3A_253 = arith.addi %mul3A_138, %add3A_252 : i32
      %add3A_254 = arith.constant 1 : i32
      %add3A_255 = arith.addi %add3A_253, %add3A_254 : i32
      %dma_start3A_256 = arith.constant 0 : i32
      %dma_start3A_257 = tpu.memref_slice %arg5[%add3A_255, %dma_start3A_256] : memref<64x10xi32, #tpu.memory_space<vmem>> -> memref<1x10xi32, #tpu.memory_space<vmem>>
      %dma_start3A_258 = tpu.memref_squeeze %dma_start3A_257 : memref<1x10xi32, #tpu.memory_space<vmem>> -> memref<10xi32, #tpu.memory_space<vmem>>
      %dma_start3A_259 = arith.constant 0 : i32
      %dma_start3A_260 = arith.constant 0 : i32
      %dma_start3A_261 = arith.constant 0 : i32
      %dma_start3A_262 = tpu.memref_slice %arg6[%dma_start3A_259, %dma_start3A_260, %dma_start3A_261] : memref<1000x8x128xf32, #tpu.memory_space<vmem_shared>> -> memref<1000x8x128xf32, #tpu.memory_space<vmem_shared>>
      tpu.enqueue_indirect_dma source(%dma_start3A_262 : memref<1000x8x128xf32, #tpu.memory_space<vmem_shared>>) target(%arg8 : memref<10x8x128xf32, #tpu.memory_space<vmem>>) offsets(%dma_start3A_258 : memref<10xi32, #tpu.memory_space<vmem>>) semaphore(%arg12 : memref<!tpu.dma_semaphore, #tpu.memory_space<semaphore_mem>>)
      %add3A_263 = arith.constant 2 : i32
      %add3A_264 = arith.addi %mul3A_138, %add3A_263 : i32
      %mul3A_265 = arith.constant 10 : i32
      %mul3A_266 = arith.muli %add3A_264, %mul3A_265 : i32
      %add3A_267 = arith.addi %mul3A_2, %mul3A_266 : i32
      %dma_wait3A_268 = arith.constant 0 : i32
      %dma_wait3A_269 = arith.constant 0 : i32
      %dma_wait3A_270 = tpu.memref_slice %arg4[%add3A_267, %dma_wait3A_268, %dma_wait3A_269] : memref<20480x8x128xf32, #tpu.memory_space<hbm>> -> memref<10x8x128xf32, #tpu.memory_space<hbm>>
      %dma_wait3A_271 = arith.constant 0 : i32
      %dma_wait3A_272 = arith.constant 0 : i32
      %dma_wait3A_273 = tpu.memref_slice %arg4[%add3A_267, %dma_wait3A_271, %dma_wait3A_272] : memref<20480x8x128xf32, #tpu.memory_space<hbm>> -> memref<10x8x128xf32, #tpu.memory_space<hbm>>
      tpu.wait_dma2 semaphore(%arg17 : memref<!tpu.dma_semaphore, #tpu.memory_space<semaphore_mem>>) src(%arg9 : memref<10x8x128xf32, #tpu.memory_space<vmem>>) dst(%dma_wait3A_273 : memref<10x8x128xf32, #tpu.memory_space<hbm>>)
      %add3A_274 = arith.constant 4 : i32
      %add3A_275 = arith.addi %mul3A_138, %add3A_274 : i32
      %add3A_276 = arith.constant 2 : i32
      %add3A_277 = arith.addi %add3A_275, %add3A_276 : i32
      %dma_start3A_278 = arith.constant 0 : i32
      %dma_start3A_279 = tpu.memref_slice %arg5[%add3A_277, %dma_start3A_278] : memref<64x10xi32, #tpu.memory_space<vmem>> -> memref<1x10xi32, #tpu.memory_space<vmem>>
      %dma_start3A_280 = tpu.memref_squeeze %dma_start3A_279 : memref<1x10xi32, #tpu.memory_space<vmem>> -> memref<10xi32, #tpu.memory_space<vmem>>
      %dma_start3A_281 = arith.constant 0 : i32
      %dma_start3A_282 = arith.constant 0 : i32
      %dma_start3A_283 = arith.constant 0 : i32
      %dma_start3A_284 = tpu.memref_slice %arg6[%dma_start3A_281, %dma_start3A_282, %dma_start3A_283] : memref<1000x8x128xf32, #tpu.memory_space<vmem_shared>> -> memref<1000x8x128xf32, #tpu.memory_space<vmem_shared>>
      tpu.enqueue_indirect_dma source(%dma_start3A_284 : memref<1000x8x128xf32, #tpu.memory_space<vmem_shared>>) target(%arg9 : memref<10x8x128xf32, #tpu.memory_space<vmem>>) offsets(%dma_start3A_280 : memref<10xi32, #tpu.memory_space<vmem>>) semaphore(%arg13 : memref<!tpu.dma_semaphore, #tpu.memory_space<semaphore_mem>>)
      %add3A_285 = arith.constant 3 : i32
      %add3A_286 = arith.addi %mul3A_138, %add3A_285 : i32
      %mul3A_287 = arith.constant 10 : i32
      %mul3A_288 = arith.muli %add3A_286, %mul3A_287 : i32
      %add3A_289 = arith.addi %mul3A_2, %mul3A_288 : i32
      %dma_wait3A_290 = arith.constant 0 : i32
      %dma_wait3A_291 = arith.constant 0 : i32
      %dma_wait3A_292 = tpu.memref_slice %arg4[%add3A_289, %dma_wait3A_290, %dma_wait3A_291] : memref<20480x8x128xf32, #tpu.memory_space<hbm>> -> memref<10x8x128xf32, #tpu.memory_space<hbm>>
      %dma_wait3A_293 = arith.constant 0 : i32
      %dma_wait3A_294 = arith.constant 0 : i32
      %dma_wait3A_295 = tpu.memref_slice %arg4[%add3A_289, %dma_wait3A_293, %dma_wait3A_294] : memref<20480x8x128xf32, #tpu.memory_space<hbm>> -> memref<10x8x128xf32, #tpu.memory_space<hbm>>
      tpu.wait_dma2 semaphore(%arg18 : memref<!tpu.dma_semaphore, #tpu.memory_space<semaphore_mem>>) src(%arg10 : memref<10x8x128xf32, #tpu.memory_space<vmem>>) dst(%dma_wait3A_295 : memref<10x8x128xf32, #tpu.memory_space<hbm>>)
      %add3A_296 = arith.constant 4 : i32
      %add3A_297 = arith.addi %mul3A_138, %add3A_296 : i32
      %add3A_298 = arith.constant 3 : i32
      %add3A_299 = arith.addi %add3A_297, %add3A_298 : i32
      %dma_start3A_300 = arith.constant 0 : i32
      %dma_start3A_301 = tpu.memref_slice %arg5[%add3A_299, %dma_start3A_300] : memref<64x10xi32, #tpu.memory_space<vmem>> -> memref<1x10xi32, #tpu.memory_space<vmem>>
      %dma_start3A_302 = tpu.memref_squeeze %dma_start3A_301 : memref<1x10xi32, #tpu.memory_space<vmem>> -> memref<10xi32, #tpu.memory_space<vmem>>
      %dma_start3A_303 = arith.constant 0 : i32
      %dma_start3A_304 = arith.constant 0 : i32
      %dma_start3A_305 = arith.constant 0 : i32
      %dma_start3A_306 = tpu.memref_slice %arg6[%dma_start3A_303, %dma_start3A_304, %dma_start3A_305] : memref<1000x8x128xf32, #tpu.memory_space<vmem_shared>> -> memref<1000x8x128xf32, #tpu.memory_space<vmem_shared>>
      tpu.enqueue_indirect_dma source(%dma_start3A_306 : memref<1000x8x128xf32, #tpu.memory_space<vmem_shared>>) target(%arg10 : memref<10x8x128xf32, #tpu.memory_space<vmem>>) offsets(%dma_start3A_302 : memref<10xi32, #tpu.memory_space<vmem>>) semaphore(%arg14 : memref<!tpu.dma_semaphore, #tpu.memory_space<semaphore_mem>>)
    }
    %scan3A_40 = arith.constant 15 : i32
    %dma_wait3A = arith.constant 60 : i32
    %dma_wait3A_41 = arith.constant 0 : i32
    %dma_wait3A_42 = tpu.memref_slice %arg5[%dma_wait3A, %dma_wait3A_41] : memref<64x10xi32, #tpu.memory_space<vmem>> -> memref<1x10xi32, #tpu.memory_space<vmem>>
    %dma_wait3A_43 = tpu.memref_squeeze %dma_wait3A_42 : memref<1x10xi32, #tpu.memory_space<vmem>> -> memref<10xi32, #tpu.memory_space<vmem>>
    %dma_wait3A_44 = arith.constant 0 : i32
    %dma_wait3A_45 = arith.constant 0 : i32
    %dma_wait3A_46 = arith.constant 0 : i32
    %dma_wait3A_47 = tpu.memref_slice %arg6[%dma_wait3A_44, %dma_wait3A_45, %dma_wait3A_46] : memref<1000x8x128xf32, #tpu.memory_space<vmem_shared>> -> memref<1000x8x128xf32, #tpu.memory_space<vmem_shared>>
    tpu.wait_indirect_dma semaphore(%arg11 : memref<!tpu.dma_semaphore, #tpu.memory_space<semaphore_mem>>) src(%dma_wait3A_47 : memref<1000x8x128xf32, #tpu.memory_space<vmem_shared>>) dst(%arg7 : memref<10x8x128xf32, #tpu.memory_space<vmem>>)
    %add3A_48 = arith.constant 600 : i32
    %add3A_49 = arith.addi %mul3A_2, %add3A_48 : i32
    %dma_start3A_50 = arith.constant 0 : i32
    %dma_start3A_51 = arith.constant 0 : i32
    %dma_start3A_52 = tpu.memref_slice %arg4[%add3A_49, %dma_start3A_50, %dma_start3A_51] : memref<20480x8x128xf32, #tpu.memory_space<hbm>> -> memref<10x8x128xf32, #tpu.memory_space<hbm>>
    %dma_start3A_53 = arith.constant 0 : i32
    %dma_start3A_54 = arith.constant 0 : i32
    %dma_start3A_55 = tpu.memref_slice %arg4[%add3A_49, %dma_start3A_53, %dma_start3A_54] : memref<20480x8x128xf32, #tpu.memory_space<hbm>> -> memref<10x8x128xf32, #tpu.memory_space<hbm>>
    tpu.enqueue_dma source(%arg7 : memref<10x8x128xf32, #tpu.memory_space<vmem>>) target(%dma_start3A_55 : memref<10x8x128xf32, #tpu.memory_space<hbm>>) target_semaphore(%arg15 : memref<!tpu.dma_semaphore, #tpu.memory_space<semaphore_mem>>)
    %dma_wait3A_56 = arith.constant 61 : i32
    %dma_wait3A_57 = arith.constant 0 : i32
    %dma_wait3A_58 = tpu.memref_slice %arg5[%dma_wait3A_56, %dma_wait3A_57] : memref<64x10xi32, #tpu.memory_space<vmem>> -> memref<1x10xi32, #tpu.memory_space<vmem>>
    %dma_wait3A_59 = tpu.memref_squeeze %dma_wait3A_58 : memref<1x10xi32, #tpu.memory_space<vmem>> -> memref<10xi32, #tpu.memory_space<vmem>>
    %dma_wait3A_60 = arith.constant 0 : i32
    %dma_wait3A_61 = arith.constant 0 : i32
    %dma_wait3A_62 = arith.constant 0 : i32
    %dma_wait3A_63 = tpu.memref_slice %arg6[%dma_wait3A_60, %dma_wait3A_61, %dma_wait3A_62] : memref<1000x8x128xf32, #tpu.memory_space<vmem_shared>> -> memref<1000x8x128xf32, #tpu.memory_space<vmem_shared>>
    tpu.wait_indirect_dma semaphore(%arg12 : memref<!tpu.dma_semaphore, #tpu.memory_space<semaphore_mem>>) src(%dma_wait3A_63 : memref<1000x8x128xf32, #tpu.memory_space<vmem_shared>>) dst(%arg8 : memref<10x8x128xf32, #tpu.memory_space<vmem>>)
    %add3A_64 = arith.constant 610 : i32
    %add3A_65 = arith.addi %mul3A_2, %add3A_64 : i32
    %dma_start3A_66 = arith.constant 0 : i32
    %dma_start3A_67 = arith.constant 0 : i32
    %dma_start3A_68 = tpu.memref_slice %arg4[%add3A_65, %dma_start3A_66, %dma_start3A_67] : memref<20480x8x128xf32, #tpu.memory_space<hbm>> -> memref<10x8x128xf32, #tpu.memory_space<hbm>>
    %dma_start3A_69 = arith.constant 0 : i32
    %dma_start3A_70 = arith.constant 0 : i32
    %dma_start3A_71 = tpu.memref_slice %arg4[%add3A_65, %dma_start3A_69, %dma_start3A_70] : memref<20480x8x128xf32, #tpu.memory_space<hbm>> -> memref<10x8x128xf32, #tpu.memory_space<hbm>>
    tpu.enqueue_dma source(%arg8 : memref<10x8x128xf32, #tpu.memory_space<vmem>>) target(%dma_start3A_71 : memref<10x8x128xf32, #tpu.memory_space<hbm>>) target_semaphore(%arg16 : memref<!tpu.dma_semaphore, #tpu.memory_space<semaphore_mem>>)
    %dma_wait3A_72 = arith.constant 62 : i32
    %dma_wait3A_73 = arith.constant 0 : i32
    %dma_wait3A_74 = tpu.memref_slice %arg5[%dma_wait3A_72, %dma_wait3A_73] : memref<64x10xi32, #tpu.memory_space<vmem>> -> memref<1x10xi32, #tpu.memory_space<vmem>>
    %dma_wait3A_75 = tpu.memref_squeeze %dma_wait3A_74 : memref<1x10xi32, #tpu.memory_space<vmem>> -> memref<10xi32, #tpu.memory_space<vmem>>
    %dma_wait3A_76 = arith.constant 0 : i32
    %dma_wait3A_77 = arith.constant 0 : i32
    %dma_wait3A_78 = arith.constant 0 : i32
    %dma_wait3A_79 = tpu.memref_slice %arg6[%dma_wait3A_76, %dma_wait3A_77, %dma_wait3A_78] : memref<1000x8x128xf32, #tpu.memory_space<vmem_shared>> -> memref<1000x8x128xf32, #tpu.memory_space<vmem_shared>>
    tpu.wait_indirect_dma semaphore(%arg13 : memref<!tpu.dma_semaphore, #tpu.memory_space<semaphore_mem>>) src(%dma_wait3A_79 : memref<1000x8x128xf32, #tpu.memory_space<vmem_shared>>) dst(%arg9 : memref<10x8x128xf32, #tpu.memory_space<vmem>>)
    %add3A_80 = arith.constant 620 : i32
    %add3A_81 = arith.addi %mul3A_2, %add3A_80 : i32
    %dma_start3A_82 = arith.constant 0 : i32
    %dma_start3A_83 = arith.constant 0 : i32
    %dma_start3A_84 = tpu.memref_slice %arg4[%add3A_81, %dma_start3A_82, %dma_start3A_83] : memref<20480x8x128xf32, #tpu.memory_space<hbm>> -> memref<10x8x128xf32, #tpu.memory_space<hbm>>
    %dma_start3A_85 = arith.constant 0 : i32
    %dma_start3A_86 = arith.constant 0 : i32
    %dma_start3A_87 = tpu.memref_slice %arg4[%add3A_81, %dma_start3A_85, %dma_start3A_86] : memref<20480x8x128xf32, #tpu.memory_space<hbm>> -> memref<10x8x128xf32, #tpu.memory_space<hbm>>
    tpu.enqueue_dma source(%arg9 : memref<10x8x128xf32, #tpu.memory_space<vmem>>) target(%dma_start3A_87 : memref<10x8x128xf32, #tpu.memory_space<hbm>>) target_semaphore(%arg17 : memref<!tpu.dma_semaphore, #tpu.memory_space<semaphore_mem>>)
    %dma_wait3A_88 = arith.constant 63 : i32
    %dma_wait3A_89 = arith.constant 0 : i32
    %dma_wait3A_90 = tpu.memref_slice %arg5[%dma_wait3A_88, %dma_wait3A_89] : memref<64x10xi32, #tpu.memory_space<vmem>> -> memref<1x10xi32, #tpu.memory_space<vmem>>
    %dma_wait3A_91 = tpu.memref_squeeze %dma_wait3A_90 : memref<1x10xi32, #tpu.memory_space<vmem>> -> memref<10xi32, #tpu.memory_space<vmem>>
    %dma_wait3A_92 = arith.constant 0 : i32
    %dma_wait3A_93 = arith.constant 0 : i32
    %dma_wait3A_94 = arith.constant 0 : i32
    %dma_wait3A_95 = tpu.memref_slice %arg6[%dma_wait3A_92, %dma_wait3A_93, %dma_wait3A_94] : memref<1000x8x128xf32, #tpu.memory_space<vmem_shared>> -> memref<1000x8x128xf32, #tpu.memory_space<vmem_shared>>
    tpu.wait_indirect_dma semaphore(%arg14 : memref<!tpu.dma_semaphore, #tpu.memory_space<semaphore_mem>>) src(%dma_wait3A_95 : memref<1000x8x128xf32, #tpu.memory_space<vmem_shared>>) dst(%arg10 : memref<10x8x128xf32, #tpu.memory_space<vmem>>)
    %add3A_96 = arith.constant 630 : i32
    %add3A_97 = arith.addi %mul3A_2, %add3A_96 : i32
    %dma_start3A_98 = arith.constant 0 : i32
    %dma_start3A_99 = arith.constant 0 : i32
    %dma_start3A_100 = tpu.memref_slice %arg4[%add3A_97, %dma_start3A_98, %dma_start3A_99] : memref<20480x8x128xf32, #tpu.memory_space<hbm>> -> memref<10x8x128xf32, #tpu.memory_space<hbm>>
    %dma_start3A_101 = arith.constant 0 : i32
    %dma_start3A_102 = arith.constant 0 : i32
    %dma_start3A_103 = tpu.memref_slice %arg4[%add3A_97, %dma_start3A_101, %dma_start3A_102] : memref<20480x8x128xf32, #tpu.memory_space<hbm>> -> memref<10x8x128xf32, #tpu.memory_space<hbm>>
    tpu.enqueue_dma source(%arg10 : memref<10x8x128xf32, #tpu.memory_space<vmem>>) target(%dma_start3A_103 : memref<10x8x128xf32, #tpu.memory_space<hbm>>) target_semaphore(%arg18 : memref<!tpu.dma_semaphore, #tpu.memory_space<semaphore_mem>>)
    %add3A_104 = arith.constant 600 : i32
    %add3A_105 = arith.addi %mul3A_2, %add3A_104 : i32
    %dma_wait3A_106 = arith.constant 0 : i32
    %dma_wait3A_107 = arith.constant 0 : i32
    %dma_wait3A_108 = tpu.memref_slice %arg4[%add3A_105, %dma_wait3A_106, %dma_wait3A_107] : memref<20480x8x128xf32, #tpu.memory_space<hbm>> -> memref<10x8x128xf32, #tpu.memory_space<hbm>>
    %dma_wait3A_109 = arith.constant 0 : i32
    %dma_wait3A_110 = arith.constant 0 : i32
    %dma_wait3A_111 = tpu.memref_slice %arg4[%add3A_105, %dma_wait3A_109, %dma_wait3A_110] : memref<20480x8x128xf32, #tpu.memory_space<hbm>> -> memref<10x8x128xf32, #tpu.memory_space<hbm>>
    tpu.wait_dma2 semaphore(%arg15 : memref<!tpu.dma_semaphore, #tpu.memory_space<semaphore_mem>>) src(%arg7 : memref<10x8x128xf32, #tpu.memory_space<vmem>>) dst(%dma_wait3A_111 : memref<10x8x128xf32, #tpu.memory_space<hbm>>)
    %add3A_112 = arith.constant 610 : i32
    %add3A_113 = arith.addi %mul3A_2, %add3A_112 : i32
    %dma_wait3A_114 = arith.constant 0 : i32
    %dma_wait3A_115 = arith.constant 0 : i32
    %dma_wait3A_116 = tpu.memref_slice %arg4[%add3A_113, %dma_wait3A_114, %dma_wait3A_115] : memref<20480x8x128xf32, #tpu.memory_space<hbm>> -> memref<10x8x128xf32, #tpu.memory_space<hbm>>
    %dma_wait3A_117 = arith.constant 0 : i32
    %dma_wait3A_118 = arith.constant 0 : i32
    %dma_wait3A_119 = tpu.memref_slice %arg4[%add3A_113, %dma_wait3A_117, %dma_wait3A_118] : memref<20480x8x128xf32, #tpu.memory_space<hbm>> -> memref<10x8x128xf32, #tpu.memory_space<hbm>>
    tpu.wait_dma2 semaphore(%arg16 : memref<!tpu.dma_semaphore, #tpu.memory_space<semaphore_mem>>) src(%arg8 : memref<10x8x128xf32, #tpu.memory_space<vmem>>) dst(%dma_wait3A_119 : memref<10x8x128xf32, #tpu.memory_space<hbm>>)
    %add3A_120 = arith.constant 620 : i32
    %add3A_121 = arith.addi %mul3A_2, %add3A_120 : i32
    %dma_wait3A_122 = arith.constant 0 : i32
    %dma_wait3A_123 = arith.constant 0 : i32
    %dma_wait3A_124 = tpu.memref_slice %arg4[%add3A_121, %dma_wait3A_122, %dma_wait3A_123] : memref<20480x8x128xf32, #tpu.memory_space<hbm>> -> memref<10x8x128xf32, #tpu.memory_space<hbm>>
    %dma_wait3A_125 = arith.constant 0 : i32
    %dma_wait3A_126 = arith.constant 0 : i32
    %dma_wait3A_127 = tpu.memref_slice %arg4[%add3A_121, %dma_wait3A_125, %dma_wait3A_126] : memref<20480x8x128xf32, #tpu.memory_space<hbm>> -> memref<10x8x128xf32, #tpu.memory_space<hbm>>
    tpu.wait_dma2 semaphore(%arg17 : memref<!tpu.dma_semaphore, #tpu.memory_space<semaphore_mem>>) src(%arg9 : memref<10x8x128xf32, #tpu.memory_space<vmem>>) dst(%dma_wait3A_127 : memref<10x8x128xf32, #tpu.memory_space<hbm>>)
    %add3A_128 = arith.constant 630 : i32
    %add3A_129 = arith.addi %mul3A_2, %add3A_128 : i32
    %dma_wait3A_130 = arith.constant 0 : i32
    %dma_wait3A_131 = arith.constant 0 : i32
    %dma_wait3A_132 = tpu.memref_slice %arg4[%add3A_129, %dma_wait3A_130, %dma_wait3A_131] : memref<20480x8x128xf32, #tpu.memory_space<hbm>> -> memref<10x8x128xf32, #tpu.memory_space<hbm>>
    %dma_wait3A_133 = arith.constant 0 : i32
    %dma_wait3A_134 = arith.constant 0 : i32
    %dma_wait3A_135 = tpu.memref_slice %arg4[%add3A_129, %dma_wait3A_133, %dma_wait3A_134] : memref<20480x8x128xf32, #tpu.memory_space<hbm>> -> memref<10x8x128xf32, #tpu.memory_space<hbm>>
    tpu.wait_dma2 semaphore(%arg18 : memref<!tpu.dma_semaphore, #tpu.memory_space<semaphore_mem>>) src(%arg10 : memref<10x8x128xf32, #tpu.memory_space<vmem>>) dst(%dma_wait3A_135 : memref<10x8x128xf32, #tpu.memory_space<hbm>>)
    return
  }
}

#map = affine_map<(d0, d1) -> (0, 0, 0)>
module attributes {stable_mosaic.version = 14 : i64} {
  func.func @_gather_body(%arg0: i32, %arg1: i32, %arg2: memref<1000x8x128xf32, #tpu.memory_space<hbm>>, %arg3: memref<32x64x10xi32, #tpu.memory_space<hbm>>, %arg4: memref<20480x8x128xf32, #tpu.memory_space<hbm>>, %arg5: memref<64x10xi32, #tpu.memory_space<vmem>>, %arg6: memref<1000x8x128xf32, #tpu.memory_space<vmem_shared>>, %arg7: memref<10x8x128xf32, #tpu.memory_space<vmem>>, %arg8: memref<10x8x128xf32, #tpu.memory_space<vmem>>, %arg9: memref<10x8x128xf32, #tpu.memory_space<vmem>>, %arg10: memref<10x8x128xf32, #tpu.memory_space<vmem>>, %arg11: memref<!tpu.dma_semaphore, #tpu.memory_space<semaphore_mem>>, %arg12: memref<!tpu.dma_semaphore, #tpu.memory_space<semaphore_mem>>, %arg13: memref<!tpu.dma_semaphore, #tpu.memory_space<semaphore_mem>>, %arg14: memref<!tpu.dma_semaphore, #tpu.memory_space<semaphore_mem>>, %arg15: memref<!tpu.dma_semaphore, #tpu.memory_space<semaphore_mem>>, %arg16: memref<!tpu.dma_semaphore, #tpu.memory_space<semaphore_mem>>, %arg17: memref<!tpu.dma_semaphore, #tpu.memory_space<semaphore_mem>>, %arg18: memref<!tpu.dma_semaphore, #tpu.memory_space<semaphore_mem>>) attributes {dimension_semantics = [#tpu.dimension_semantics<core_parallel>, #tpu.dimension_semantics<subcore_parallel>], iteration_bounds = array<i64: 2, 16>, scalar_prefetch = 0 : i64, scratch_operands = 14 : i64, tpu.core_type = #tpu.core_type<sc_vector_subcore>, window_params = [{transform_indices = #map}, {transform_indices = #map}, {transform_indices = #map}]} {
    %mul3A = arith.constant 2 : i32
    %mul3A_0 = arith.muli %arg1, %mul3A : i32
    %add3A = arith.addi %mul3A_0, %arg0 : i32
    %mul3A_1 = arith.constant 640 : i32
    %mul3A_2 = arith.muli %add3A, %mul3A_1 : i32
    %eq3A = arith.constant 0 : i32
    %eq3A_3 = arith.cmpi eq, %arg1, %eq3A : i32
    %convert_element_type3A = arith.extui %eq3A_3 : i1 to i32
    %cond3A = arith.constant 0 : i32
    %cond3A_4 = arith.cmpi ne, %convert_element_type3A, %cond3A : i32
    scf.if %cond3A_4 {
      "tpu.region"() ({
        %run_scoped3A = tpu.sem_alloc : memref<!tpu.dma_semaphore, #tpu.memory_space<semaphore_mem>>
        tpu.enqueue_dma source(%arg2 : memref<1000x8x128xf32, #tpu.memory_space<hbm>>) target(%arg6 : memref<1000x8x128xf32, #tpu.memory_space<vmem_shared>>) target_semaphore(%run_scoped3A : memref<!tpu.dma_semaphore, #tpu.memory_space<semaphore_mem>>)
        tpu.wait_dma2 semaphore(%run_scoped3A : memref<!tpu.dma_semaphore, #tpu.memory_space<semaphore_mem>>) src(%arg2 : memref<1000x8x128xf32, #tpu.memory_space<hbm>>) dst(%arg6 : memref<1000x8x128xf32, #tpu.memory_space<vmem_shared>>)
        tpu.yield
      }) : () -> ()
    } else {
    }
    %barrier3A = arith.constant 0 : index
    tpu.barrier barrier_id(%barrier3A)
    "tpu.region"() ({
      %run_scoped3A = tpu.sem_alloc : memref<!tpu.dma_semaphore, #tpu.memory_space<semaphore_mem>>
      %dma_start3A_136 = arith.constant 0 : i32
      %dma_start3A_137 = arith.constant 0 : i32
      %dma_start3A_138 = tpu.memref_slice %arg3[%add3A, %dma_start3A_136, %dma_start3A_137] : memref<32x64x10xi32, #tpu.memory_space<hbm>> -> memref<1x64x10xi32, #tpu.memory_space<hbm>>
      %dma_start3A_139 = tpu.memref_squeeze %dma_start3A_138 : memref<1x64x10xi32, #tpu.memory_space<hbm>> -> memref<64x10xi32, #tpu.memory_space<hbm>>
      %dma_start3A_140 = arith.constant 0 : i32
      %dma_start3A_141 = arith.constant 0 : i32
      %dma_start3A_142 = tpu.memref_slice %arg3[%add3A, %dma_start3A_140, %dma_start3A_141] : memref<32x64x10xi32, #tpu.memory_space<hbm>> -> memref<1x64x10xi32, #tpu.memory_space<hbm>>
      %dma_start3A_143 = tpu.memref_squeeze %dma_start3A_142 : memref<1x64x10xi32, #tpu.memory_space<hbm>> -> memref<64x10xi32, #tpu.memory_space<hbm>>
      tpu.enqueue_dma source(%dma_start3A_143 : memref<64x10xi32, #tpu.memory_space<hbm>>) target(%arg5 : memref<64x10xi32, #tpu.memory_space<vmem>>) target_semaphore(%run_scoped3A : memref<!tpu.dma_semaphore, #tpu.memory_space<semaphore_mem>>)
      %dma_wait3A_144 = arith.constant 0 : i32
      %dma_wait3A_145 = arith.constant 0 : i32
      %dma_wait3A_146 = tpu.memref_slice %arg3[%add3A, %dma_wait3A_144, %dma_wait3A_145] : memref<32x64x10xi32, #tpu.memory_space<hbm>> -> memref<1x64x10xi32, #tpu.memory_space<hbm>>
      %dma_wait3A_147 = tpu.memref_squeeze %dma_wait3A_146 : memref<1x64x10xi32, #tpu.memory_space<hbm>> -> memref<64x10xi32, #tpu.memory_space<hbm>>
      %dma_wait3A_148 = arith.constant 0 : i32
      %dma_wait3A_149 = arith.constant 0 : i32
      %dma_wait3A_150 = tpu.memref_slice %arg3[%add3A, %dma_wait3A_148, %dma_wait3A_149] : memref<32x64x10xi32, #tpu.memory_space<hbm>> -> memref<1x64x10xi32, #tpu.memory_space<hbm>>
      %dma_wait3A_151 = tpu.memref_squeeze %dma_wait3A_150 : memref<1x64x10xi32, #tpu.memory_space<hbm>> -> memref<64x10xi32, #tpu.memory_space<hbm>>
      tpu.wait_dma2 semaphore(%run_scoped3A : memref<!tpu.dma_semaphore, #tpu.memory_space<semaphore_mem>>) src(%dma_wait3A_151 : memref<64x10xi32, #tpu.memory_space<hbm>>) dst(%arg5 : memref<64x10xi32, #tpu.memory_space<vmem>>)
      tpu.yield
    }) : () -> ()
    %dma_start3A = arith.constant 0 : i32
    %dma_start3A_5 = arith.constant 0 : i32
    %dma_start3A_6 = tpu.memref_slice %arg5[%dma_start3A, %dma_start3A_5] : memref<64x10xi32, #tpu.memory_space<vmem>> -> memref<1x10xi32, #tpu.memory_space<vmem>>
    %dma_start3A_7 = tpu.memref_squeeze %dma_start3A_6 : memref<1x10xi32, #tpu.memory_space<vmem>> -> memref<10xi32, #tpu.memory_space<vmem>>
    %dma_start3A_8 = arith.constant 0 : i32
    %dma_start3A_9 = arith.constant 0 : i32
    %dma_start3A_10 = arith.constant 0 : i32
    %dma_start3A_11 = tpu.memref_slice %arg6[%dma_start3A_8, %dma_start3A_9, %dma_start3A_10] : memref<1000x8x128xf32, #tpu.memory_space<vmem_shared>> -> memref<1000x8x128xf32, #tpu.memory_space<vmem_shared>>
    tpu.enqueue_indirect_dma source(%dma_start3A_11 : memref<1000x8x128xf32, #tpu.memory_space<vmem_shared>>) target(%arg7 : memref<10x8x128xf32, #tpu.memory_space<vmem>>) offsets(%dma_start3A_7 : memref<10xi32, #tpu.memory_space<vmem>>) semaphore(%arg11 : memref<!tpu.dma_semaphore, #tpu.memory_space<semaphore_mem>>)
    %dma_start3A_12 = arith.constant 1 : i32
    %dma_start3A_13 = arith.constant 0 : i32
    %dma_start3A_14 = tpu.memref_slice %arg5[%dma_start3A_12, %dma_start3A_13] : memref<64x10xi32, #tpu.memory_space<vmem>> -> memref<1x10xi32, #tpu.memory_space<vmem>>
    %dma_start3A_15 = tpu.memref_squeeze %dma_start3A_14 : memref<1x10xi32, #tpu.memory_space<vmem>> -> memref<10xi32, #tpu.memory_space<vmem>>
    %dma_start3A_16 = arith.constant 0 : i32
    %dma_start3A_17 = arith.constant 0 : i32
    %dma_start3A_18 = arith.constant 0 : i32
    %dma_start3A_19 = tpu.memref_slice %arg6[%dma_start3A_16, %dma_start3A_17, %dma_start3A_18] : memref<1000x8x128xf32, #tpu.memory_space<vmem_shared>> -> memref<1000x8x128xf32, #tpu.memory_space<vmem_shared>>
    tpu.enqueue_indirect_dma source(%dma_start3A_19 : memref<1000x8x128xf32, #tpu.memory_space<vmem_shared>>) target(%arg8 : memref<10x8x128xf32, #tpu.memory_space<vmem>>) offsets(%dma_start3A_15 : memref<10xi32, #tpu.memory_space<vmem>>) semaphore(%arg12 : memref<!tpu.dma_semaphore, #tpu.memory_space<semaphore_mem>>)
    %dma_start3A_20 = arith.constant 2 : i32
    %dma_start3A_21 = arith.constant 0 : i32
    %dma_start3A_22 = tpu.memref_slice %arg5[%dma_start3A_20, %dma_start3A_21] : memref<64x10xi32, #tpu.memory_space<vmem>> -> memref<1x10xi32, #tpu.memory_space<vmem>>
    %dma_start3A_23 = tpu.memref_squeeze %dma_start3A_22 : memref<1x10xi32, #tpu.memory_space<vmem>> -> memref<10xi32, #tpu.memory_space<vmem>>
    %dma_start3A_24 = arith.constant 0 : i32
    %dma_start3A_25 = arith.constant 0 : i32
    %dma_start3A_26 = arith.constant 0 : i32
    %dma_start3A_27 = tpu.memref_slice %arg6[%dma_start3A_24, %dma_start3A_25, %dma_start3A_26] : memref<1000x8x128xf32, #tpu.memory_space<vmem_shared>> -> memref<1000x8x128xf32, #tpu.memory_space<vmem_shared>>
    tpu.enqueue_indirect_dma source(%dma_start3A_27 : memref<1000x8x128xf32, #tpu.memory_space<vmem_shared>>) target(%arg9 : memref<10x8x128xf32, #tpu.memory_space<vmem>>) offsets(%dma_start3A_23 : memref<10xi32, #tpu.memory_space<vmem>>) semaphore(%arg13 : memref<!tpu.dma_semaphore, #tpu.memory_space<semaphore_mem>>)
    %dma_start3A_28 = arith.constant 3 : i32
    %dma_start3A_29 = arith.constant 0 : i32
    %dma_start3A_30 = tpu.memref_slice %arg5[%dma_start3A_28, %dma_start3A_29] : memref<64x10xi32, #tpu.memory_space<vmem>> -> memref<1x10xi32, #tpu.memory_space<vmem>>
    %dma_start3A_31 = tpu.memref_squeeze %dma_start3A_30 : memref<1x10xi32, #tpu.memory_space<vmem>> -> memref<10xi32, #tpu.memory_space<vmem>>
    %dma_start3A_32 = arith.constant 0 : i32
    %dma_start3A_33 = arith.constant 0 : i32
    %dma_start3A_34 = arith.constant 0 : i32
    %dma_start3A_35 = tpu.memref_slice %arg6[%dma_start3A_32, %dma_start3A_33, %dma_start3A_34] : memref<1000x8x128xf32, #tpu.memory_space<vmem_shared>> -> memref<1000x8x128xf32, #tpu.memory_space<vmem_shared>>
    tpu.enqueue_indirect_dma source(%dma_start3A_35 : memref<1000x8x128xf32, #tpu.memory_space<vmem_shared>>) target(%arg10 : memref<10x8x128xf32, #tpu.memory_space<vmem>>) offsets(%dma_start3A_31 : memref<10xi32, #tpu.memory_space<vmem>>) semaphore(%arg14 : memref<!tpu.dma_semaphore, #tpu.memory_space<semaphore_mem>>)
    %scan3A = arith.constant 0 : i32
    %scan3A_36 = arith.constant 0 : i32
    %scan3A_37 = arith.constant 15 : i32
    %scan3A_38 = arith.addi %scan3A_36, %scan3A_37 : i32
    %scan3A_39 = arith.constant 1 : i32
    scf.for %scan3A_136 = %scan3A_36 to %scan3A_38 step %scan3A_39  : i32 {
      %mul3A_137 = arith.constant 4 : i32
      %mul3A_138 = arith.muli %scan3A_136, %mul3A_137 : i32
      %add3A_139 = arith.constant 0 : i32
      %add3A_140 = arith.addi %mul3A_138, %add3A_139 : i32
      %dma_wait3A_141 = arith.constant 0 : i32
      %dma_wait3A_142 = tpu.memref_slice %arg5[%add3A_140, %dma_wait3A_141] : memref<64x10xi32, #tpu.memory_space<vmem>> -> memref<1x10xi32, #tpu.memory_space<vmem>>
      %dma_wait3A_143 = tpu.memref_squeeze %dma_wait3A_142 : memref<1x10xi32, #tpu.memory_space<vmem>> -> memref<10xi32, #tpu.memory_space<vmem>>
      %dma_wait3A_144 = arith.constant 0 : i32
      %dma_wait3A_145 = arith.constant 0 : i32
      %dma_wait3A_146 = arith.constant 0 : i32
      %dma_wait3A_147 = tpu.memref_slice %arg6[%dma_wait3A_144, %dma_wait3A_145, %dma_wait3A_146] : memref<1000x8x128xf32, #tpu.memory_space<vmem_shared>> -> memref<1000x8x128xf32, #tpu.memory_space<vmem_shared>>
      tpu.wait_indirect_dma semaphore(%arg11 : memref<!tpu.dma_semaphore, #tpu.memory_space<semaphore_mem>>) src(%dma_wait3A_147 : memref<1000x8x128xf32, #tpu.memory_space<vmem_shared>>) dst(%arg7 : memref<10x8x128xf32, #tpu.memory_space<vmem>>)
      %add3A_148 = arith.constant 0 : i32
      %add3A_149 = arith.addi %mul3A_138, %add3A_148 : i32
      %mul3A_150 = arith.constant 10 : i32
      %mul3A_151 = arith.muli %add3A_149, %mul3A_150 : i32
      %add3A_152 = arith.addi %mul3A_2, %mul3A_151 : i32
      %dma_start3A_153 = arith.constant 0 : i32
      %dma_start3A_154 = arith.constant 0 : i32
      %dma_start3A_155 = tpu.memref_slice %arg4[%add3A_152, %dma_start3A_153, %dma_start3A_154] : memref<20480x8x128xf32, #tpu.memory_space<hbm>> -> memref<10x8x128xf32, #tpu.memory_space<hbm>>
      %dma_start3A_156 = arith.constant 0 : i32
      %dma_start3A_157 = arith.constant 0 : i32
      %dma_start3A_158 = tpu.memref_slice %arg4[%add3A_152, %dma_start3A_156, %dma_start3A_157] : memref<20480x8x128xf32, #tpu.memory_space<hbm>> -> memref<10x8x128xf32, #tpu.memory_space<hbm>>
      tpu.enqueue_dma source(%arg7 : memref<10x8x128xf32, #tpu.memory_space<vmem>>) target(%dma_start3A_158 : memref<10x8x128xf32, #tpu.memory_space<hbm>>) target_semaphore(%arg15 : memref<!tpu.dma_semaphore, #tpu.memory_space<semaphore_mem>>)
      %add3A_159 = arith.constant 1 : i32
      %add3A_160 = arith.addi %mul3A_138, %add3A_159 : i32
      %dma_wait3A_161 = arith.constant 0 : i32
      %dma_wait3A_162 = tpu.memref_slice %arg5[%add3A_160, %dma_wait3A_161] : memref<64x10xi32, #tpu.memory_space<vmem>> -> memref<1x10xi32, #tpu.memory_space<vmem>>
      %dma_wait3A_163 = tpu.memref_squeeze %dma_wait3A_162 : memref<1x10xi32, #tpu.memory_space<vmem>> -> memref<10xi32, #tpu.memory_space<vmem>>
      %dma_wait3A_164 = arith.constant 0 : i32
      %dma_wait3A_165 = arith.constant 0 : i32
      %dma_wait3A_166 = arith.constant 0 : i32
      %dma_wait3A_167 = tpu.memref_slice %arg6[%dma_wait3A_164, %dma_wait3A_165, %dma_wait3A_166] : memref<1000x8x128xf32, #tpu.memory_space<vmem_shared>> -> memref<1000x8x128xf32, #tpu.memory_space<vmem_shared>>
      tpu.wait_indirect_dma semaphore(%arg12 : memref<!tpu.dma_semaphore, #tpu.memory_space<semaphore_mem>>) src(%dma_wait3A_167 : memref<1000x8x128xf32, #tpu.memory_space<vmem_shared>>) dst(%arg8 : memref<10x8x128xf32, #tpu.memory_space<vmem>>)
      %add3A_168 = arith.constant 1 : i32
      %add3A_169 = arith.addi %mul3A_138, %add3A_168 : i32
      %mul3A_170 = arith.constant 10 : i32
      %mul3A_171 = arith.muli %add3A_169, %mul3A_170 : i32
      %add3A_172 = arith.addi %mul3A_2, %mul3A_171 : i32
      %dma_start3A_173 = arith.constant 0 : i32
      %dma_start3A_174 = arith.constant 0 : i32
      %dma_start3A_175 = tpu.memref_slice %arg4[%add3A_172, %dma_start3A_173, %dma_start3A_174] : memref<20480x8x128xf32, #tpu.memory_space<hbm>> -> memref<10x8x128xf32, #tpu.memory_space<hbm>>
      %dma_start3A_176 = arith.constant 0 : i32
      %dma_start3A_177 = arith.constant 0 : i32
      %dma_start3A_178 = tpu.memref_slice %arg4[%add3A_172, %dma_start3A_176, %dma_start3A_177] : memref<20480x8x128xf32, #tpu.memory_space<hbm>> -> memref<10x8x128xf32, #tpu.memory_space<hbm>>
      tpu.enqueue_dma source(%arg8 : memref<10x8x128xf32, #tpu.memory_space<vmem>>) target(%dma_start3A_178 : memref<10x8x128xf32, #tpu.memory_space<hbm>>) target_semaphore(%arg16 : memref<!tpu.dma_semaphore, #tpu.memory_space<semaphore_mem>>)
      %add3A_179 = arith.constant 2 : i32
      %add3A_180 = arith.addi %mul3A_138, %add3A_179 : i32
      %dma_wait3A_181 = arith.constant 0 : i32
      %dma_wait3A_182 = tpu.memref_slice %arg5[%add3A_180, %dma_wait3A_181] : memref<64x10xi32, #tpu.memory_space<vmem>> -> memref<1x10xi32, #tpu.memory_space<vmem>>
      %dma_wait3A_183 = tpu.memref_squeeze %dma_wait3A_182 : memref<1x10xi32, #tpu.memory_space<vmem>> -> memref<10xi32, #tpu.memory_space<vmem>>
      %dma_wait3A_184 = arith.constant 0 : i32
      %dma_wait3A_185 = arith.constant 0 : i32
      %dma_wait3A_186 = arith.constant 0 : i32
      %dma_wait3A_187 = tpu.memref_slice %arg6[%dma_wait3A_184, %dma_wait3A_185, %dma_wait3A_186] : memref<1000x8x128xf32, #tpu.memory_space<vmem_shared>> -> memref<1000x8x128xf32, #tpu.memory_space<vmem_shared>>
      tpu.wait_indirect_dma semaphore(%arg13 : memref<!tpu.dma_semaphore, #tpu.memory_space<semaphore_mem>>) src(%dma_wait3A_187 : memref<1000x8x128xf32, #tpu.memory_space<vmem_shared>>) dst(%arg9 : memref<10x8x128xf32, #tpu.memory_space<vmem>>)
      %add3A_188 = arith.constant 2 : i32
      %add3A_189 = arith.addi %mul3A_138, %add3A_188 : i32
      %mul3A_190 = arith.constant 10 : i32
      %mul3A_191 = arith.muli %add3A_189, %mul3A_190 : i32
      %add3A_192 = arith.addi %mul3A_2, %mul3A_191 : i32
      %dma_start3A_193 = arith.constant 0 : i32
      %dma_start3A_194 = arith.constant 0 : i32
      %dma_start3A_195 = tpu.memref_slice %arg4[%add3A_192, %dma_start3A_193, %dma_start3A_194] : memref<20480x8x128xf32, #tpu.memory_space<hbm>> -> memref<10x8x128xf32, #tpu.memory_space<hbm>>
      %dma_start3A_196 = arith.constant 0 : i32
      %dma_start3A_197 = arith.constant 0 : i32
      %dma_start3A_198 = tpu.memref_slice %arg4[%add3A_192, %dma_start3A_196, %dma_start3A_197] : memref<20480x8x128xf32, #tpu.memory_space<hbm>> -> memref<10x8x128xf32, #tpu.memory_space<hbm>>
      tpu.enqueue_dma source(%arg9 : memref<10x8x128xf32, #tpu.memory_space<vmem>>) target(%dma_start3A_198 : memref<10x8x128xf32, #tpu.memory_space<hbm>>) target_semaphore(%arg17 : memref<!tpu.dma_semaphore, #tpu.memory_space<semaphore_mem>>)
      %add3A_199 = arith.constant 3 : i32
      %add3A_200 = arith.addi %mul3A_138, %add3A_199 : i32
      %dma_wait3A_201 = arith.constant 0 : i32
      %dma_wait3A_202 = tpu.memref_slice %arg5[%add3A_200, %dma_wait3A_201] : memref<64x10xi32, #tpu.memory_space<vmem>> -> memref<1x10xi32, #tpu.memory_space<vmem>>
      %dma_wait3A_203 = tpu.memref_squeeze %dma_wait3A_202 : memref<1x10xi32, #tpu.memory_space<vmem>> -> memref<10xi32, #tpu.memory_space<vmem>>
      %dma_wait3A_204 = arith.constant 0 : i32
      %dma_wait3A_205 = arith.constant 0 : i32
      %dma_wait3A_206 = arith.constant 0 : i32
      %dma_wait3A_207 = tpu.memref_slice %arg6[%dma_wait3A_204, %dma_wait3A_205, %dma_wait3A_206] : memref<1000x8x128xf32, #tpu.memory_space<vmem_shared>> -> memref<1000x8x128xf32, #tpu.memory_space<vmem_shared>>
      tpu.wait_indirect_dma semaphore(%arg14 : memref<!tpu.dma_semaphore, #tpu.memory_space<semaphore_mem>>) src(%dma_wait3A_207 : memref<1000x8x128xf32, #tpu.memory_space<vmem_shared>>) dst(%arg10 : memref<10x8x128xf32, #tpu.memory_space<vmem>>)
      %add3A_208 = arith.constant 3 : i32
      %add3A_209 = arith.addi %mul3A_138, %add3A_208 : i32
      %mul3A_210 = arith.constant 10 : i32
      %mul3A_211 = arith.muli %add3A_209, %mul3A_210 : i32
      %add3A_212 = arith.addi %mul3A_2, %mul3A_211 : i32
      %dma_start3A_213 = arith.constant 0 : i32
      %dma_start3A_214 = arith.constant 0 : i32
      %dma_start3A_215 = tpu.memref_slice %arg4[%add3A_212, %dma_start3A_213, %dma_start3A_214] : memref<20480x8x128xf32, #tpu.memory_space<hbm>> -> memref<10x8x128xf32, #tpu.memory_space<hbm>>
      %dma_start3A_216 = arith.constant 0 : i32
      %dma_start3A_217 = arith.constant 0 : i32
      %dma_start3A_218 = tpu.memref_slice %arg4[%add3A_212, %dma_start3A_216, %dma_start3A_217] : memref<20480x8x128xf32, #tpu.memory_space<hbm>> -> memref<10x8x128xf32, #tpu.memory_space<hbm>>
      tpu.enqueue_dma source(%arg10 : memref<10x8x128xf32, #tpu.memory_space<vmem>>) target(%dma_start3A_218 : memref<10x8x128xf32, #tpu.memory_space<hbm>>) target_semaphore(%arg18 : memref<!tpu.dma_semaphore, #tpu.memory_space<semaphore_mem>>)
      %add3A_219 = arith.constant 0 : i32
      %add3A_220 = arith.addi %mul3A_138, %add3A_219 : i32
      %mul3A_221 = arith.constant 10 : i32
      %mul3A_222 = arith.muli %add3A_220, %mul3A_221 : i32
      %add3A_223 = arith.addi %mul3A_2, %mul3A_222 : i32
      %dma_wait3A_224 = arith.constant 0 : i32
      %dma_wait3A_225 = arith.constant 0 : i32
      %dma_wait3A_226 = tpu.memref_slice %arg4[%add3A_223, %dma_wait3A_224, %dma_wait3A_225] : memref<20480x8x128xf32, #tpu.memory_space<hbm>> -> memref<10x8x128xf32, #tpu.memory_space<hbm>>
      %dma_wait3A_227 = arith.constant 0 : i32
      %dma_wait3A_228 = arith.constant 0 : i32
      %dma_wait3A_229 = tpu.memref_slice %arg4[%add3A_223, %dma_wait3A_227, %dma_wait3A_228] : memref<20480x8x128xf32, #tpu.memory_space<hbm>> -> memref<10x8x128xf32, #tpu.memory_space<hbm>>
      tpu.wait_dma2 semaphore(%arg15 : memref<!tpu.dma_semaphore, #tpu.memory_space<semaphore_mem>>) src(%arg7 : memref<10x8x128xf32, #tpu.memory_space<vmem>>) dst(%dma_wait3A_229 : memref<10x8x128xf32, #tpu.memory_space<hbm>>)
      %add3A_230 = arith.constant 4 : i32
      %add3A_231 = arith.addi %mul3A_138, %add3A_230 : i32
      %add3A_232 = arith.constant 0 : i32
      %add3A_233 = arith.addi %add3A_231, %add3A_232 : i32
      %dma_start3A_234 = arith.constant 0 : i32
      %dma_start3A_235 = tpu.memref_slice %arg5[%add3A_233, %dma_start3A_234] : memref<64x10xi32, #tpu.memory_space<vmem>> -> memref<1x10xi32, #tpu.memory_space<vmem>>
      %dma_start3A_236 = tpu.memref_squeeze %dma_start3A_235 : memref<1x10xi32, #tpu.memory_space<vmem>> -> memref<10xi32, #tpu.memory_space<vmem>>
      %dma_start3A_237 = arith.constant 0 : i32
      %dma_start3A_238 = arith.constant 0 : i32
      %dma_start3A_239 = arith.constant 0 : i32
      %dma_start3A_240 = tpu.memref_slice %arg6[%dma_start3A_237, %dma_start3A_238, %dma_start3A_239] : memref<1000x8x128xf32, #tpu.memory_space<vmem_shared>> -> memref<1000x8x128xf32, #tpu.memory_space<vmem_shared>>
      tpu.enqueue_indirect_dma source(%dma_start3A_240 : memref<1000x8x128xf32, #tpu.memory_space<vmem_shared>>) target(%arg7 : memref<10x8x128xf32, #tpu.memory_space<vmem>>) offsets(%dma_start3A_236 : memref<10xi32, #tpu.memory_space<vmem>>) semaphore(%arg11 : memref<!tpu.dma_semaphore, #tpu.memory_space<semaphore_mem>>)
      %add3A_241 = arith.constant 1 : i32
      %add3A_242 = arith.addi %mul3A_138, %add3A_241 : i32
      %mul3A_243 = arith.constant 10 : i32
      %mul3A_244 = arith.muli %add3A_242, %mul3A_243 : i32
      %add3A_245 = arith.addi %mul3A_2, %mul3A_244 : i32
      %dma_wait3A_246 = arith.constant 0 : i32
      %dma_wait3A_247 = arith.constant 0 : i32
      %dma_wait3A_248 = tpu.memref_slice %arg4[%add3A_245, %dma_wait3A_246, %dma_wait3A_247] : memref<20480x8x128xf32, #tpu.memory_space<hbm>> -> memref<10x8x128xf32, #tpu.memory_space<hbm>>
      %dma_wait3A_249 = arith.constant 0 : i32
      %dma_wait3A_250 = arith.constant 0 : i32
      %dma_wait3A_251 = tpu.memref_slice %arg4[%add3A_245, %dma_wait3A_249, %dma_wait3A_250] : memref<20480x8x128xf32, #tpu.memory_space<hbm>> -> memref<10x8x128xf32, #tpu.memory_space<hbm>>
      tpu.wait_dma2 semaphore(%arg16 : memref<!tpu.dma_semaphore, #tpu.memory_space<semaphore_mem>>) src(%arg8 : memref<10x8x128xf32, #tpu.memory_space<vmem>>) dst(%dma_wait3A_251 : memref<10x8x128xf32, #tpu.memory_space<hbm>>)
      %add3A_252 = arith.constant 4 : i32
      %add3A_253 = arith.addi %mul3A_138, %add3A_252 : i32
      %add3A_254 = arith.constant 1 : i32
      %add3A_255 = arith.addi %add3A_253, %add3A_254 : i32
      %dma_start3A_256 = arith.constant 0 : i32
      %dma_start3A_257 = tpu.memref_slice %arg5[%add3A_255, %dma_start3A_256] : memref<64x10xi32, #tpu.memory_space<vmem>> -> memref<1x10xi32, #tpu.memory_space<vmem>>
      %dma_start3A_258 = tpu.memref_squeeze %dma_start3A_257 : memref<1x10xi32, #tpu.memory_space<vmem>> -> memref<10xi32, #tpu.memory_space<vmem>>
      %dma_start3A_259 = arith.constant 0 : i32
      %dma_start3A_260 = arith.constant 0 : i32
      %dma_start3A_261 = arith.constant 0 : i32
      %dma_start3A_262 = tpu.memref_slice %arg6[%dma_start3A_259, %dma_start3A_260, %dma_start3A_261] : memref<1000x8x128xf32, #tpu.memory_space<vmem_shared>> -> memref<1000x8x128xf32, #tpu.memory_space<vmem_shared>>
      tpu.enqueue_indirect_dma source(%dma_start3A_262 : memref<1000x8x128xf32, #tpu.memory_space<vmem_shared>>) target(%arg8 : memref<10x8x128xf32, #tpu.memory_space<vmem>>) offsets(%dma_start3A_258 : memref<10xi32, #tpu.memory_space<vmem>>) semaphore(%arg12 : memref<!tpu.dma_semaphore, #tpu.memory_space<semaphore_mem>>)
      %add3A_263 = arith.constant 2 : i32
      %add3A_264 = arith.addi %mul3A_138, %add3A_263 : i32
      %mul3A_265 = arith.constant 10 : i32
      %mul3A_266 = arith.muli %add3A_264, %mul3A_265 : i32
      %add3A_267 = arith.addi %mul3A_2, %mul3A_266 : i32
      %dma_wait3A_268 = arith.constant 0 : i32
      %dma_wait3A_269 = arith.constant 0 : i32
      %dma_wait3A_270 = tpu.memref_slice %arg4[%add3A_267, %dma_wait3A_268, %dma_wait3A_269] : memref<20480x8x128xf32, #tpu.memory_space<hbm>> -> memref<10x8x128xf32, #tpu.memory_space<hbm>>
      %dma_wait3A_271 = arith.constant 0 : i32
      %dma_wait3A_272 = arith.constant 0 : i32
      %dma_wait3A_273 = tpu.memref_slice %arg4[%add3A_267, %dma_wait3A_271, %dma_wait3A_272] : memref<20480x8x128xf32, #tpu.memory_space<hbm>> -> memref<10x8x128xf32, #tpu.memory_space<hbm>>
      tpu.wait_dma2 semaphore(%arg17 : memref<!tpu.dma_semaphore, #tpu.memory_space<semaphore_mem>>) src(%arg9 : memref<10x8x128xf32, #tpu.memory_space<vmem>>) dst(%dma_wait3A_273 : memref<10x8x128xf32, #tpu.memory_space<hbm>>)
      %add3A_274 = arith.constant 4 : i32
      %add3A_275 = arith.addi %mul3A_138, %add3A_274 : i32
      %add3A_276 = arith.constant 2 : i32
      %add3A_277 = arith.addi %add3A_275, %add3A_276 : i32
      %dma_start3A_278 = arith.constant 0 : i32
      %dma_start3A_279 = tpu.memref_slice %arg5[%add3A_277, %dma_start3A_278] : memref<64x10xi32, #tpu.memory_space<vmem>> -> memref<1x10xi32, #tpu.memory_space<vmem>>
      %dma_start3A_280 = tpu.memref_squeeze %dma_start3A_279 : memref<1x10xi32, #tpu.memory_space<vmem>> -> memref<10xi32, #tpu.memory_space<vmem>>
      %dma_start3A_281 = arith.constant 0 : i32
      %dma_start3A_282 = arith.constant 0 : i32
      %dma_start3A_283 = arith.constant 0 : i32
      %dma_start3A_284 = tpu.memref_slice %arg6[%dma_start3A_281, %dma_start3A_282, %dma_start3A_283] : memref<1000x8x128xf32, #tpu.memory_space<vmem_shared>> -> memref<1000x8x128xf32, #tpu.memory_space<vmem_shared>>
      tpu.enqueue_indirect_dma source(%dma_start3A_284 : memref<1000x8x128xf32, #tpu.memory_space<vmem_shared>>) target(%arg9 : memref<10x8x128xf32, #tpu.memory_space<vmem>>) offsets(%dma_start3A_280 : memref<10xi32, #tpu.memory_space<vmem>>) semaphore(%arg13 : memref<!tpu.dma_semaphore, #tpu.memory_space<semaphore_mem>>)
      %add3A_285 = arith.constant 3 : i32
      %add3A_286 = arith.addi %mul3A_138, %add3A_285 : i32
      %mul3A_287 = arith.constant 10 : i32
      %mul3A_288 = arith.muli %add3A_286, %mul3A_287 : i32
      %add3A_289 = arith.addi %mul3A_2, %mul3A_288 : i32
      %dma_wait3A_290 = arith.constant 0 : i32
      %dma_wait3A_291 = arith.constant 0 : i32
      %dma_wait3A_292 = tpu.memref_slice %arg4[%add3A_289, %dma_wait3A_290, %dma_wait3A_291] : memref<20480x8x128xf32, #tpu.memory_space<hbm>> -> memref<10x8x128xf32, #tpu.memory_space<hbm>>
      %dma_wait3A_293 = arith.constant 0 : i32
      %dma_wait3A_294 = arith.constant 0 : i32
      %dma_wait3A_295 = tpu.memref_slice %arg4[%add3A_289, %dma_wait3A_293, %dma_wait3A_294] : memref<20480x8x128xf32, #tpu.memory_space<hbm>> -> memref<10x8x128xf32, #tpu.memory_space<hbm>>
      tpu.wait_dma2 semaphore(%arg18 : memref<!tpu.dma_semaphore, #tpu.memory_space<semaphore_mem>>) src(%arg10 : memref<10x8x128xf32, #tpu.memory_space<vmem>>) dst(%dma_wait3A_295 : memref<10x8x128xf32, #tpu.memory_space<hbm>>)
      %add3A_296 = arith.constant 4 : i32
      %add3A_297 = arith.addi %mul3A_138, %add3A_296 : i32
      %add3A_298 = arith.constant 3 : i32
      %add3A_299 = arith.addi %add3A_297, %add3A_298 : i32
      %dma_start3A_300 = arith.constant 0 : i32
      %dma_start3A_301 = tpu.memref_slice %arg5[%add3A_299, %dma_start3A_300] : memref<64x10xi32, #tpu.memory_space<vmem>> -> memref<1x10xi32, #tpu.memory_space<vmem>>
      %dma_start3A_302 = tpu.memref_squeeze %dma_start3A_301 : memref<1x10xi32, #tpu.memory_space<vmem>> -> memref<10xi32, #tpu.memory_space<vmem>>
      %dma_start3A_303 = arith.constant 0 : i32
      %dma_start3A_304 = arith.constant 0 : i32
      %dma_start3A_305 = arith.constant 0 : i32
      %dma_start3A_306 = tpu.memref_slice %arg6[%dma_start3A_303, %dma_start3A_304, %dma_start3A_305] : memref<1000x8x128xf32, #tpu.memory_space<vmem_shared>> -> memref<1000x8x128xf32, #tpu.memory_space<vmem_shared>>
      tpu.enqueue_indirect_dma source(%dma_start3A_306 : memref<1000x8x128xf32, #tpu.memory_space<vmem_shared>>) target(%arg10 : memref<10x8x128xf32, #tpu.memory_space<vmem>>) offsets(%dma_start3A_302 : memref<10xi32, #tpu.memory_space<vmem>>) semaphore(%arg14 : memref<!tpu.dma_semaphore, #tpu.memory_space<semaphore_mem>>)
    }
    %scan3A_40 = arith.constant 15 : i32
    %dma_wait3A = arith.constant 60 : i32
    %dma_wait3A_41 = arith.constant 0 : i32
    %dma_wait3A_42 = tpu.memref_slice %arg5[%dma_wait3A, %dma_wait3A_41] : memref<64x10xi32, #tpu.memory_space<vmem>> -> memref<1x10xi32, #tpu.memory_space<vmem>>
    %dma_wait3A_43 = tpu.memref_squeeze %dma_wait3A_42 : memref<1x10xi32, #tpu.memory_space<vmem>> -> memref<10xi32, #tpu.memory_space<vmem>>
    %dma_wait3A_44 = arith.constant 0 : i32
    %dma_wait3A_45 = arith.constant 0 : i32
    %dma_wait3A_46 = arith.constant 0 : i32
    %dma_wait3A_47 = tpu.memref_slice %arg6[%dma_wait3A_44, %dma_wait3A_45, %dma_wait3A_46] : memref<1000x8x128xf32, #tpu.memory_space<vmem_shared>> -> memref<1000x8x128xf32, #tpu.memory_space<vmem_shared>>
    tpu.wait_indirect_dma semaphore(%arg11 : memref<!tpu.dma_semaphore, #tpu.memory_space<semaphore_mem>>) src(%dma_wait3A_47 : memref<1000x8x128xf32, #tpu.memory_space<vmem_shared>>) dst(%arg7 : memref<10x8x128xf32, #tpu.memory_space<vmem>>)
    %add3A_48 = arith.constant 600 : i32
    %add3A_49 = arith.addi %mul3A_2, %add3A_48 : i32
    %dma_start3A_50 = arith.constant 0 : i32
    %dma_start3A_51 = arith.constant 0 : i32
    %dma_start3A_52 = tpu.memref_slice %arg4[%add3A_49, %dma_start3A_50, %dma_start3A_51] : memref<20480x8x128xf32, #tpu.memory_space<hbm>> -> memref<10x8x128xf32, #tpu.memory_space<hbm>>
    %dma_start3A_53 = arith.constant 0 : i32
    %dma_start3A_54 = arith.constant 0 : i32
    %dma_start3A_55 = tpu.memref_slice %arg4[%add3A_49, %dma_start3A_53, %dma_start3A_54] : memref<20480x8x128xf32, #tpu.memory_space<hbm>> -> memref<10x8x128xf32, #tpu.memory_space<hbm>>
    tpu.enqueue_dma source(%arg7 : memref<10x8x128xf32, #tpu.memory_space<vmem>>) target(%dma_start3A_55 : memref<10x8x128xf32, #tpu.memory_space<hbm>>) target_semaphore(%arg15 : memref<!tpu.dma_semaphore, #tpu.memory_space<semaphore_mem>>)
    %dma_wait3A_56 = arith.constant 61 : i32
    %dma_wait3A_57 = arith.constant 0 : i32
    %dma_wait3A_58 = tpu.memref_slice %arg5[%dma_wait3A_56, %dma_wait3A_57] : memref<64x10xi32, #tpu.memory_space<vmem>> -> memref<1x10xi32, #tpu.memory_space<vmem>>
    %dma_wait3A_59 = tpu.memref_squeeze %dma_wait3A_58 : memref<1x10xi32, #tpu.memory_space<vmem>> -> memref<10xi32, #tpu.memory_space<vmem>>
    %dma_wait3A_60 = arith.constant 0 : i32
    %dma_wait3A_61 = arith.constant 0 : i32
    %dma_wait3A_62 = arith.constant 0 : i32
    %dma_wait3A_63 = tpu.memref_slice %arg6[%dma_wait3A_60, %dma_wait3A_61, %dma_wait3A_62] : memref<1000x8x128xf32, #tpu.memory_space<vmem_shared>> -> memref<1000x8x128xf32, #tpu.memory_space<vmem_shared>>
    tpu.wait_indirect_dma semaphore(%arg12 : memref<!tpu.dma_semaphore, #tpu.memory_space<semaphore_mem>>) src(%dma_wait3A_63 : memref<1000x8x128xf32, #tpu.memory_space<vmem_shared>>) dst(%arg8 : memref<10x8x128xf32, #tpu.memory_space<vmem>>)
    %add3A_64 = arith.constant 610 : i32
    %add3A_65 = arith.addi %mul3A_2, %add3A_64 : i32
    %dma_start3A_66 = arith.constant 0 : i32
    %dma_start3A_67 = arith.constant 0 : i32
    %dma_start3A_68 = tpu.memref_slice %arg4[%add3A_65, %dma_start3A_66, %dma_start3A_67] : memref<20480x8x128xf32, #tpu.memory_space<hbm>> -> memref<10x8x128xf32, #tpu.memory_space<hbm>>
    %dma_start3A_69 = arith.constant 0 : i32
    %dma_start3A_70 = arith.constant 0 : i32
    %dma_start3A_71 = tpu.memref_slice %arg4[%add3A_65, %dma_start3A_69, %dma_start3A_70] : memref<20480x8x128xf32, #tpu.memory_space<hbm>> -> memref<10x8x128xf32, #tpu.memory_space<hbm>>
    tpu.enqueue_dma source(%arg8 : memref<10x8x128xf32, #tpu.memory_space<vmem>>) target(%dma_start3A_71 : memref<10x8x128xf32, #tpu.memory_space<hbm>>) target_semaphore(%arg16 : memref<!tpu.dma_semaphore, #tpu.memory_space<semaphore_mem>>)
    %dma_wait3A_72 = arith.constant 62 : i32
    %dma_wait3A_73 = arith.constant 0 : i32
    %dma_wait3A_74 = tpu.memref_slice %arg5[%dma_wait3A_72, %dma_wait3A_73] : memref<64x10xi32, #tpu.memory_space<vmem>> -> memref<1x10xi32, #tpu.memory_space<vmem>>
    %dma_wait3A_75 = tpu.memref_squeeze %dma_wait3A_74 : memref<1x10xi32, #tpu.memory_space<vmem>> -> memref<10xi32, #tpu.memory_space<vmem>>
    %dma_wait3A_76 = arith.constant 0 : i32
    %dma_wait3A_77 = arith.constant 0 : i32
    %dma_wait3A_78 = arith.constant 0 : i32
    %dma_wait3A_79 = tpu.memref_slice %arg6[%dma_wait3A_76, %dma_wait3A_77, %dma_wait3A_78] : memref<1000x8x128xf32, #tpu.memory_space<vmem_shared>> -> memref<1000x8x128xf32, #tpu.memory_space<vmem_shared>>
    tpu.wait_indirect_dma semaphore(%arg13 : memref<!tpu.dma_semaphore, #tpu.memory_space<semaphore_mem>>) src(%dma_wait3A_79 : memref<1000x8x128xf32, #tpu.memory_space<vmem_shared>>) dst(%arg9 : memref<10x8x128xf32, #tpu.memory_space<vmem>>)
    %add3A_80 = arith.constant 620 : i32
    %add3A_81 = arith.addi %mul3A_2, %add3A_80 : i32
    %dma_start3A_82 = arith.constant 0 : i32
    %dma_start3A_83 = arith.constant 0 : i32
    %dma_start3A_84 = tpu.memref_slice %arg4[%add3A_81, %dma_start3A_82, %dma_start3A_83] : memref<20480x8x128xf32, #tpu.memory_space<hbm>> -> memref<10x8x128xf32, #tpu.memory_space<hbm>>
    %dma_start3A_85 = arith.constant 0 : i32
    %dma_start3A_86 = arith.constant 0 : i32
    %dma_start3A_87 = tpu.memref_slice %arg4[%add3A_81, %dma_start3A_85, %dma_start3A_86] : memref<20480x8x128xf32, #tpu.memory_space<hbm>> -> memref<10x8x128xf32, #tpu.memory_space<hbm>>
    tpu.enqueue_dma source(%arg9 : memref<10x8x128xf32, #tpu.memory_space<vmem>>) target(%dma_start3A_87 : memref<10x8x128xf32, #tpu.memory_space<hbm>>) target_semaphore(%arg17 : memref<!tpu.dma_semaphore, #tpu.memory_space<semaphore_mem>>)
    %dma_wait3A_88 = arith.constant 63 : i32
    %dma_wait3A_89 = arith.constant 0 : i32
    %dma_wait3A_90 = tpu.memref_slice %arg5[%dma_wait3A_88, %dma_wait3A_89] : memref<64x10xi32, #tpu.memory_space<vmem>> -> memref<1x10xi32, #tpu.memory_space<vmem>>
    %dma_wait3A_91 = tpu.memref_squeeze %dma_wait3A_90 : memref<1x10xi32, #tpu.memory_space<vmem>> -> memref<10xi32, #tpu.memory_space<vmem>>
    %dma_wait3A_92 = arith.constant 0 : i32
    %dma_wait3A_93 = arith.constant 0 : i32
    %dma_wait3A_94 = arith.constant 0 : i32
    %dma_wait3A_95 = tpu.memref_slice %arg6[%dma_wait3A_92, %dma_wait3A_93, %dma_wait3A_94] : memref<1000x8x128xf32, #tpu.memory_space<vmem_shared>> -> memref<1000x8x128xf32, #tpu.memory_space<vmem_shared>>
    tpu.wait_indirect_dma semaphore(%arg14 : memref<!tpu.dma_semaphore, #tpu.memory_space<semaphore_mem>>) src(%dma_wait3A_95 : memref<1000x8x128xf32, #tpu.memory_space<vmem_shared>>) dst(%arg10 : memref<10x8x128xf32, #tpu.memory_space<vmem>>)
    %add3A_96 = arith.constant 630 : i32
    %add3A_97 = arith.addi %mul3A_2, %add3A_96 : i32
    %dma_start3A_98 = arith.constant 0 : i32
    %dma_start3A_99 = arith.constant 0 : i32
    %dma_start3A_100 = tpu.memref_slice %arg4[%add3A_97, %dma_start3A_98, %dma_start3A_99] : memref<20480x8x128xf32, #tpu.memory_space<hbm>> -> memref<10x8x128xf32, #tpu.memory_space<hbm>>
    %dma_start3A_101 = arith.constant 0 : i32
    %dma_start3A_102 = arith.constant 0 : i32
    %dma_start3A_103 = tpu.memref_slice %arg4[%add3A_97, %dma_start3A_101, %dma_start3A_102] : memref<20480x8x128xf32, #tpu.memory_space<hbm>> -> memref<10x8x128xf32, #tpu.memory_space<hbm>>
    tpu.enqueue_dma source(%arg10 : memref<10x8x128xf32, #tpu.memory_space<vmem>>) target(%dma_start3A_103 : memref<10x8x128xf32, #tpu.memory_space<hbm>>) target_semaphore(%arg18 : memref<!tpu.dma_semaphore, #tpu.memory_space<semaphore_mem>>)
    %add3A_104 = arith.constant 600 : i32
    %add3A_105 = arith.addi %mul3A_2, %add3A_104 : i32
    %dma_wait3A_106 = arith.constant 0 : i32
    %dma_wait3A_107 = arith.constant 0 : i32
    %dma_wait3A_108 = tpu.memref_slice %arg4[%add3A_105, %dma_wait3A_106, %dma_wait3A_107] : memref<20480x8x128xf32, #tpu.memory_space<hbm>> -> memref<10x8x128xf32, #tpu.memory_space<hbm>>
    %dma_wait3A_109 = arith.constant 0 : i32
    %dma_wait3A_110 = arith.constant 0 : i32
    %dma_wait3A_111 = tpu.memref_slice %arg4[%add3A_105, %dma_wait3A_109, %dma_wait3A_110] : memref<20480x8x128xf32, #tpu.memory_space<hbm>> -> memref<10x8x128xf32, #tpu.memory_space<hbm>>
    tpu.wait_dma2 semaphore(%arg15 : memref<!tpu.dma_semaphore, #tpu.memory_space<semaphore_mem>>) src(%arg7 : memref<10x8x128xf32, #tpu.memory_space<vmem>>) dst(%dma_wait3A_111 : memref<10x8x128xf32, #tpu.memory_space<hbm>>)
    %add3A_112 = arith.constant 610 : i32
    %add3A_113 = arith.addi %mul3A_2, %add3A_112 : i32
    %dma_wait3A_114 = arith.constant 0 : i32
    %dma_wait3A_115 = arith.constant 0 : i32
    %dma_wait3A_116 = tpu.memref_slice %arg4[%add3A_113, %dma_wait3A_114, %dma_wait3A_115] : memref<20480x8x128xf32, #tpu.memory_space<hbm>> -> memref<10x8x128xf32, #tpu.memory_space<hbm>>
    %dma_wait3A_117 = arith.constant 0 : i32
    %dma_wait3A_118 = arith.constant 0 : i32
    %dma_wait3A_119 = tpu.memref_slice %arg4[%add3A_113, %dma_wait3A_117, %dma_wait3A_118] : memref<20480x8x128xf32, #tpu.memory_space<hbm>> -> memref<10x8x128xf32, #tpu.memory_space<hbm>>
    tpu.wait_dma2 semaphore(%arg16 : memref<!tpu.dma_semaphore, #tpu.memory_space<semaphore_mem>>) src(%arg8 : memref<10x8x128xf32, #tpu.memory_space<vmem>>) dst(%dma_wait3A_119 : memref<10x8x128xf32, #tpu.memory_space<hbm>>)
    %add3A_120 = arith.constant 620 : i32
    %add3A_121 = arith.addi %mul3A_2, %add3A_120 : i32
    %dma_wait3A_122 = arith.constant 0 : i32
    %dma_wait3A_123 = arith.constant 0 : i32
    %dma_wait3A_124 = tpu.memref_slice %arg4[%add3A_121, %dma_wait3A_122, %dma_wait3A_123] : memref<20480x8x128xf32, #tpu.memory_space<hbm>> -> memref<10x8x128xf32, #tpu.memory_space<hbm>>
    %dma_wait3A_125 = arith.constant 0 : i32
    %dma_wait3A_126 = arith.constant 0 : i32
    %dma_wait3A_127 = tpu.memref_slice %arg4[%add3A_121, %dma_wait3A_125, %dma_wait3A_126] : memref<20480x8x128xf32, #tpu.memory_space<hbm>> -> memref<10x8x128xf32, #tpu.memory_space<hbm>>
    tpu.wait_dma2 semaphore(%arg17 : memref<!tpu.dma_semaphore, #tpu.memory_space<semaphore_mem>>) src(%arg9 : memref<10x8x128xf32, #tpu.memory_space<vmem>>) dst(%dma_wait3A_127 : memref<10x8x128xf32, #tpu.memory_space<hbm>>)
    %add3A_128 = arith.constant 630 : i32
    %add3A_129 = arith.addi %mul3A_2, %add3A_128 : i32
    %dma_wait3A_130 = arith.constant 0 : i32
    %dma_wait3A_131 = arith.constant 0 : i32
    %dma_wait3A_132 = tpu.memref_slice %arg4[%add3A_129, %dma_wait3A_130, %dma_wait3A_131] : memref<20480x8x128xf32, #tpu.memory_space<hbm>> -> memref<10x8x128xf32, #tpu.memory_space<hbm>>
    %dma_wait3A_133 = arith.constant 0 : i32
    %dma_wait3A_134 = arith.constant 0 : i32
    %dma_wait3A_135 = tpu.memref_slice %arg4[%add3A_129, %dma_wait3A_133, %dma_wait3A_134] : memref<20480x8x128xf32, #tpu.memory_space<hbm>> -> memref<10x8x128xf32, #tpu.memory_space<hbm>>
    tpu.wait_dma2 semaphore(%arg18 : memref<!tpu.dma_semaphore, #tpu.memory_space<semaphore_mem>>) src(%arg10 : memref<10x8x128xf32, #tpu.memory_space<vmem>>) dst(%dma_wait3A_135 : memref<10x8x128xf32, #tpu.memory_space<hbm>>)
    return
  }
}

#map = affine_map<(d0, d1) -> (0, 0, 0)>
module attributes {stable_mosaic.version = 14 : i64} {
  func.func @_gather_body(%arg0: i32, %arg1: i32, %arg2: memref<1000x8x128xf32, #tpu.memory_space<hbm>>, %arg3: memref<32x64x10xi32, #tpu.memory_space<hbm>>, %arg4: memref<20480x8x128xf32, #tpu.memory_space<hbm>>, %arg5: memref<64x10xi32, #tpu.memory_space<vmem>>, %arg6: memref<1000x8x128xf32, #tpu.memory_space<vmem_shared>>, %arg7: memref<10x8x128xf32, #tpu.memory_space<vmem>>, %arg8: memref<10x8x128xf32, #tpu.memory_space<vmem>>, %arg9: memref<10x8x128xf32, #tpu.memory_space<vmem>>, %arg10: memref<10x8x128xf32, #tpu.memory_space<vmem>>, %arg11: memref<!tpu.dma_semaphore, #tpu.memory_space<semaphore_mem>>, %arg12: memref<!tpu.dma_semaphore, #tpu.memory_space<semaphore_mem>>, %arg13: memref<!tpu.dma_semaphore, #tpu.memory_space<semaphore_mem>>, %arg14: memref<!tpu.dma_semaphore, #tpu.memory_space<semaphore_mem>>, %arg15: memref<!tpu.dma_semaphore, #tpu.memory_space<semaphore_mem>>, %arg16: memref<!tpu.dma_semaphore, #tpu.memory_space<semaphore_mem>>, %arg17: memref<!tpu.dma_semaphore, #tpu.memory_space<semaphore_mem>>, %arg18: memref<!tpu.dma_semaphore, #tpu.memory_space<semaphore_mem>>) attributes {dimension_semantics = [#tpu.dimension_semantics<core_parallel>, #tpu.dimension_semantics<subcore_parallel>], iteration_bounds = array<i64: 2, 16>, scalar_prefetch = 0 : i64, scratch_operands = 14 : i64, tpu.core_type = #tpu.core_type<sc_vector_subcore>, window_params = [{transform_indices = #map}, {transform_indices = #map}, {transform_indices = #map}]} {
    %mul3A = arith.constant 2 : i32
    %mul3A_0 = arith.muli %arg1, %mul3A : i32
    %add3A = arith.addi %mul3A_0, %arg0 : i32
    %mul3A_1 = arith.constant 640 : i32
    %mul3A_2 = arith.muli %add3A, %mul3A_1 : i32
    %eq3A = arith.constant 0 : i32
    %eq3A_3 = arith.cmpi eq, %arg1, %eq3A : i32
    %convert_element_type3A = arith.extui %eq3A_3 : i1 to i32
    %cond3A = arith.constant 0 : i32
    %cond3A_4 = arith.cmpi ne, %convert_element_type3A, %cond3A : i32
    scf.if %cond3A_4 {
      "tpu.region"() ({
        %run_scoped3A = tpu.sem_alloc : memref<!tpu.dma_semaphore, #tpu.memory_space<semaphore_mem>>
        tpu.enqueue_dma source(%arg2 : memref<1000x8x128xf32, #tpu.memory_space<hbm>>) target(%arg6 : memref<1000x8x128xf32, #tpu.memory_space<vmem_shared>>) target_semaphore(%run_scoped3A : memref<!tpu.dma_semaphore, #tpu.memory_space<semaphore_mem>>)
        tpu.wait_dma2 semaphore(%run_scoped3A : memref<!tpu.dma_semaphore, #tpu.memory_space<semaphore_mem>>) src(%arg2 : memref<1000x8x128xf32, #tpu.memory_space<hbm>>) dst(%arg6 : memref<1000x8x128xf32, #tpu.memory_space<vmem_shared>>)
        tpu.yield
      }) : () -> ()
    } else {
    }
    %barrier3A = arith.constant 0 : index
    tpu.barrier barrier_id(%barrier3A)
    "tpu.region"() ({
      %run_scoped3A = tpu.sem_alloc : memref<!tpu.dma_semaphore, #tpu.memory_space<semaphore_mem>>
      %dma_start3A_136 = arith.constant 0 : i32
      %dma_start3A_137 = arith.constant 0 : i32
      %dma_start3A_138 = tpu.memref_slice %arg3[%add3A, %dma_start3A_136, %dma_start3A_137] : memref<32x64x10xi32, #tpu.memory_space<hbm>> -> memref<1x64x10xi32, #tpu.memory_space<hbm>>
      %dma_start3A_139 = tpu.memref_squeeze %dma_start3A_138 : memref<1x64x10xi32, #tpu.memory_space<hbm>> -> memref<64x10xi32, #tpu.memory_space<hbm>>
      %dma_start3A_140 = arith.constant 0 : i32
      %dma_start3A_141 = arith.constant 0 : i32
      %dma_start3A_142 = tpu.memref_slice %arg3[%add3A, %dma_start3A_140, %dma_start3A_141] : memref<32x64x10xi32, #tpu.memory_space<hbm>> -> memref<1x64x10xi32, #tpu.memory_space<hbm>>
      %dma_start3A_143 = tpu.memref_squeeze %dma_start3A_142 : memref<1x64x10xi32, #tpu.memory_space<hbm>> -> memref<64x10xi32, #tpu.memory_space<hbm>>
      tpu.enqueue_dma source(%dma_start3A_143 : memref<64x10xi32, #tpu.memory_space<hbm>>) target(%arg5 : memref<64x10xi32, #tpu.memory_space<vmem>>) target_semaphore(%run_scoped3A : memref<!tpu.dma_semaphore, #tpu.memory_space<semaphore_mem>>)
      %dma_wait3A_144 = arith.constant 0 : i32
      %dma_wait3A_145 = arith.constant 0 : i32
      %dma_wait3A_146 = tpu.memref_slice %arg3[%add3A, %dma_wait3A_144, %dma_wait3A_145] : memref<32x64x10xi32, #tpu.memory_space<hbm>> -> memref<1x64x10xi32, #tpu.memory_space<hbm>>
      %dma_wait3A_147 = tpu.memref_squeeze %dma_wait3A_146 : memref<1x64x10xi32, #tpu.memory_space<hbm>> -> memref<64x10xi32, #tpu.memory_space<hbm>>
      %dma_wait3A_148 = arith.constant 0 : i32
      %dma_wait3A_149 = arith.constant 0 : i32
      %dma_wait3A_150 = tpu.memref_slice %arg3[%add3A, %dma_wait3A_148, %dma_wait3A_149] : memref<32x64x10xi32, #tpu.memory_space<hbm>> -> memref<1x64x10xi32, #tpu.memory_space<hbm>>
      %dma_wait3A_151 = tpu.memref_squeeze %dma_wait3A_150 : memref<1x64x10xi32, #tpu.memory_space<hbm>> -> memref<64x10xi32, #tpu.memory_space<hbm>>
      tpu.wait_dma2 semaphore(%run_scoped3A : memref<!tpu.dma_semaphore, #tpu.memory_space<semaphore_mem>>) src(%dma_wait3A_151 : memref<64x10xi32, #tpu.memory_space<hbm>>) dst(%arg5 : memref<64x10xi32, #tpu.memory_space<vmem>>)
      tpu.yield
    }) : () -> ()
    %dma_start3A = arith.constant 0 : i32
    %dma_start3A_5 = arith.constant 0 : i32
    %dma_start3A_6 = tpu.memref_slice %arg5[%dma_start3A, %dma_start3A_5] : memref<64x10xi32, #tpu.memory_space<vmem>> -> memref<1x10xi32, #tpu.memory_space<vmem>>
    %dma_start3A_7 = tpu.memref_squeeze %dma_start3A_6 : memref<1x10xi32, #tpu.memory_space<vmem>> -> memref<10xi32, #tpu.memory_space<vmem>>
    %dma_start3A_8 = arith.constant 0 : i32
    %dma_start3A_9 = arith.constant 0 : i32
    %dma_start3A_10 = arith.constant 0 : i32
    %dma_start3A_11 = tpu.memref_slice %arg6[%dma_start3A_8, %dma_start3A_9, %dma_start3A_10] : memref<1000x8x128xf32, #tpu.memory_space<vmem_shared>> -> memref<1000x8x128xf32, #tpu.memory_space<vmem_shared>>
    tpu.enqueue_indirect_dma source(%dma_start3A_11 : memref<1000x8x128xf32, #tpu.memory_space<vmem_shared>>) target(%arg7 : memref<10x8x128xf32, #tpu.memory_space<vmem>>) offsets(%dma_start3A_7 : memref<10xi32, #tpu.memory_space<vmem>>) semaphore(%arg11 : memref<!tpu.dma_semaphore, #tpu.memory_space<semaphore_mem>>)
    %dma_start3A_12 = arith.constant 1 : i32
    %dma_start3A_13 = arith.constant 0 : i32
    %dma_start3A_14 = tpu.memref_slice %arg5[%dma_start3A_12, %dma_start3A_13] : memref<64x10xi32, #tpu.memory_space<vmem>> -> memref<1x10xi32, #tpu.memory_space<vmem>>
    %dma_start3A_15 = tpu.memref_squeeze %dma_start3A_14 : memref<1x10xi32, #tpu.memory_space<vmem>> -> memref<10xi32, #tpu.memory_space<vmem>>
    %dma_start3A_16 = arith.constant 0 : i32
    %dma_start3A_17 = arith.constant 0 : i32
    %dma_start3A_18 = arith.constant 0 : i32
    %dma_start3A_19 = tpu.memref_slice %arg6[%dma_start3A_16, %dma_start3A_17, %dma_start3A_18] : memref<1000x8x128xf32, #tpu.memory_space<vmem_shared>> -> memref<1000x8x128xf32, #tpu.memory_space<vmem_shared>>
    tpu.enqueue_indirect_dma source(%dma_start3A_19 : memref<1000x8x128xf32, #tpu.memory_space<vmem_shared>>) target(%arg8 : memref<10x8x128xf32, #tpu.memory_space<vmem>>) offsets(%dma_start3A_15 : memref<10xi32, #tpu.memory_space<vmem>>) semaphore(%arg12 : memref<!tpu.dma_semaphore, #tpu.memory_space<semaphore_mem>>)
    %dma_start3A_20 = arith.constant 2 : i32
    %dma_start3A_21 = arith.constant 0 : i32
    %dma_start3A_22 = tpu.memref_slice %arg5[%dma_start3A_20, %dma_start3A_21] : memref<64x10xi32, #tpu.memory_space<vmem>> -> memref<1x10xi32, #tpu.memory_space<vmem>>
    %dma_start3A_23 = tpu.memref_squeeze %dma_start3A_22 : memref<1x10xi32, #tpu.memory_space<vmem>> -> memref<10xi32, #tpu.memory_space<vmem>>
    %dma_start3A_24 = arith.constant 0 : i32
    %dma_start3A_25 = arith.constant 0 : i32
    %dma_start3A_26 = arith.constant 0 : i32
    %dma_start3A_27 = tpu.memref_slice %arg6[%dma_start3A_24, %dma_start3A_25, %dma_start3A_26] : memref<1000x8x128xf32, #tpu.memory_space<vmem_shared>> -> memref<1000x8x128xf32, #tpu.memory_space<vmem_shared>>
    tpu.enqueue_indirect_dma source(%dma_start3A_27 : memref<1000x8x128xf32, #tpu.memory_space<vmem_shared>>) target(%arg9 : memref<10x8x128xf32, #tpu.memory_space<vmem>>) offsets(%dma_start3A_23 : memref<10xi32, #tpu.memory_space<vmem>>) semaphore(%arg13 : memref<!tpu.dma_semaphore, #tpu.memory_space<semaphore_mem>>)
    %dma_start3A_28 = arith.constant 3 : i32
    %dma_start3A_29 = arith.constant 0 : i32
    %dma_start3A_30 = tpu.memref_slice %arg5[%dma_start3A_28, %dma_start3A_29] : memref<64x10xi32, #tpu.memory_space<vmem>> -> memref<1x10xi32, #tpu.memory_space<vmem>>
    %dma_start3A_31 = tpu.memref_squeeze %dma_start3A_30 : memref<1x10xi32, #tpu.memory_space<vmem>> -> memref<10xi32, #tpu.memory_space<vmem>>
    %dma_start3A_32 = arith.constant 0 : i32
    %dma_start3A_33 = arith.constant 0 : i32
    %dma_start3A_34 = arith.constant 0 : i32
    %dma_start3A_35 = tpu.memref_slice %arg6[%dma_start3A_32, %dma_start3A_33, %dma_start3A_34] : memref<1000x8x128xf32, #tpu.memory_space<vmem_shared>> -> memref<1000x8x128xf32, #tpu.memory_space<vmem_shared>>
    tpu.enqueue_indirect_dma source(%dma_start3A_35 : memref<1000x8x128xf32, #tpu.memory_space<vmem_shared>>) target(%arg10 : memref<10x8x128xf32, #tpu.memory_space<vmem>>) offsets(%dma_start3A_31 : memref<10xi32, #tpu.memory_space<vmem>>) semaphore(%arg14 : memref<!tpu.dma_semaphore, #tpu.memory_space<semaphore_mem>>)
    %scan3A = arith.constant 0 : i32
    %scan3A_36 = arith.constant 0 : i32
    %scan3A_37 = arith.constant 15 : i32
    %scan3A_38 = arith.addi %scan3A_36, %scan3A_37 : i32
    %scan3A_39 = arith.constant 1 : i32
    scf.for %scan3A_136 = %scan3A_36 to %scan3A_38 step %scan3A_39  : i32 {
      %mul3A_137 = arith.constant 4 : i32
      %mul3A_138 = arith.muli %scan3A_136, %mul3A_137 : i32
      %add3A_139 = arith.constant 0 : i32
      %add3A_140 = arith.addi %mul3A_138, %add3A_139 : i32
      %dma_wait3A_141 = arith.constant 0 : i32
      %dma_wait3A_142 = tpu.memref_slice %arg5[%add3A_140, %dma_wait3A_141] : memref<64x10xi32, #tpu.memory_space<vmem>> -> memref<1x10xi32, #tpu.memory_space<vmem>>
      %dma_wait3A_143 = tpu.memref_squeeze %dma_wait3A_142 : memref<1x10xi32, #tpu.memory_space<vmem>> -> memref<10xi32, #tpu.memory_space<vmem>>
      %dma_wait3A_144 = arith.constant 0 : i32
      %dma_wait3A_145 = arith.constant 0 : i32
      %dma_wait3A_146 = arith.constant 0 : i32
      %dma_wait3A_147 = tpu.memref_slice %arg6[%dma_wait3A_144, %dma_wait3A_145, %dma_wait3A_146] : memref<1000x8x128xf32, #tpu.memory_space<vmem_shared>> -> memref<1000x8x128xf32, #tpu.memory_space<vmem_shared>>
      tpu.wait_indirect_dma semaphore(%arg11 : memref<!tpu.dma_semaphore, #tpu.memory_space<semaphore_mem>>) src(%dma_wait3A_147 : memref<1000x8x128xf32, #tpu.memory_space<vmem_shared>>) dst(%arg7 : memref<10x8x128xf32, #tpu.memory_space<vmem>>)
      %add3A_148 = arith.constant 0 : i32
      %add3A_149 = arith.addi %mul3A_138, %add3A_148 : i32
      %mul3A_150 = arith.constant 10 : i32
      %mul3A_151 = arith.muli %add3A_149, %mul3A_150 : i32
      %add3A_152 = arith.addi %mul3A_2, %mul3A_151 : i32
      %dma_start3A_153 = arith.constant 0 : i32
      %dma_start3A_154 = arith.constant 0 : i32
      %dma_start3A_155 = tpu.memref_slice %arg4[%add3A_152, %dma_start3A_153, %dma_start3A_154] : memref<20480x8x128xf32, #tpu.memory_space<hbm>> -> memref<10x8x128xf32, #tpu.memory_space<hbm>>
      %dma_start3A_156 = arith.constant 0 : i32
      %dma_start3A_157 = arith.constant 0 : i32
      %dma_start3A_158 = tpu.memref_slice %arg4[%add3A_152, %dma_start3A_156, %dma_start3A_157] : memref<20480x8x128xf32, #tpu.memory_space<hbm>> -> memref<10x8x128xf32, #tpu.memory_space<hbm>>
      tpu.enqueue_dma source(%arg7 : memref<10x8x128xf32, #tpu.memory_space<vmem>>) target(%dma_start3A_158 : memref<10x8x128xf32, #tpu.memory_space<hbm>>) target_semaphore(%arg15 : memref<!tpu.dma_semaphore, #tpu.memory_space<semaphore_mem>>)
      %add3A_159 = arith.constant 1 : i32
      %add3A_160 = arith.addi %mul3A_138, %add3A_159 : i32
      %dma_wait3A_161 = arith.constant 0 : i32
      %dma_wait3A_162 = tpu.memref_slice %arg5[%add3A_160, %dma_wait3A_161] : memref<64x10xi32, #tpu.memory_space<vmem>> -> memref<1x10xi32, #tpu.memory_space<vmem>>
      %dma_wait3A_163 = tpu.memref_squeeze %dma_wait3A_162 : memref<1x10xi32, #tpu.memory_space<vmem>> -> memref<10xi32, #tpu.memory_space<vmem>>
      %dma_wait3A_164 = arith.constant 0 : i32
      %dma_wait3A_165 = arith.constant 0 : i32
      %dma_wait3A_166 = arith.constant 0 : i32
      %dma_wait3A_167 = tpu.memref_slice %arg6[%dma_wait3A_164, %dma_wait3A_165, %dma_wait3A_166] : memref<1000x8x128xf32, #tpu.memory_space<vmem_shared>> -> memref<1000x8x128xf32, #tpu.memory_space<vmem_shared>>
      tpu.wait_indirect_dma semaphore(%arg12 : memref<!tpu.dma_semaphore, #tpu.memory_space<semaphore_mem>>) src(%dma_wait3A_167 : memref<1000x8x128xf32, #tpu.memory_space<vmem_shared>>) dst(%arg8 : memref<10x8x128xf32, #tpu.memory_space<vmem>>)
      %add3A_168 = arith.constant 1 : i32
      %add3A_169 = arith.addi %mul3A_138, %add3A_168 : i32
      %mul3A_170 = arith.constant 10 : i32
      %mul3A_171 = arith.muli %add3A_169, %mul3A_170 : i32
      %add3A_172 = arith.addi %mul3A_2, %mul3A_171 : i32
      %dma_start3A_173 = arith.constant 0 : i32
      %dma_start3A_174 = arith.constant 0 : i32
      %dma_start3A_175 = tpu.memref_slice %arg4[%add3A_172, %dma_start3A_173, %dma_start3A_174] : memref<20480x8x128xf32, #tpu.memory_space<hbm>> -> memref<10x8x128xf32, #tpu.memory_space<hbm>>
      %dma_start3A_176 = arith.constant 0 : i32
      %dma_start3A_177 = arith.constant 0 : i32
      %dma_start3A_178 = tpu.memref_slice %arg4[%add3A_172, %dma_start3A_176, %dma_start3A_177] : memref<20480x8x128xf32, #tpu.memory_space<hbm>> -> memref<10x8x128xf32, #tpu.memory_space<hbm>>
      tpu.enqueue_dma source(%arg8 : memref<10x8x128xf32, #tpu.memory_space<vmem>>) target(%dma_start3A_178 : memref<10x8x128xf32, #tpu.memory_space<hbm>>) target_semaphore(%arg16 : memref<!tpu.dma_semaphore, #tpu.memory_space<semaphore_mem>>)
      %add3A_179 = arith.constant 2 : i32
      %add3A_180 = arith.addi %mul3A_138, %add3A_179 : i32
      %dma_wait3A_181 = arith.constant 0 : i32
      %dma_wait3A_182 = tpu.memref_slice %arg5[%add3A_180, %dma_wait3A_181] : memref<64x10xi32, #tpu.memory_space<vmem>> -> memref<1x10xi32, #tpu.memory_space<vmem>>
      %dma_wait3A_183 = tpu.memref_squeeze %dma_wait3A_182 : memref<1x10xi32, #tpu.memory_space<vmem>> -> memref<10xi32, #tpu.memory_space<vmem>>
      %dma_wait3A_184 = arith.constant 0 : i32
      %dma_wait3A_185 = arith.constant 0 : i32
      %dma_wait3A_186 = arith.constant 0 : i32
      %dma_wait3A_187 = tpu.memref_slice %arg6[%dma_wait3A_184, %dma_wait3A_185, %dma_wait3A_186] : memref<1000x8x128xf32, #tpu.memory_space<vmem_shared>> -> memref<1000x8x128xf32, #tpu.memory_space<vmem_shared>>
      tpu.wait_indirect_dma semaphore(%arg13 : memref<!tpu.dma_semaphore, #tpu.memory_space<semaphore_mem>>) src(%dma_wait3A_187 : memref<1000x8x128xf32, #tpu.memory_space<vmem_shared>>) dst(%arg9 : memref<10x8x128xf32, #tpu.memory_space<vmem>>)
      %add3A_188 = arith.constant 2 : i32
      %add3A_189 = arith.addi %mul3A_138, %add3A_188 : i32
      %mul3A_190 = arith.constant 10 : i32
      %mul3A_191 = arith.muli %add3A_189, %mul3A_190 : i32
      %add3A_192 = arith.addi %mul3A_2, %mul3A_191 : i32
      %dma_start3A_193 = arith.constant 0 : i32
      %dma_start3A_194 = arith.constant 0 : i32
      %dma_start3A_195 = tpu.memref_slice %arg4[%add3A_192, %dma_start3A_193, %dma_start3A_194] : memref<20480x8x128xf32, #tpu.memory_space<hbm>> -> memref<10x8x128xf32, #tpu.memory_space<hbm>>
      %dma_start3A_196 = arith.constant 0 : i32
      %dma_start3A_197 = arith.constant 0 : i32
      %dma_start3A_198 = tpu.memref_slice %arg4[%add3A_192, %dma_start3A_196, %dma_start3A_197] : memref<20480x8x128xf32, #tpu.memory_space<hbm>> -> memref<10x8x128xf32, #tpu.memory_space<hbm>>
      tpu.enqueue_dma source(%arg9 : memref<10x8x128xf32, #tpu.memory_space<vmem>>) target(%dma_start3A_198 : memref<10x8x128xf32, #tpu.memory_space<hbm>>) target_semaphore(%arg17 : memref<!tpu.dma_semaphore, #tpu.memory_space<semaphore_mem>>)
      %add3A_199 = arith.constant 3 : i32
      %add3A_200 = arith.addi %mul3A_138, %add3A_199 : i32
      %dma_wait3A_201 = arith.constant 0 : i32
      %dma_wait3A_202 = tpu.memref_slice %arg5[%add3A_200, %dma_wait3A_201] : memref<64x10xi32, #tpu.memory_space<vmem>> -> memref<1x10xi32, #tpu.memory_space<vmem>>
      %dma_wait3A_203 = tpu.memref_squeeze %dma_wait3A_202 : memref<1x10xi32, #tpu.memory_space<vmem>> -> memref<10xi32, #tpu.memory_space<vmem>>
      %dma_wait3A_204 = arith.constant 0 : i32
      %dma_wait3A_205 = arith.constant 0 : i32
      %dma_wait3A_206 = arith.constant 0 : i32
      %dma_wait3A_207 = tpu.memref_slice %arg6[%dma_wait3A_204, %dma_wait3A_205, %dma_wait3A_206] : memref<1000x8x128xf32, #tpu.memory_space<vmem_shared>> -> memref<1000x8x128xf32, #tpu.memory_space<vmem_shared>>
      tpu.wait_indirect_dma semaphore(%arg14 : memref<!tpu.dma_semaphore, #tpu.memory_space<semaphore_mem>>) src(%dma_wait3A_207 : memref<1000x8x128xf32, #tpu.memory_space<vmem_shared>>) dst(%arg10 : memref<10x8x128xf32, #tpu.memory_space<vmem>>)
      %add3A_208 = arith.constant 3 : i32
      %add3A_209 = arith.addi %mul3A_138, %add3A_208 : i32
      %mul3A_210 = arith.constant 10 : i32
      %mul3A_211 = arith.muli %add3A_209, %mul3A_210 : i32
      %add3A_212 = arith.addi %mul3A_2, %mul3A_211 : i32
      %dma_start3A_213 = arith.constant 0 : i32
      %dma_start3A_214 = arith.constant 0 : i32
      %dma_start3A_215 = tpu.memref_slice %arg4[%add3A_212, %dma_start3A_213, %dma_start3A_214] : memref<20480x8x128xf32, #tpu.memory_space<hbm>> -> memref<10x8x128xf32, #tpu.memory_space<hbm>>
      %dma_start3A_216 = arith.constant 0 : i32
      %dma_start3A_217 = arith.constant 0 : i32
      %dma_start3A_218 = tpu.memref_slice %arg4[%add3A_212, %dma_start3A_216, %dma_start3A_217] : memref<20480x8x128xf32, #tpu.memory_space<hbm>> -> memref<10x8x128xf32, #tpu.memory_space<hbm>>
      tpu.enqueue_dma source(%arg10 : memref<10x8x128xf32, #tpu.memory_space<vmem>>) target(%dma_start3A_218 : memref<10x8x128xf32, #tpu.memory_space<hbm>>) target_semaphore(%arg18 : memref<!tpu.dma_semaphore, #tpu.memory_space<semaphore_mem>>)
      %add3A_219 = arith.constant 0 : i32
      %add3A_220 = arith.addi %mul3A_138, %add3A_219 : i32
      %mul3A_221 = arith.constant 10 : i32
      %mul3A_222 = arith.muli %add3A_220, %mul3A_221 : i32
      %add3A_223 = arith.addi %mul3A_2, %mul3A_222 : i32
      %dma_wait3A_224 = arith.constant 0 : i32
      %dma_wait3A_225 = arith.constant 0 : i32
      %dma_wait3A_226 = tpu.memref_slice %arg4[%add3A_223, %dma_wait3A_224, %dma_wait3A_225] : memref<20480x8x128xf32, #tpu.memory_space<hbm>> -> memref<10x8x128xf32, #tpu.memory_space<hbm>>
      %dma_wait3A_227 = arith.constant 0 : i32
      %dma_wait3A_228 = arith.constant 0 : i32
      %dma_wait3A_229 = tpu.memref_slice %arg4[%add3A_223, %dma_wait3A_227, %dma_wait3A_228] : memref<20480x8x128xf32, #tpu.memory_space<hbm>> -> memref<10x8x128xf32, #tpu.memory_space<hbm>>
      tpu.wait_dma2 semaphore(%arg15 : memref<!tpu.dma_semaphore, #tpu.memory_space<semaphore_mem>>) src(%arg7 : memref<10x8x128xf32, #tpu.memory_space<vmem>>) dst(%dma_wait3A_229 : memref<10x8x128xf32, #tpu.memory_space<hbm>>)
      %add3A_230 = arith.constant 4 : i32
      %add3A_231 = arith.addi %mul3A_138, %add3A_230 : i32
      %add3A_232 = arith.constant 0 : i32
      %add3A_233 = arith.addi %add3A_231, %add3A_232 : i32
      %dma_start3A_234 = arith.constant 0 : i32
      %dma_start3A_235 = tpu.memref_slice %arg5[%add3A_233, %dma_start3A_234] : memref<64x10xi32, #tpu.memory_space<vmem>> -> memref<1x10xi32, #tpu.memory_space<vmem>>
      %dma_start3A_236 = tpu.memref_squeeze %dma_start3A_235 : memref<1x10xi32, #tpu.memory_space<vmem>> -> memref<10xi32, #tpu.memory_space<vmem>>
      %dma_start3A_237 = arith.constant 0 : i32
      %dma_start3A_238 = arith.constant 0 : i32
      %dma_start3A_239 = arith.constant 0 : i32
      %dma_start3A_240 = tpu.memref_slice %arg6[%dma_start3A_237, %dma_start3A_238, %dma_start3A_239] : memref<1000x8x128xf32, #tpu.memory_space<vmem_shared>> -> memref<1000x8x128xf32, #tpu.memory_space<vmem_shared>>
      tpu.enqueue_indirect_dma source(%dma_start3A_240 : memref<1000x8x128xf32, #tpu.memory_space<vmem_shared>>) target(%arg7 : memref<10x8x128xf32, #tpu.memory_space<vmem>>) offsets(%dma_start3A_236 : memref<10xi32, #tpu.memory_space<vmem>>) semaphore(%arg11 : memref<!tpu.dma_semaphore, #tpu.memory_space<semaphore_mem>>)
      %add3A_241 = arith.constant 1 : i32
      %add3A_242 = arith.addi %mul3A_138, %add3A_241 : i32
      %mul3A_243 = arith.constant 10 : i32
      %mul3A_244 = arith.muli %add3A_242, %mul3A_243 : i32
      %add3A_245 = arith.addi %mul3A_2, %mul3A_244 : i32
      %dma_wait3A_246 = arith.constant 0 : i32
      %dma_wait3A_247 = arith.constant 0 : i32
      %dma_wait3A_248 = tpu.memref_slice %arg4[%add3A_245, %dma_wait3A_246, %dma_wait3A_247] : memref<20480x8x128xf32, #tpu.memory_space<hbm>> -> memref<10x8x128xf32, #tpu.memory_space<hbm>>
      %dma_wait3A_249 = arith.constant 0 : i32
      %dma_wait3A_250 = arith.constant 0 : i32
      %dma_wait3A_251 = tpu.memref_slice %arg4[%add3A_245, %dma_wait3A_249, %dma_wait3A_250] : memref<20480x8x128xf32, #tpu.memory_space<hbm>> -> memref<10x8x128xf32, #tpu.memory_space<hbm>>
      tpu.wait_dma2 semaphore(%arg16 : memref<!tpu.dma_semaphore, #tpu.memory_space<semaphore_mem>>) src(%arg8 : memref<10x8x128xf32, #tpu.memory_space<vmem>>) dst(%dma_wait3A_251 : memref<10x8x128xf32, #tpu.memory_space<hbm>>)
      %add3A_252 = arith.constant 4 : i32
      %add3A_253 = arith.addi %mul3A_138, %add3A_252 : i32
      %add3A_254 = arith.constant 1 : i32
      %add3A_255 = arith.addi %add3A_253, %add3A_254 : i32
      %dma_start3A_256 = arith.constant 0 : i32
      %dma_start3A_257 = tpu.memref_slice %arg5[%add3A_255, %dma_start3A_256] : memref<64x10xi32, #tpu.memory_space<vmem>> -> memref<1x10xi32, #tpu.memory_space<vmem>>
      %dma_start3A_258 = tpu.memref_squeeze %dma_start3A_257 : memref<1x10xi32, #tpu.memory_space<vmem>> -> memref<10xi32, #tpu.memory_space<vmem>>
      %dma_start3A_259 = arith.constant 0 : i32
      %dma_start3A_260 = arith.constant 0 : i32
      %dma_start3A_261 = arith.constant 0 : i32
      %dma_start3A_262 = tpu.memref_slice %arg6[%dma_start3A_259, %dma_start3A_260, %dma_start3A_261] : memref<1000x8x128xf32, #tpu.memory_space<vmem_shared>> -> memref<1000x8x128xf32, #tpu.memory_space<vmem_shared>>
      tpu.enqueue_indirect_dma source(%dma_start3A_262 : memref<1000x8x128xf32, #tpu.memory_space<vmem_shared>>) target(%arg8 : memref<10x8x128xf32, #tpu.memory_space<vmem>>) offsets(%dma_start3A_258 : memref<10xi32, #tpu.memory_space<vmem>>) semaphore(%arg12 : memref<!tpu.dma_semaphore, #tpu.memory_space<semaphore_mem>>)
      %add3A_263 = arith.constant 2 : i32
      %add3A_264 = arith.addi %mul3A_138, %add3A_263 : i32
      %mul3A_265 = arith.constant 10 : i32
      %mul3A_266 = arith.muli %add3A_264, %mul3A_265 : i32
      %add3A_267 = arith.addi %mul3A_2, %mul3A_266 : i32
      %dma_wait3A_268 = arith.constant 0 : i32
      %dma_wait3A_269 = arith.constant 0 : i32
      %dma_wait3A_270 = tpu.memref_slice %arg4[%add3A_267, %dma_wait3A_268, %dma_wait3A_269] : memref<20480x8x128xf32, #tpu.memory_space<hbm>> -> memref<10x8x128xf32, #tpu.memory_space<hbm>>
      %dma_wait3A_271 = arith.constant 0 : i32
      %dma_wait3A_272 = arith.constant 0 : i32
      %dma_wait3A_273 = tpu.memref_slice %arg4[%add3A_267, %dma_wait3A_271, %dma_wait3A_272] : memref<20480x8x128xf32, #tpu.memory_space<hbm>> -> memref<10x8x128xf32, #tpu.memory_space<hbm>>
      tpu.wait_dma2 semaphore(%arg17 : memref<!tpu.dma_semaphore, #tpu.memory_space<semaphore_mem>>) src(%arg9 : memref<10x8x128xf32, #tpu.memory_space<vmem>>) dst(%dma_wait3A_273 : memref<10x8x128xf32, #tpu.memory_space<hbm>>)
      %add3A_274 = arith.constant 4 : i32
      %add3A_275 = arith.addi %mul3A_138, %add3A_274 : i32
      %add3A_276 = arith.constant 2 : i32
      %add3A_277 = arith.addi %add3A_275, %add3A_276 : i32
      %dma_start3A_278 = arith.constant 0 : i32
      %dma_start3A_279 = tpu.memref_slice %arg5[%add3A_277, %dma_start3A_278] : memref<64x10xi32, #tpu.memory_space<vmem>> -> memref<1x10xi32, #tpu.memory_space<vmem>>
      %dma_start3A_280 = tpu.memref_squeeze %dma_start3A_279 : memref<1x10xi32, #tpu.memory_space<vmem>> -> memref<10xi32, #tpu.memory_space<vmem>>
      %dma_start3A_281 = arith.constant 0 : i32
      %dma_start3A_282 = arith.constant 0 : i32
      %dma_start3A_283 = arith.constant 0 : i32
      %dma_start3A_284 = tpu.memref_slice %arg6[%dma_start3A_281, %dma_start3A_282, %dma_start3A_283] : memref<1000x8x128xf32, #tpu.memory_space<vmem_shared>> -> memref<1000x8x128xf32, #tpu.memory_space<vmem_shared>>
      tpu.enqueue_indirect_dma source(%dma_start3A_284 : memref<1000x8x128xf32, #tpu.memory_space<vmem_shared>>) target(%arg9 : memref<10x8x128xf32, #tpu.memory_space<vmem>>) offsets(%dma_start3A_280 : memref<10xi32, #tpu.memory_space<vmem>>) semaphore(%arg13 : memref<!tpu.dma_semaphore, #tpu.memory_space<semaphore_mem>>)
      %add3A_285 = arith.constant 3 : i32
      %add3A_286 = arith.addi %mul3A_138, %add3A_285 : i32
      %mul3A_287 = arith.constant 10 : i32
      %mul3A_288 = arith.muli %add3A_286, %mul3A_287 : i32
      %add3A_289 = arith.addi %mul3A_2, %mul3A_288 : i32
      %dma_wait3A_290 = arith.constant 0 : i32
      %dma_wait3A_291 = arith.constant 0 : i32
      %dma_wait3A_292 = tpu.memref_slice %arg4[%add3A_289, %dma_wait3A_290, %dma_wait3A_291] : memref<20480x8x128xf32, #tpu.memory_space<hbm>> -> memref<10x8x128xf32, #tpu.memory_space<hbm>>
      %dma_wait3A_293 = arith.constant 0 : i32
      %dma_wait3A_294 = arith.constant 0 : i32
      %dma_wait3A_295 = tpu.memref_slice %arg4[%add3A_289, %dma_wait3A_293, %dma_wait3A_294] : memref<20480x8x128xf32, #tpu.memory_space<hbm>> -> memref<10x8x128xf32, #tpu.memory_space<hbm>>
      tpu.wait_dma2 semaphore(%arg18 : memref<!tpu.dma_semaphore, #tpu.memory_space<semaphore_mem>>) src(%arg10 : memref<10x8x128xf32, #tpu.memory_space<vmem>>) dst(%dma_wait3A_295 : memref<10x8x128xf32, #tpu.memory_space<hbm>>)
      %add3A_296 = arith.constant 4 : i32
      %add3A_297 = arith.addi %mul3A_138, %add3A_296 : i32
      %add3A_298 = arith.constant 3 : i32
      %add3A_299 = arith.addi %add3A_297, %add3A_298 : i32
      %dma_start3A_300 = arith.constant 0 : i32
      %dma_start3A_301 = tpu.memref_slice %arg5[%add3A_299, %dma_start3A_300] : memref<64x10xi32, #tpu.memory_space<vmem>> -> memref<1x10xi32, #tpu.memory_space<vmem>>
      %dma_start3A_302 = tpu.memref_squeeze %dma_start3A_301 : memref<1x10xi32, #tpu.memory_space<vmem>> -> memref<10xi32, #tpu.memory_space<vmem>>
      %dma_start3A_303 = arith.constant 0 : i32
      %dma_start3A_304 = arith.constant 0 : i32
      %dma_start3A_305 = arith.constant 0 : i32
      %dma_start3A_306 = tpu.memref_slice %arg6[%dma_start3A_303, %dma_start3A_304, %dma_start3A_305] : memref<1000x8x128xf32, #tpu.memory_space<vmem_shared>> -> memref<1000x8x128xf32, #tpu.memory_space<vmem_shared>>
      tpu.enqueue_indirect_dma source(%dma_start3A_306 : memref<1000x8x128xf32, #tpu.memory_space<vmem_shared>>) target(%arg10 : memref<10x8x128xf32, #tpu.memory_space<vmem>>) offsets(%dma_start3A_302 : memref<10xi32, #tpu.memory_space<vmem>>) semaphore(%arg14 : memref<!tpu.dma_semaphore, #tpu.memory_space<semaphore_mem>>)
    }
    %scan3A_40 = arith.constant 15 : i32
    %dma_wait3A = arith.constant 60 : i32
    %dma_wait3A_41 = arith.constant 0 : i32
    %dma_wait3A_42 = tpu.memref_slice %arg5[%dma_wait3A, %dma_wait3A_41] : memref<64x10xi32, #tpu.memory_space<vmem>> -> memref<1x10xi32, #tpu.memory_space<vmem>>
    %dma_wait3A_43 = tpu.memref_squeeze %dma_wait3A_42 : memref<1x10xi32, #tpu.memory_space<vmem>> -> memref<10xi32, #tpu.memory_space<vmem>>
    %dma_wait3A_44 = arith.constant 0 : i32
    %dma_wait3A_45 = arith.constant 0 : i32
    %dma_wait3A_46 = arith.constant 0 : i32
    %dma_wait3A_47 = tpu.memref_slice %arg6[%dma_wait3A_44, %dma_wait3A_45, %dma_wait3A_46] : memref<1000x8x128xf32, #tpu.memory_space<vmem_shared>> -> memref<1000x8x128xf32, #tpu.memory_space<vmem_shared>>
    tpu.wait_indirect_dma semaphore(%arg11 : memref<!tpu.dma_semaphore, #tpu.memory_space<semaphore_mem>>) src(%dma_wait3A_47 : memref<1000x8x128xf32, #tpu.memory_space<vmem_shared>>) dst(%arg7 : memref<10x8x128xf32, #tpu.memory_space<vmem>>)
    %add3A_48 = arith.constant 600 : i32
    %add3A_49 = arith.addi %mul3A_2, %add3A_48 : i32
    %dma_start3A_50 = arith.constant 0 : i32
    %dma_start3A_51 = arith.constant 0 : i32
    %dma_start3A_52 = tpu.memref_slice %arg4[%add3A_49, %dma_start3A_50, %dma_start3A_51] : memref<20480x8x128xf32, #tpu.memory_space<hbm>> -> memref<10x8x128xf32, #tpu.memory_space<hbm>>
    %dma_start3A_53 = arith.constant 0 : i32
    %dma_start3A_54 = arith.constant 0 : i32
    %dma_start3A_55 = tpu.memref_slice %arg4[%add3A_49, %dma_start3A_53, %dma_start3A_54] : memref<20480x8x128xf32, #tpu.memory_space<hbm>> -> memref<10x8x128xf32, #tpu.memory_space<hbm>>
    tpu.enqueue_dma source(%arg7 : memref<10x8x128xf32, #tpu.memory_space<vmem>>) target(%dma_start3A_55 : memref<10x8x128xf32, #tpu.memory_space<hbm>>) target_semaphore(%arg15 : memref<!tpu.dma_semaphore, #tpu.memory_space<semaphore_mem>>)
    %dma_wait3A_56 = arith.constant 61 : i32
    %dma_wait3A_57 = arith.constant 0 : i32
    %dma_wait3A_58 = tpu.memref_slice %arg5[%dma_wait3A_56, %dma_wait3A_57] : memref<64x10xi32, #tpu.memory_space<vmem>> -> memref<1x10xi32, #tpu.memory_space<vmem>>
    %dma_wait3A_59 = tpu.memref_squeeze %dma_wait3A_58 : memref<1x10xi32, #tpu.memory_space<vmem>> -> memref<10xi32, #tpu.memory_space<vmem>>
    %dma_wait3A_60 = arith.constant 0 : i32
    %dma_wait3A_61 = arith.constant 0 : i32
    %dma_wait3A_62 = arith.constant 0 : i32
    %dma_wait3A_63 = tpu.memref_slice %arg6[%dma_wait3A_60, %dma_wait3A_61, %dma_wait3A_62] : memref<1000x8x128xf32, #tpu.memory_space<vmem_shared>> -> memref<1000x8x128xf32, #tpu.memory_space<vmem_shared>>
    tpu.wait_indirect_dma semaphore(%arg12 : memref<!tpu.dma_semaphore, #tpu.memory_space<semaphore_mem>>) src(%dma_wait3A_63 : memref<1000x8x128xf32, #tpu.memory_space<vmem_shared>>) dst(%arg8 : memref<10x8x128xf32, #tpu.memory_space<vmem>>)
    %add3A_64 = arith.constant 610 : i32
    %add3A_65 = arith.addi %mul3A_2, %add3A_64 : i32
    %dma_start3A_66 = arith.constant 0 : i32
    %dma_start3A_67 = arith.constant 0 : i32
    %dma_start3A_68 = tpu.memref_slice %arg4[%add3A_65, %dma_start3A_66, %dma_start3A_67] : memref<20480x8x128xf32, #tpu.memory_space<hbm>> -> memref<10x8x128xf32, #tpu.memory_space<hbm>>
    %dma_start3A_69 = arith.constant 0 : i32
    %dma_start3A_70 = arith.constant 0 : i32
    %dma_start3A_71 = tpu.memref_slice %arg4[%add3A_65, %dma_start3A_69, %dma_start3A_70] : memref<20480x8x128xf32, #tpu.memory_space<hbm>> -> memref<10x8x128xf32, #tpu.memory_space<hbm>>
    tpu.enqueue_dma source(%arg8 : memref<10x8x128xf32, #tpu.memory_space<vmem>>) target(%dma_start3A_71 : memref<10x8x128xf32, #tpu.memory_space<hbm>>) target_semaphore(%arg16 : memref<!tpu.dma_semaphore, #tpu.memory_space<semaphore_mem>>)
    %dma_wait3A_72 = arith.constant 62 : i32
    %dma_wait3A_73 = arith.constant 0 : i32
    %dma_wait3A_74 = tpu.memref_slice %arg5[%dma_wait3A_72, %dma_wait3A_73] : memref<64x10xi32, #tpu.memory_space<vmem>> -> memref<1x10xi32, #tpu.memory_space<vmem>>
    %dma_wait3A_75 = tpu.memref_squeeze %dma_wait3A_74 : memref<1x10xi32, #tpu.memory_space<vmem>> -> memref<10xi32, #tpu.memory_space<vmem>>
    %dma_wait3A_76 = arith.constant 0 : i32
    %dma_wait3A_77 = arith.constant 0 : i32
    %dma_wait3A_78 = arith.constant 0 : i32
    %dma_wait3A_79 = tpu.memref_slice %arg6[%dma_wait3A_76, %dma_wait3A_77, %dma_wait3A_78] : memref<1000x8x128xf32, #tpu.memory_space<vmem_shared>> -> memref<1000x8x128xf32, #tpu.memory_space<vmem_shared>>
    tpu.wait_indirect_dma semaphore(%arg13 : memref<!tpu.dma_semaphore, #tpu.memory_space<semaphore_mem>>) src(%dma_wait3A_79 : memref<1000x8x128xf32, #tpu.memory_space<vmem_shared>>) dst(%arg9 : memref<10x8x128xf32, #tpu.memory_space<vmem>>)
    %add3A_80 = arith.constant 620 : i32
    %add3A_81 = arith.addi %mul3A_2, %add3A_80 : i32
    %dma_start3A_82 = arith.constant 0 : i32
    %dma_start3A_83 = arith.constant 0 : i32
    %dma_start3A_84 = tpu.memref_slice %arg4[%add3A_81, %dma_start3A_82, %dma_start3A_83] : memref<20480x8x128xf32, #tpu.memory_space<hbm>> -> memref<10x8x128xf32, #tpu.memory_space<hbm>>
    %dma_start3A_85 = arith.constant 0 : i32
    %dma_start3A_86 = arith.constant 0 : i32
    %dma_start3A_87 = tpu.memref_slice %arg4[%add3A_81, %dma_start3A_85, %dma_start3A_86] : memref<20480x8x128xf32, #tpu.memory_space<hbm>> -> memref<10x8x128xf32, #tpu.memory_space<hbm>>
    tpu.enqueue_dma source(%arg9 : memref<10x8x128xf32, #tpu.memory_space<vmem>>) target(%dma_start3A_87 : memref<10x8x128xf32, #tpu.memory_space<hbm>>) target_semaphore(%arg17 : memref<!tpu.dma_semaphore, #tpu.memory_space<semaphore_mem>>)
    %dma_wait3A_88 = arith.constant 63 : i32
    %dma_wait3A_89 = arith.constant 0 : i32
    %dma_wait3A_90 = tpu.memref_slice %arg5[%dma_wait3A_88, %dma_wait3A_89] : memref<64x10xi32, #tpu.memory_space<vmem>> -> memref<1x10xi32, #tpu.memory_space<vmem>>
    %dma_wait3A_91 = tpu.memref_squeeze %dma_wait3A_90 : memref<1x10xi32, #tpu.memory_space<vmem>> -> memref<10xi32, #tpu.memory_space<vmem>>
    %dma_wait3A_92 = arith.constant 0 : i32
    %dma_wait3A_93 = arith.constant 0 : i32
    %dma_wait3A_94 = arith.constant 0 : i32
    %dma_wait3A_95 = tpu.memref_slice %arg6[%dma_wait3A_92, %dma_wait3A_93, %dma_wait3A_94] : memref<1000x8x128xf32, #tpu.memory_space<vmem_shared>> -> memref<1000x8x128xf32, #tpu.memory_space<vmem_shared>>
    tpu.wait_indirect_dma semaphore(%arg14 : memref<!tpu.dma_semaphore, #tpu.memory_space<semaphore_mem>>) src(%dma_wait3A_95 : memref<1000x8x128xf32, #tpu.memory_space<vmem_shared>>) dst(%arg10 : memref<10x8x128xf32, #tpu.memory_space<vmem>>)
    %add3A_96 = arith.constant 630 : i32
    %add3A_97 = arith.addi %mul3A_2, %add3A_96 : i32
    %dma_start3A_98 = arith.constant 0 : i32
    %dma_start3A_99 = arith.constant 0 : i32
    %dma_start3A_100 = tpu.memref_slice %arg4[%add3A_97, %dma_start3A_98, %dma_start3A_99] : memref<20480x8x128xf32, #tpu.memory_space<hbm>> -> memref<10x8x128xf32, #tpu.memory_space<hbm>>
    %dma_start3A_101 = arith.constant 0 : i32
    %dma_start3A_102 = arith.constant 0 : i32
    %dma_start3A_103 = tpu.memref_slice %arg4[%add3A_97, %dma_start3A_101, %dma_start3A_102] : memref<20480x8x128xf32, #tpu.memory_space<hbm>> -> memref<10x8x128xf32, #tpu.memory_space<hbm>>
    tpu.enqueue_dma source(%arg10 : memref<10x8x128xf32, #tpu.memory_space<vmem>>) target(%dma_start3A_103 : memref<10x8x128xf32, #tpu.memory_space<hbm>>) target_semaphore(%arg18 : memref<!tpu.dma_semaphore, #tpu.memory_space<semaphore_mem>>)
    %add3A_104 = arith.constant 600 : i32
    %add3A_105 = arith.addi %mul3A_2, %add3A_104 : i32
    %dma_wait3A_106 = arith.constant 0 : i32
    %dma_wait3A_107 = arith.constant 0 : i32
    %dma_wait3A_108 = tpu.memref_slice %arg4[%add3A_105, %dma_wait3A_106, %dma_wait3A_107] : memref<20480x8x128xf32, #tpu.memory_space<hbm>> -> memref<10x8x128xf32, #tpu.memory_space<hbm>>
    %dma_wait3A_109 = arith.constant 0 : i32
    %dma_wait3A_110 = arith.constant 0 : i32
    %dma_wait3A_111 = tpu.memref_slice %arg4[%add3A_105, %dma_wait3A_109, %dma_wait3A_110] : memref<20480x8x128xf32, #tpu.memory_space<hbm>> -> memref<10x8x128xf32, #tpu.memory_space<hbm>>
    tpu.wait_dma2 semaphore(%arg15 : memref<!tpu.dma_semaphore, #tpu.memory_space<semaphore_mem>>) src(%arg7 : memref<10x8x128xf32, #tpu.memory_space<vmem>>) dst(%dma_wait3A_111 : memref<10x8x128xf32, #tpu.memory_space<hbm>>)
    %add3A_112 = arith.constant 610 : i32
    %add3A_113 = arith.addi %mul3A_2, %add3A_112 : i32
    %dma_wait3A_114 = arith.constant 0 : i32
    %dma_wait3A_115 = arith.constant 0 : i32
    %dma_wait3A_116 = tpu.memref_slice %arg4[%add3A_113, %dma_wait3A_114, %dma_wait3A_115] : memref<20480x8x128xf32, #tpu.memory_space<hbm>> -> memref<10x8x128xf32, #tpu.memory_space<hbm>>
    %dma_wait3A_117 = arith.constant 0 : i32
    %dma_wait3A_118 = arith.constant 0 : i32
    %dma_wait3A_119 = tpu.memref_slice %arg4[%add3A_113, %dma_wait3A_117, %dma_wait3A_118] : memref<20480x8x128xf32, #tpu.memory_space<hbm>> -> memref<10x8x128xf32, #tpu.memory_space<hbm>>
    tpu.wait_dma2 semaphore(%arg16 : memref<!tpu.dma_semaphore, #tpu.memory_space<semaphore_mem>>) src(%arg8 : memref<10x8x128xf32, #tpu.memory_space<vmem>>) dst(%dma_wait3A_119 : memref<10x8x128xf32, #tpu.memory_space<hbm>>)
    %add3A_120 = arith.constant 620 : i32
    %add3A_121 = arith.addi %mul3A_2, %add3A_120 : i32
    %dma_wait3A_122 = arith.constant 0 : i32
    %dma_wait3A_123 = arith.constant 0 : i32
    %dma_wait3A_124 = tpu.memref_slice %arg4[%add3A_121, %dma_wait3A_122, %dma_wait3A_123] : memref<20480x8x128xf32, #tpu.memory_space<hbm>> -> memref<10x8x128xf32, #tpu.memory_space<hbm>>
    %dma_wait3A_125 = arith.constant 0 : i32
    %dma_wait3A_126 = arith.constant 0 : i32
    %dma_wait3A_127 = tpu.memref_slice %arg4[%add3A_121, %dma_wait3A_125, %dma_wait3A_126] : memref<20480x8x128xf32, #tpu.memory_space<hbm>> -> memref<10x8x128xf32, #tpu.memory_space<hbm>>
    tpu.wait_dma2 semaphore(%arg17 : memref<!tpu.dma_semaphore, #tpu.memory_space<semaphore_mem>>) src(%arg9 : memref<10x8x128xf32, #tpu.memory_space<vmem>>) dst(%dma_wait3A_127 : memref<10x8x128xf32, #tpu.memory_space<hbm>>)
    %add3A_128 = arith.constant 630 : i32
    %add3A_129 = arith.addi %mul3A_2, %add3A_128 : i32
    %dma_wait3A_130 = arith.constant 0 : i32
    %dma_wait3A_131 = arith.constant 0 : i32
    %dma_wait3A_132 = tpu.memref_slice %arg4[%add3A_129, %dma_wait3A_130, %dma_wait3A_131] : memref<20480x8x128xf32, #tpu.memory_space<hbm>> -> memref<10x8x128xf32, #tpu.memory_space<hbm>>
    %dma_wait3A_133 = arith.constant 0 : i32
    %dma_wait3A_134 = arith.constant 0 : i32
    %dma_wait3A_135 = tpu.memref_slice %arg4[%add3A_129, %dma_wait3A_133, %dma_wait3A_134] : memref<20480x8x128xf32, #tpu.memory_space<hbm>> -> memref<10x8x128xf32, #tpu.memory_space<hbm>>
    tpu.wait_dma2 semaphore(%arg18 : memref<!tpu.dma_semaphore, #tpu.memory_space<semaphore_mem>>) src(%arg10 : memref<10x8x128xf32, #tpu.memory_space<vmem>>) dst(%dma_wait3A_135 : memref<10x8x128xf32, #tpu.memory_space<hbm>>)
    return
  }
}

module attributes {stable_mosaic.version = 14 : i64} {
  func.func @_compact_next_body(%arg0: i32, %arg1: i32, %arg2: memref<2048x8x128xf32, #tpu.memory_space<vmem>>, %arg3: memref<20x1000x4096xf32, #tpu.memory_space<any>>, %arg4: memref<1x1000x2048xf32, #tpu.memory_space<vmem>>) attributes {dimension_semantics = [#tpu.dimension_semantics<arbitrary>, #tpu.dimension_semantics<arbitrary>], iteration_bounds = array<i64: 5, 2>, scalar_prefetch = 0 : i64, scratch_operands = 0 : i64, tpu.core_type = #tpu.core_type<tc>, window_params = [{transform_indices = @transform_0, window_bounds = array<i64: 2048, 8, 128>}, {}, {transform_indices = @transform_2, window_bounds = array<i64: 1, 1000, 2048>}]} {
    %get3A = arith.constant 0 : index
    %get3A_0 = arith.constant 0 : index
    %get3A_1 = arith.constant 0 : index
    %get3A_2 = vector.load %arg2[%get3A, %get3A_0, %get3A_1] : memref<2048x8x128xf32, #tpu.memory_space<vmem>>, vector<2048x8x128xf32>
    %reshape3A = vector.shape_cast %get3A_2 : vector<2048x8x128xf32> to vector<2048x1024xf32>
    %slice3A = vector.extract_strided_slice %reshape3A {offsets = [0, 0], sizes = [2048, 1000], strides = [1, 1]} : vector<2048x1024xf32> to vector<2048x1000xf32>
    %transpose3A = tpu.transpose %slice3A, [1, 0] : vector<2048x1000xf32> -> vector<1000x2048xf32>
    %broadcast_in_dim3A = vector.shape_cast %transpose3A : vector<1000x2048xf32> to vector<1x1000x2048xf32>
    %swap3A = arith.constant 0 : index
    %swap3A_3 = arith.constant 0 : index
    %swap3A_4 = arith.constant 0 : index
    %swap3A_5 = vector.load %arg4[%swap3A, %swap3A_3, %swap3A_4] : memref<1x1000x2048xf32, #tpu.memory_space<vmem>>, vector<1x1000x2048xf32>
    tpu.vector_store %arg4[%swap3A, %swap3A_3, %swap3A_4], %broadcast_in_dim3A {strides = array<i32>} : memref<1x1000x2048xf32, #tpu.memory_space<vmem>>, vector<1x1000x2048xf32>,
    return
  }
  func.func @transform_0(%arg0: i32, %arg1: i32) -> (i32, i32, i32) {
    %mul3A = arith.constant 2 : i32
    %mul3A_0 = arith.muli %arg0, %mul3A : i32
    %add3A = arith.addi %mul3A_0, %arg1 : i32
    %c0_i32 = arith.constant 0 : i32
    %c0_i32_1 = arith.constant 0 : i32
    %c0_i32_2 = arith.constant 0 : i32
    return %add3A, %c0_i32, %c0_i32_1 : i32, i32, i32
  }
  func.func @transform_2(%arg0: i32, %arg1: i32) -> (i32, i32, i32) {
    %add3A = arith.constant 5 : i32
    %add3A_0 = arith.addi %add3A, %arg0 : i32
    %c0_i32 = arith.constant 0 : i32
    %c0_i32_1 = arith.constant 0 : i32
    return %add3A_0, %c0_i32, %arg1 : i32, i32, i32
  }
}

module attributes {stable_mosaic.version = 14 : i64} {
  func.func @_compact_next_body(%arg0: i32, %arg1: i32, %arg2: memref<2048x8x128xf32, #tpu.memory_space<vmem>>, %arg3: memref<20x1000x4096xf32, #tpu.memory_space<any>>, %arg4: memref<1x1000x2048xf32, #tpu.memory_space<vmem>>) attributes {dimension_semantics = [#tpu.dimension_semantics<arbitrary>, #tpu.dimension_semantics<arbitrary>], iteration_bounds = array<i64: 5, 2>, scalar_prefetch = 0 : i64, scratch_operands = 0 : i64, tpu.core_type = #tpu.core_type<tc>, window_params = [{transform_indices = @transform_0, window_bounds = array<i64: 2048, 8, 128>}, {}, {transform_indices = @transform_2, window_bounds = array<i64: 1, 1000, 2048>}]} {
    %get3A = arith.constant 0 : index
    %get3A_0 = arith.constant 0 : index
    %get3A_1 = arith.constant 0 : index
    %get3A_2 = vector.load %arg2[%get3A, %get3A_0, %get3A_1] : memref<2048x8x128xf32, #tpu.memory_space<vmem>>, vector<2048x8x128xf32>
    %reshape3A = vector.shape_cast %get3A_2 : vector<2048x8x128xf32> to vector<2048x1024xf32>
    %slice3A = vector.extract_strided_slice %reshape3A {offsets = [0, 0], sizes = [2048, 1000], strides = [1, 1]} : vector<2048x1024xf32> to vector<2048x1000xf32>
    %transpose3A = tpu.transpose %slice3A, [1, 0] : vector<2048x1000xf32> -> vector<1000x2048xf32>
    %broadcast_in_dim3A = vector.shape_cast %transpose3A : vector<1000x2048xf32> to vector<1x1000x2048xf32>
    %swap3A = arith.constant 0 : index
    %swap3A_3 = arith.constant 0 : index
    %swap3A_4 = arith.constant 0 : index
    %swap3A_5 = vector.load %arg4[%swap3A, %swap3A_3, %swap3A_4] : memref<1x1000x2048xf32, #tpu.memory_space<vmem>>, vector<1x1000x2048xf32>
    tpu.vector_store %arg4[%swap3A, %swap3A_3, %swap3A_4], %broadcast_in_dim3A {strides = array<i32>} : memref<1x1000x2048xf32, #tpu.memory_space<vmem>>, vector<1x1000x2048xf32>,
    return
  }
  func.func @transform_0(%arg0: i32, %arg1: i32) -> (i32, i32, i32) {
    %mul3A = arith.constant 2 : i32
    %mul3A_0 = arith.muli %arg0, %mul3A : i32
    %add3A = arith.addi %mul3A_0, %arg1 : i32
    %c0_i32 = arith.constant 0 : i32
    %c0_i32_1 = arith.constant 0 : i32
    %c0_i32_2 = arith.constant 0 : i32
    return %add3A, %c0_i32, %c0_i32_1 : i32, i32, i32
  }
  func.func @transform_2(%arg0: i32, %arg1: i32) -> (i32, i32, i32) {
    %add3A = arith.constant 10 : i32
    %add3A_0 = arith.addi %add3A, %arg0 : i32
    %c0_i32 = arith.constant 0 : i32
    %c0_i32_1 = arith.constant 0 : i32
    return %add3A_0, %c0_i32, %arg1 : i32, i32, i32
  }
}

module attributes {stable_mosaic.version = 14 : i64} {
  func.func @_compact_first_body(%arg0: i32, %arg1: i32, %arg2: memref<2048x8x128xf32, #tpu.memory_space<vmem>>, %arg3: memref<1x1000x2048xf32, #tpu.memory_space<vmem>>) attributes {dimension_semantics = [#tpu.dimension_semantics<arbitrary>, #tpu.dimension_semantics<arbitrary>], iteration_bounds = array<i64: 5, 2>, scalar_prefetch = 0 : i64, scratch_operands = 0 : i64, tpu.core_type = #tpu.core_type<tc>, window_params = [{transform_indices = @transform_0, window_bounds = array<i64: 2048, 8, 128>}, {transform_indices = @transform_1, window_bounds = array<i64: 1, 1000, 2048>}]} {
    %get3A = arith.constant 0 : index
    %get3A_0 = arith.constant 0 : index
    %get3A_1 = arith.constant 0 : index
    %get3A_2 = vector.load %arg2[%get3A, %get3A_0, %get3A_1] : memref<2048x8x128xf32, #tpu.memory_space<vmem>>, vector<2048x8x128xf32>
    %reshape3A = vector.shape_cast %get3A_2 : vector<2048x8x128xf32> to vector<2048x1024xf32>
    %slice3A = vector.extract_strided_slice %reshape3A {offsets = [0, 0], sizes = [2048, 1000], strides = [1, 1]} : vector<2048x1024xf32> to vector<2048x1000xf32>
    %transpose3A = tpu.transpose %slice3A, [1, 0] : vector<2048x1000xf32> -> vector<1000x2048xf32>
    %broadcast_in_dim3A = vector.shape_cast %transpose3A : vector<1000x2048xf32> to vector<1x1000x2048xf32>
    %swap3A = arith.constant 0 : index
    %swap3A_3 = arith.constant 0 : index
    %swap3A_4 = arith.constant 0 : index
    %swap3A_5 = vector.load %arg3[%swap3A, %swap3A_3, %swap3A_4] : memref<1x1000x2048xf32, #tpu.memory_space<vmem>>, vector<1x1000x2048xf32>
    tpu.vector_store %arg3[%swap3A, %swap3A_3, %swap3A_4], %broadcast_in_dim3A {strides = array<i32>} : memref<1x1000x2048xf32, #tpu.memory_space<vmem>>, vector<1x1000x2048xf32>,
    return
  }
  func.func @transform_0(%arg0: i32, %arg1: i32) -> (i32, i32, i32) {
    %mul3A = arith.constant 2 : i32
    %mul3A_0 = arith.muli %arg0, %mul3A : i32
    %add3A = arith.addi %mul3A_0, %arg1 : i32
    %c0_i32 = arith.constant 0 : i32
    %c0_i32_1 = arith.constant 0 : i32
    %c0_i32_2 = arith.constant 0 : i32
    return %add3A, %c0_i32, %c0_i32_1 : i32, i32, i32
  }
  func.func @transform_1(%arg0: i32, %arg1: i32) -> (i32, i32, i32) {
    %add3A = arith.constant 0 : i32
    %add3A_0 = arith.addi %add3A, %arg0 : i32
    %c0_i32 = arith.constant 0 : i32
    %c0_i32_1 = arith.constant 0 : i32
    return %add3A_0, %c0_i32, %arg1 : i32, i32, i32
  }
}

module attributes {stable_mosaic.version = 14 : i64} {
  func.func @_compact_next_body(%arg0: i32, %arg1: i32, %arg2: memref<2048x8x128xf32, #tpu.memory_space<vmem>>, %arg3: memref<20x1000x4096xf32, #tpu.memory_space<any>>, %arg4: memref<1x1000x2048xf32, #tpu.memory_space<vmem>>) attributes {dimension_semantics = [#tpu.dimension_semantics<arbitrary>, #tpu.dimension_semantics<arbitrary>], iteration_bounds = array<i64: 5, 2>, scalar_prefetch = 0 : i64, scratch_operands = 0 : i64, tpu.core_type = #tpu.core_type<tc>, window_params = [{transform_indices = @transform_0, window_bounds = array<i64: 2048, 8, 128>}, {}, {transform_indices = @transform_2, window_bounds = array<i64: 1, 1000, 2048>}]} {
    %get3A = arith.constant 0 : index
    %get3A_0 = arith.constant 0 : index
    %get3A_1 = arith.constant 0 : index
    %get3A_2 = vector.load %arg2[%get3A, %get3A_0, %get3A_1] : memref<2048x8x128xf32, #tpu.memory_space<vmem>>, vector<2048x8x128xf32>
    %reshape3A = vector.shape_cast %get3A_2 : vector<2048x8x128xf32> to vector<2048x1024xf32>
    %slice3A = vector.extract_strided_slice %reshape3A {offsets = [0, 0], sizes = [2048, 1000], strides = [1, 1]} : vector<2048x1024xf32> to vector<2048x1000xf32>
    %transpose3A = tpu.transpose %slice3A, [1, 0] : vector<2048x1000xf32> -> vector<1000x2048xf32>
    %broadcast_in_dim3A = vector.shape_cast %transpose3A : vector<1000x2048xf32> to vector<1x1000x2048xf32>
    %swap3A = arith.constant 0 : index
    %swap3A_3 = arith.constant 0 : index
    %swap3A_4 = arith.constant 0 : index
    %swap3A_5 = vector.load %arg4[%swap3A, %swap3A_3, %swap3A_4] : memref<1x1000x2048xf32, #tpu.memory_space<vmem>>, vector<1x1000x2048xf32>
    tpu.vector_store %arg4[%swap3A, %swap3A_3, %swap3A_4], %broadcast_in_dim3A {strides = array<i32>} : memref<1x1000x2048xf32, #tpu.memory_space<vmem>>, vector<1x1000x2048xf32>,
    return
  }
  func.func @transform_0(%arg0: i32, %arg1: i32) -> (i32, i32, i32) {
    %mul3A = arith.constant 2 : i32
    %mul3A_0 = arith.muli %arg0, %mul3A : i32
    %add3A = arith.addi %mul3A_0, %arg1 : i32
    %c0_i32 = arith.constant 0 : i32
    %c0_i32_1 = arith.constant 0 : i32
    %c0_i32_2 = arith.constant 0 : i32
    return %add3A, %c0_i32, %c0_i32_1 : i32, i32, i32
  }
  func.func @transform_2(%arg0: i32, %arg1: i32) -> (i32, i32, i32) {
    %add3A = arith.constant 15 : i32
    %add3A_0 = arith.addi %add3A, %arg0 : i32
    %c0_i32 = arith.constant 0 : i32
    %c0_i32_1 = arith.constant 0 : i32
    return %add3A_0, %c0_i32, %arg1 : i32, i32, i32
  }
}

</mosaic_0001>

<sc_bundles>
// kernel: _run.10.cloned.1.call-start
scs
__scs_entry_jumppad:
0x0: {  	(pc) =	sbr.rel $0x88, $3  }
0x1: {  	(tag) =	ssettag $0x0;
	lr =	simm.s32 $0x1  }
0x2: {  	[smem:$0x3F9F] =	sst lr;
	_ =	strace $0xD0000000  }
0x3: {  	_ = 	snop  }
0x4: {  	_ = 	snop  }
0x5: {  	_ = 	snop  }
0x6: {  	_ = 	snop  }
0x7: {  	_ = 	snop  }
__scs_overlays_trampoline_lowered:
0x8: {  	[smem:$0x3FAE] =	sst s0  }
0x9: {  	[smem:$0x3FAF] =	sst s1  }
0xa: {  	[smem:$0x3FB0] =	sst s2  }
0xb: {  	[smem:$0x3FB1] =	sst s3  }
0xc: {  	[smem:$0x3FB2] =	sst s4  }
0xd: {  	[smem:$0x3FB3] =	sst s5  }
0xe: {  	[smem:$0x3FB4] =	sst s6  }
0xf: {  	[smem:$0x3FB5] =	sst s7  }
0x10: {  	[smem:$0x3FB6] =	sst s8  }
0x11: {  	[smem:$0x3FB7] =	sst s9;
	s0 =	simm.s32 @!p0 $0x0  }
0x12: {  	s1 =	sld [smem:$0x3F9D];
	s0 =	simm.s32 @p0 $0x1  }
0x13: {  	[smem:$0x3FB8] =	sst s0;
	s0 =	simm.s32 @!p1 $0x0  }
0x14: {  	s2 =	sld [smem:$0x3F9C];
	s0 =	simm.s32 @p1 $0x1  }
0x15: {  	[smem:$0x3FB9] =	sst s0;
	s0 =	simm.s32 @!p2 $0x0  }
0x16: {  	s3 =	sld [smem:$0x3FDB];
	s0 =	simm.s32 @p2 $0x1  }
0x17: {  	s4 =	simm.s32 $0x1BF5;
	[smem:$0x3FBB] =	sst s0  }
0x18: {  	s0 =	sld [smem:$0x3F9E];
	_ =	swait.ge [sflag:s4], $0x0  }
0x19: {  	s7 =	sld [smem:$0x3F9F]  }
0x1a: {  	s8 =	sadd.s32 $0xFFFFE003, lr  }
0x1b: {  	s9 =	sadd.s32 $0xFFFFFEF7, lr;
	s5 =	simm.s32 $0xFFFFFFFF;
	p2 =	slt.u32 s8, $0xFFFFF086  }
0x1c: {  	p1 =	slt.u32 s9, $0xF7A;
	s5 =	simm.s32 @!p2 $0x0  }
0x1d: {  	s5 =	simm.s32 @p1 $0x1;
	p0 =	seq.s32 s7, s2  }
0x1e: {  	s7 =	smul.u32 @!p0 $0xF7A, s2;
	p2 =	seq.s32 @!p0 s5, $0x0  }
0x1f: {  	s9 =	smul.u32 $0xF7A, s1;
	s8 =	simm.s32 @!p0 $0x1BF5;
	p2 =	por !p2, p0  }
0x20: {  	[sflag:s8] =	ssyncset.s32 @!p0 $0xFFFFF086;
	s6 =	sadd.s32 @!p0 s3, s7;
	s7 =	simm.s32 @!p0 $0x108  }
0x21: {  	s3 =	sadd.s32 s3, s9;
	s6 =	sadd.s32 @!p0 $0x88, s6;
	s7 =	simm.s32 @p2 $0x1082  }
0x22: {  	[simem:s7], [sflag:s8] =	dma.local @!p0 [hbm:s6], $0xF7A  }
0x23: {  	s9 =	sor.u32 $0xD0000000, s2;
	s6 =	simm.s32 $0x108;
	_ =	swait.ge @!p0 [sflag:s8], $0x0  }
0x24: {  	s3 =	sadd.s32 $0x88, s3;
	s6 =	simm.s32 @!p1 $0x1082;
	[sflag:s4] =	ssyncset.s32 $0xFFFFF086  }
0x25: {  	[simem:s6], [sflag:s4] =	dma.local [hbm:s3], $0xF7A  }
0x26: {  	[smem:$0x3F9F] =	sst s1;
	(tag) =	ssettag s2;
	_ =	strace s9  }
0x27: {  	s1 =	sld [smem:$0x3FAF]  }
0x28: {  	s2 =	sld [smem:$0x3FB0]  }
0x29: {  	s4 =	sld [smem:$0x3FB2]  }
0x2a: {  	p0 =	seq.s32 s5, $0x0;
	s5 =	sld [smem:$0x3FB3]  }
0x2b: {  	s6 =	sld [smem:$0x3FB4]  }
0x2c: {  	s7 =	sld [smem:$0x3FB5]  }
0x2d: {  	s3 =	simm.s32 $0x108;
	s8 =	sld [smem:$0x3FB6]  }
0x2e: {  	s3 =	simm.s32 @!p0 $0x1082;
	s9 =	sld [smem:$0x3FB7]  }
0x2f: {  	lr =	sadd.s32 s0, s3;
	s0 =	sld [smem:$0x3FAE]  }
0x30: {  	s3 =	sld [smem:$0x3FB1]  }
0x31: {  	[smem:$0x3FBA] =	sst s10  }
0x32: {  	s10 =	sld [smem:$0x3FB8];
	_ =	sdelay $0x3  }
0x33: {  	p0 =	seq.s32 s10, $0x1;
	s10 =	sld [smem:$0x3FBA];
	_ =	sdelay $0x3  }
0x34: {  	[smem:$0x3FBA] =	sst s10  }
0x35: {  	s10 =	sld [smem:$0x3FB9];
	_ =	sdelay $0x3  }
0x36: {  	p1 =	seq.s32 s10, $0x1;
	s10 =	sld [smem:$0x3FBA];
	_ =	sdelay $0x3  }
0x37: {  	[smem:$0x3FBA] =	sst s10  }
0x38: {  	s10 =	sld [smem:$0x3FBB]  }
0x39: {  	_ = 	snop;
	(pc) =	sbr.ind lr, $3  }
0x3a: {  	_ = 	snop  }
0x3b: {  	_ = 	snop  }
0x3c: {  	p2 =	seq.s32 s10, $0x1;
	s10 =	sld [smem:$0x3FBA]  }
0x3d: {  	_ =	shalt  }
0x3e: {  	_ =	shalt  }
0x3f: {  	_ =	shalt  }
0x40: {  	_ =	shalt  }
0x41: {  	_ =	shalt  }
0x42: {  	_ =	shalt  }
0x43: {  	_ =	shalt  }
0x44: {  	_ =	shalt  }
0x45: {  	_ =	shalt  }
0x46: {  	_ =	shalt  }
0x47: {  	_ =	shalt  }
0x48: {  	_ =	shalt  }
0x49: {  	_ =	shalt  }
0x4a: {  	_ =	shalt  }
0x4b: {  	_ =	shalt  }
0x4c: {  	_ =	shalt  }
0x4d: {  	_ =	shalt  }
0x4e: {  	_ =	shalt  }
0x4f: {  	_ =	shalt  }
0x50: {  	_ =	shalt  }
0x51: {  	_ =	shalt  }
0x52: {  	_ =	shalt  }
0x53: {  	_ =	shalt  }
0x54: {  	_ =	shalt  }
0x55: {  	_ =	shalt  }
0x56: {  	_ =	shalt  }
0x57: {  	_ =	shalt  }
0x58: {  	_ =	shalt  }
0x59: {  	_ =	shalt  }
0x5a: {  	_ =	shalt  }
0x5b: {  	_ =	shalt  }
0x5c: {  	_ =	shalt  }
0x5d: {  	_ =	shalt  }
0x5e: {  	_ =	shalt  }
0x5f: {  	_ =	shalt  }
0x60: {  	_ =	shalt  }
0x61: {  	_ =	shalt  }
0x62: {  	_ =	shalt  }
0x63: {  	_ =	shalt  }
0x64: {  	_ =	shalt  }
0x65: {  	_ =	shalt  }
0x66: {  	_ =	shalt  }
0x67: {  	_ =	shalt  }
0x68: {  	_ =	shalt  }
0x69: {  	_ =	shalt  }
0x6a: {  	_ =	shalt  }
0x6b: {  	_ =	shalt  }
0x6c: {  	_ =	shalt  }
0x6d: {  	_ =	shalt  }
0x6e: {  	_ =	shalt  }
0x6f: {  	_ =	shalt  }
0x70: {  	_ =	shalt  }
0x71: {  	_ =	shalt  }
0x72: {  	_ =	shalt  }
0x73: {  	_ =	shalt  }
0x74: {  	_ =	shalt  }
0x75: {  	_ =	shalt  }
0x76: {  	_ =	shalt  }
0x77: {  	_ =	shalt  }
0x78: {  	_ =	shalt  }
0x79: {  	_ =	shalt  }
0x7a: {  	_ =	shalt  }
0x7b: {  	_ =	shalt  }
0x7c: {  	_ =	shalt  }
0x7d: {  	_ =	shalt  }
0x7e: {  	_ =	shalt  }
0x7f: {  	_ =	shalt  }
0x80: {  	_ =	shalt  }
0x81: {  	_ =	shalt  }
0x82: {  	_ =	shalt  }
0x83: {  	_ =	shalt  }
0x84: {  	_ =	shalt  }
0x85: {  	_ =	shalt  }
0x86: {  	_ =	shalt  }
0x87: {  	_ =	shalt  }
.Lfunc_end0:
.L_simem_size_0:
called_computation_lowered:
.L_overlay_start_0:
0x88: {  	s2 =	sld [smem:$0x3FD9]  }
0x89: {  	s3 =	sld [smem:$0x3FFE];
	_ =	sdelay $0x1  }
0x8a: {  	s1 =	srdreg.scid  }
0x8b: {  	s0 =	sand.u32 $0x1, s1  }
0x8c: {  	s17 =	sshll.u32 s0, $0xA;
	s2 =	sadd.s32 s3, s2  }
0x8d: {  	s2 =	sadd.s32 s2, s17  }
0x8e: {  	[smem:$0x3FC6] =	sst s2  }
0x8f: {  	_ = 	snop  }
0x90: {  	s2 =	sld [smem:$0x3FC9]  }
0x91: {  	s18 =	sld [smem:$0x3FD0];
	(tm) =	ssettm $0x1  }
0x92: {  	s4 =	sld [smem:$0x3FFB];
	_ =	sdelay $0x3  }
0x93: {  	_ =	strace s4  }
0x94: {  	s4 =	sld [smem:$0x3FFC];
	_ =	sdelay $0x3  }
0x95: {  	_ =	strace s4  }
0x96: {  	s4 =	sld [smem:$0x3FFD];
	_ =	sdelay $0x3  }
0x97: {  	_ =	strace s4  }
0x98: {  	_ =	strace $0x8FFFFFFF  }
0x99: {  	s19 =	sld [smem:$0x3FDB];
	_ =	sdelay $0x1  }
0x9a: {  	s5 =	simm.s32 $_scs_section_size  }
0x9b: {  	s6 =	simm.s32 $_size__tile_overlayer_lowered;
	s7 =	simm.s32 $_tile_overlayer_lowered  }
0x9c: {  	s22 =	simm.s32 $0x1BFF;
	s21 =	sshll.u32 s7, $0x1;
	s4 =	sadd.s32 s5, s19  }
0x9d: {  	s8 =	simm.s32 $0x0;
	s20 =	sshll.u32 s6, $0x1;
	s6 =	sadd.s32 s21, s4  }
0x9e: {  	[timem:s8], [sflag:s22] =	dma.local [hbm:s6], s20  }
0x9f: {  	_ =	swait.ge [sflag:s22], s20  }
0xa0: {  	s5 =	ssub.s32 $0x0, s20;
	[sflag:s22] =	ssyncset.done $0x0  }
0xa1: {  	[sflag:s22] =	ssyncadd.s32 s5;
	_ =	sdelay $0x1  }
0xa2: {  	s23 =	simm.s32 $0x1B8B  }
0xa3: {  	_ =	swait.ge [sflag:s23], $0x1  }
0xa4: {  	[sflag:s23] =	ssyncset.done $0x0  }
0xa5: {  	s25 =	simm.s32 $0x1B8E;
	s24 =	sld [smem:$0x3FFE];
	[sflag:s23] =	ssyncadd.s32 $0xFFFFFFFF  }
0xa6: {  	s26 =	simm.s32 $execute0_lowered;
	[smem:$0x3FD2] =	sst s25  }
0xa7: {  	s6 =	sshll.u32 s26, $0x1;
	_ =	strace $0x80000046;
	[dreg:$0x1] =	wrdreg $0xFFFFFFFF  }
0xa8: {  	s28 =	simm.s32 $_size_execute0_lowered;
	s4 =	sadd.s32 s4, s6;
	[dreg:$0x0] =	wrdreg $0x0  }
0xa9: {  	s6 =	sshll.u32 s28, $0x1;
	[dreg:$0x2] =	wrdreg s4  }
0xaa: {  	[dreg:$0x3] =	wrdreg s6  }
0xab: {  	[dreg:$0x4] =	wrdreg $0xC0  }
0xac: {  	_ =	task [dreg:s8], $0x5FFFF  }
0xad: {  	[dreg:$0x1] =	wrdreg $0xFFFFFFFF  }
0xae: {  	[dreg:$0x0] =	wrdreg $0x60  }
0xaf: {  	[dreg:$0x2] =	wrdreg s2  }
0xb0: {  	[dreg:$0x3] =	wrdreg s18  }
0xb1: {  	[dreg:$0x4] =	wrdreg s24  }
0xb2: {  	[dreg:$0x5] =	wrdreg $0x20000  }
0xb3: {  	[dreg:$0x6] =	wrdreg $0x9  }
0xb4: {  	_ =	task.clear_ibuf [dreg:s8], $0x7FFFF;
	_ =	strace $0x90000046  }
0xb5: {  	s29 =	simm.s32 $0x9;
	_ =	strace $0x80000048  }
0xb6: {  	_ =	swait.ge [sflag:s29], $0x1  }
0xb7: {  	[sflag:s29] =	ssyncadd.s32 $0xFFFFFFFF  }
0xb8: {  	_ =	strace $0x90000048  }
0xb9: {  	_ =	sfence  }
0xba: {  	s30 =	sld [smem:$0x0];
	_ =	sdelay $0x2  }
0xbb: {  	s31 =	sshll.u32 s1, $0xD;
	s1 =	sshrl.u32 s1, $0x2  }
0xbc: {  	s3 =	sand.u32 $0x4000, s31;
	s1 =	sadd.s32 s1, s30  }
0xbd: {  	s0 =	sor.u32 s3, s0;
	s1 =	sshll.u32 s1, $0x11  }
0xbe: {  	s0 =	sor.u32 s1, s0  }
0xbf: {  	s0 =	sadd.s32 $0x8F2B, s0  }
0xc0: {  	[sflag:s0] =	ssyncadd.remote.s32 $0x1  }
0xc1: {  	_ =	sfence.sel $0xFFFF  }
0xc2: {  	[dreg:$0x0] =	wrdreg $0xFFFFFFFF;
	(pc) =	sbr.abs _section_cstart, $3  }
0xc3: {  	[dreg:$0x1] =	wrdreg $0xFFFFFFFF  }
0xc4: {  	_ =	task.clear_ibuf [dreg:s8], $0x2FFFF;
	_ =	strace $0x9FFFFFFF  }
0xc5: {  	(tm) =	ssettm $0x7FFFFFFF  }
tec
execute0_lowered:
.L_overlay_start_1:
0x0: {  	(tag) =	ssettag $0x1  }
0x1: {  	s0 =	rddreg [dreg:$0x1]  }
0x2: {  	s1 =	rddreg [dreg:$0x2]  }
0x3: {  	s2 =	rddreg [dreg:$0x3];
	s4 =	srdreg.scid  }
0x4: {  	s5 =	stileid.u32;
	s3 =	simm.s32 $0x0;
	s15 =	simm.s32 $0x9  }
0x5: {  	s16 =	simm.s32 $0xA;
	s17 =	simm.s32 $0x11A00;
	s19 =	simm.s32 $0x14200  }
0x6: {  	s28 =	simm.s32 $0x4;
	s29 =	simm.s32 $0x5;
	s30 =	simm.s32 $0x6  }
0x7: {  	s31 =	simm.s32 $0x7;
	s4 =	sand.u32 $0x1, s4;
	s9 =	smul.u32 $0x500, s5  }
0x8: {  	s6 =	sshll.u32 s5, $0x1;
	[smem:$0x7FF] =	sst s3;
	s26 =	smul.u32 $0x28000, s5  }
0x9: {  	s1 =	sadd.s32 $0x3E00, s1;
	p0 =	sne.s32 s5, $0x0;
	s11 =	smul.u32 $0x280, s4  }
0xa: {  	s6 =	sor.u32 s4, s6;
	s8 =	ssub.s32 $0x2, s4;
	s4 =	smul.u32 $0x14000, s4  }
0xb: {  	_ =	strace $0x80000047;
	s7 =	smul.u32 $0xA0000, s6;
	s10 =	sshrl.u32 s8, $0x1  }
0xc: {  	s14 =	sshrl.u32 @!p0 s2, $0x3;
	s6 =	sshll.u32 s6, $0xA;
	s10 =	ssub.s32 s8, s10  }
0xd: {  	s0 =	sadd.s32 s0, s6;
	s23 =	sadd.s32 s11, s9;
	s7 =	sshrl.u32 s7, $0x3  }
0xe: {  	[dreg:$0x5] =	wrdreg s0;
	s0 =	sshll.u32 s23, $0x7;
	s9 =	smax.u32 s10, $0x1  }
0xf: {  	s23 =	simm.s32 $0x19200;
	s21 =	sadd.s32 s1, s7;
	s0 =	sadd.s32 s0, s1  }
0x10: {  	s1 =	sadd.s32 s26, s1;
	s26 =	simm.s32 $0x3;
	s22 =	sadd.s32 $0x12C00, s21  }
0x11: {  	s24 =	sadd.s32 $0x13100, s21;
	s25 =	sadd.s32 $0x13600, s21;
	s8 =	sadd.s32 $0x13B00, s21  }
0x12: {  	s10 =	sadd.s32 $0xF00, s0;
	s11 =	sadd.s32 $0xA00, s0;
	s12 =	sadd.s32 $0x500, s0  }
0x13: {  	s13 =	sadd.s32 s4, s1;
	s21 =	simm.s32 $0x16A00;
	[dreg:$0x6] =	wrdreg s22  }
0x14: {  	s0 =	simm.s32 $0x8;
	s1 =	simm.s32 $0x0;
	[dreg:$0x7] =	wrdreg s24  }
0x15: {  	[dreg:$0x8] =	wrdreg s25;
	s24 =	simm.s32 $0x1;
	s25 =	simm.s32 $0x2  }
.LBB2_1:
0x16: {  	s4 =	simm.s32 @!p0 $0x1C09;
	s5 =	rddreg [dreg:$0x0]  }
0x17: {  	[spmem:s14], [sflag:s4] =	dma.local @!p0 [hbm:s5], $0x1F400  }
0x18: {  	s4 =	simm.s32 @!p0 $0x9  }
0x19: {  	_ =	swait.ge @!p0 [sflag:s4], $0x1F400  }
0x1a: {  	[sflag:s4] =	ssyncset.done @!p0 $0x0  }
0x1b: {  	[sflag:s4] =	ssyncadd.s32 @!p0 $0xFFFE0C00  }
0x1c: {  	[bflag:$0x0] =	sbarrier.arrive $0xFFFF  }
0x1d: {  	s22 =	rddreg [dreg:$0x5]  }
0x1e: {  	[tilespmem:s3], [sflag:$0x9] =	stream.linear.gather [hbm4b:s22+s3], $0x2000, $0x38;
	[tilespmem:$0x1BA00] =	vst v63  }
0x1f: {  	_ =	swait.ge [sflag:s15], $0x2000  }
0x20: {  	[sflag:s15] =	ssyncset.done $0x0  }
0x21: {  	[sflag:s15] =	ssyncadd.s32 $0xFFFFE000  }
0x22: {  	[tilespmem:s17], [sflag:$0x1] =	stream.indirect.gather [spmem:s2], $0x400, s3, s16, $0xb8;
	[tilespmem:$0x1BA00] =	vst v63  }
0x23: {  	s5 =	simm.s32 $0x80  }
0x24: {  	[tilespmem:s19], [sflag:$0x2] =	stream.indirect.gather [spmem:s2], $0x400, s5, s16, $0xb8;
	[tilespmem:$0x1BA00] =	vst v63  }
0x25: {  	s6 =	simm.s32 $0x100  }
0x26: {  	[tilespmem:s21], [sflag:$0x3] =	stream.indirect.gather [spmem:s2], $0x400, s6, s16, $0xb8;
	[tilespmem:$0x1BA00] =	vst v63  }
0x27: {  	s7 =	simm.s32 $0x180  }
0x28: {  	[tilespmem:s23], [sflag:$0x4] =	stream.indirect.gather [spmem:s2], $0x400, s7, s16, $0xb8;
	[tilespmem:$0x1BA00] =	vst v63  }
0x29: {  	_ =	swait.ge [sflag:s24], $0x2800  }
0x2a: {  	[sflag:s24] =	ssyncset.done $0x0  }
0x2b: {  	[sflag:s24] =	ssyncadd.s32 $0xFFFFD800  }
0x2c: {  	[hbm4b:s13+s3] =	stream.linear.scatter [tilespmem:s17], [sflag:$0x5], $0x2800, $0x38;
	[tilespmem:$0x1BA00] =	vst v63  }
0x2d: {  	_ =	swait.ge [sflag:s25], $0x2800  }
0x2e: {  	[sflag:s25] =	ssyncset.done $0x0  }
0x2f: {  	[sflag:s25] =	ssyncadd.s32 $0xFFFFD800  }
0x30: {  	[hbm4b:s12+s3] =	stream.linear.scatter [tilespmem:s19], [sflag:$0x6], $0x2800, $0x38;
	[tilespmem:$0x1BA00] =	vst v63  }
0x31: {  	_ =	swait.ge [sflag:s26], $0x2800  }
0x32: {  	[sflag:s26] =	ssyncset.done $0x0  }
0x33: {  	[sflag:s26] =	ssyncadd.s32 $0xFFFFD800  }
0x34: {  	[hbm4b:s11+s3] =	stream.linear.scatter [tilespmem:s21], [sflag:$0x7], $0x2800, $0x38;
	[tilespmem:$0x1BA00] =	vst v63  }
0x35: {  	_ =	swait.ge [sflag:s28], $0x2800  }
0x36: {  	[sflag:s28] =	ssyncset.done $0x0  }
0x37: {  	[sflag:s28] =	ssyncadd.s32 $0xFFFFD800  }
0x38: {  	[hbm4b:s10+s3] =	stream.linear.scatter [tilespmem:s23], [sflag:$0x8], $0x2800, $0x38;
	[tilespmem:$0x1BA00] =	vst v63  }
0x39: {  	_ =	swait.ge [sflag:s29], $0x2800  }
0x3a: {  	[sflag:s29] =	ssyncset.done $0x0  }
0x3b: {  	s18 =	simm.s32 $0x200;
	[sflag:s29] =	ssyncadd.s32 $0xFFFFD800  }
0x3c: {  	[tilespmem:s17], [sflag:$0x1] =	stream.indirect.gather [spmem:s2], $0x400, s18, s16, $0xb8;
	[tilespmem:$0x1BA00] =	vst v63  }
0x3d: {  	_ =	swait.ge [sflag:s30], $0x2800  }
0x3e: {  	[sflag:s30] =	ssyncset.done $0x0  }
0x3f: {  	s20 =	simm.s32 $0x280;
	[sflag:s30] =	ssyncadd.s32 $0xFFFFD800  }
0x40: {  	[tilespmem:s19], [sflag:$0x2] =	stream.indirect.gather [spmem:s2], $0x400, s20, s16, $0xb8;
	[tilespmem:$0x1BA00] =	vst v63  }
0x41: {  	_ =	swait.ge [sflag:s31], $0x2800  }
0x42: {  	[sflag:s31] =	ssyncset.done $0x0  }
0x43: {  	s22 =	simm.s32 $0x300;
	[sflag:s31] =	ssyncadd.s32 $0xFFFFD800  }
0x44: {  	[tilespmem:s21], [sflag:$0x3] =	stream.indirect.gather [spmem:s2], $0x400, s22, s16, $0xb8;
	[tilespmem:$0x1BA00] =	vst v63  }
0x45: {  	s4 =	sadd.s32 $0x1400, s12;
	s5 =	sadd.s32 $0x1400, s10;
	_ =	swait.ge [sflag:s0], $0x2800  }
0x46: {  	s6 =	simm.s32 $0x380;
	s18 =	simm.s32 $0x800;
	[sflag:s0] =	ssyncset.done $0x0  }
0x47: {  	s20 =	sadd.s32 $0x1400, s13;
	s22 =	sadd.s32 $0x1400, s11;
	[sflag:s0] =	ssyncadd.s32 $0xFFFFD800  }
.LBB2_2:
0x48: {  	[tilespmem:s23], [sflag:$0x4] =	stream.indirect.gather [spmem:s2], $0x400, s6, s16, $0xb8;
	[tilespmem:$0x1BA00] =	vst v63  }
0x49: {  	s6 =	smov.u32 s18  }
0x4a: {  	p1 =	sne.s32 s18, $0x7000;
	s18 =	sadd.s32 $0x800, s18;
	_ =	swait.ge [sflag:s24], $0x2800  }
0x4b: {  	[sflag:s24] =	ssyncset.done $0x0  }
0x4c: {  	[sflag:s24] =	ssyncadd.s32 $0xFFFFD800  }
0x4d: {  	[hbm4b:s20+s3] =	stream.linear.scatter [tilespmem:s17], [sflag:$0x5], $0x2800, $0x38;
	[tilespmem:$0x1BA00] =	vst v63  }
0x4e: {  	_ =	swait.ge [sflag:s25], $0x2800  }
0x4f: {  	[sflag:s25] =	ssyncset.done $0x0  }
0x50: {  	[sflag:s25] =	ssyncadd.s32 $0xFFFFD800  }
0x51: {  	[hbm4b:s4+s3] =	stream.linear.scatter [tilespmem:s19], [sflag:$0x6], $0x2800, $0x38;
	[tilespmem:$0x1BA00] =	vst v63  }
0x52: {  	_ =	swait.ge [sflag:s26], $0x2800  }
0x53: {  	[sflag:s26] =	ssyncset.done $0x0  }
0x54: {  	[sflag:s26] =	ssyncadd.s32 $0xFFFFD800  }
0x55: {  	[hbm4b:s22+s3] =	stream.linear.scatter [tilespmem:s21], [sflag:$0x7], $0x2800, $0x38;
	[tilespmem:$0x1BA00] =	vst v63  }
0x56: {  	_ =	swait.ge [sflag:s28], $0x2800  }
0x57: {  	[sflag:s28] =	ssyncset.done $0x0  }
0x58: {  	[sflag:s28] =	ssyncadd.s32 $0xFFFFD800  }
0x59: {  	[hbm4b:s5+s3] =	stream.linear.scatter [tilespmem:s23], [sflag:$0x8], $0x2800, $0x38;
	[tilespmem:$0x1BA00] =	vst v63  }
0x5a: {  	_ =	swait.ge [sflag:s29], $0x2800  }
0x5b: {  	s6 =	sshra.s32 s6, $0x2;
	[sflag:s29] =	ssyncset.done $0x0  }
0x5c: {  	s7 =	sadd.s32 $0x200, s6;
	[sflag:s29] =	ssyncadd.s32 $0xFFFFD800  }
0x5d: {  	[tilespmem:s17], [sflag:$0x1] =	stream.indirect.gather [spmem:s2], $0x400, s7, s16, $0xb8;
	[tilespmem:$0x1BA00] =	vst v63  }
0x5e: {  	_ =	swait.ge [sflag:s30], $0x2800  }
0x5f: {  	[sflag:s30] =	ssyncset.done $0x0  }
0x60: {  	s7 =	sadd.s32 $0x280, s6;
	[sflag:s30] =	ssyncadd.s32 $0xFFFFD800  }
0x61: {  	[tilespmem:s19], [sflag:$0x2] =	stream.indirect.gather [spmem:s2], $0x400, s7, s16, $0xb8;
	[tilespmem:$0x1BA00] =	vst v63  }
0x62: {  	_ =	swait.ge [sflag:s31], $0x2800  }
0x63: {  	[sflag:s31] =	ssyncset.done $0x0  }
.Ltmp0:
0x64: {  	s7 =	sadd.s32 $0x300, s6;
	[sflag:s31] =	ssyncadd.s32 $0xFFFFD800;
	(pc) =	sbr.rel @p1 .LBB2_2-.Ltmp0, $4  }
0x65: {  	[tilespmem:s21], [sflag:$0x3] =	stream.indirect.gather [spmem:s2], $0x400, s7, s16, $0xb8;
	[tilespmem:$0x1BA00] =	vst v63  }
0x66: {  	s20 =	sadd.s32 $0x1400, s20;
	_ =	swait.ge [sflag:s0], $0x2800  }
0x67: {  	s4 =	sadd.s32 $0x1400, s4;
	s22 =	sadd.s32 $0x1400, s22;
	[sflag:s0] =	ssyncset.done $0x0  }
0x68: {  	s5 =	sadd.s32 $0x1400, s5;
	s6 =	sadd.s32 $0x380, s6;
	[sflag:s0] =	ssyncadd.s32 $0xFFFFD800  }
0x69: {  	[tilespmem:s23], [sflag:$0x4] =	stream.indirect.gather [spmem:s2], $0x400, s6, s16, $0xb8;
	[tilespmem:$0x1BA00] =	vst v63  }
0x6a: {  	_ =	swait.ge [sflag:s24], $0x2800  }
0x6b: {  	[sflag:s24] =	ssyncset.done $0x0  }
0x6c: {  	s4 =	rddreg [dreg:$0x6];
	[sflag:s24] =	ssyncadd.s32 $0xFFFFD800  }
0x6d: {  	[hbm4b:s4+s3] =	stream.linear.scatter [tilespmem:s17], [sflag:$0x5], $0x2800, $0x38;
	[tilespmem:$0x1BA00] =	vst v63  }
0x6e: {  	_ =	swait.ge [sflag:s25], $0x2800  }
0x6f: {  	[sflag:s25] =	ssyncset.done $0x0  }
0x70: {  	s20 =	rddreg [dreg:$0x7];
	[sflag:s25] =	ssyncadd.s32 $0xFFFFD800  }
0x71: {  	[hbm4b:s20+s3] =	stream.linear.scatter [tilespmem:s19], [sflag:$0x6], $0x2800, $0x38;
	[tilespmem:$0x1BA00] =	vst v63  }
0x72: {  	_ =	swait.ge [sflag:s26], $0x2800  }
0x73: {  	[sflag:s26] =	ssyncset.done $0x0  }
0x74: {  	s22 =	rddreg [dreg:$0x8];
	[sflag:s26] =	ssyncadd.s32 $0xFFFFD800  }
0x75: {  	[hbm4b:s22+s3] =	stream.linear.scatter [tilespmem:s21], [sflag:$0x7], $0x2800, $0x38;
	[tilespmem:$0x1BA00] =	vst v63  }
0x76: {  	_ =	swait.ge [sflag:s28], $0x2800  }
0x77: {  	[sflag:s28] =	ssyncset.done $0x0  }
0x78: {  	[sflag:s28] =	ssyncadd.s32 $0xFFFFD800  }
0x79: {  	[hbm4b:s8+s3] =	stream.linear.scatter [tilespmem:s23], [sflag:$0x8], $0x2800, $0x38;
	[tilespmem:$0x1BA00] =	vst v63  }
0x7a: {  	_ =	swait.ge [sflag:s29], $0x2800  }
0x7b: {  	[sflag:s29] =	ssyncset.done $0x0  }
0x7c: {  	[sflag:s29] =	ssyncadd.s32 $0xFFFFD800  }
0x7d: {  	_ =	swait.ge [sflag:s30], $0x2800  }
0x7e: {  	[sflag:s30] =	ssyncset.done $0x0  }
0x7f: {  	s1 =	sadd.s32 $0x1, s1;
	[sflag:s30] =	ssyncadd.s32 $0xFFFFD800  }
0x80: {  	p1 =	sne.s32 s1, s9;
	_ =	swait.ge [sflag:s31], $0x2800  }
.Ltmp1:
0x81: {  	[sflag:s31] =	ssyncset.done $0x0;
	(pc) =	sbr.rel @p1 .LBB2_1-.Ltmp1, $4  }
0x82: {  	[sflag:s31] =	ssyncadd.s32 $0xFFFFD800  }
0x83: {  	_ =	swait.ge [sflag:s0], $0x2800  }
0x84: {  	[sflag:s0] =	ssyncset.done $0x0  }
0x85: {  	[sflag:s0] =	ssyncadd.s32 $0xFFFFD800  }
0x86: {  	_ =	sfence.sel $0x180000  }
0x87: {  	[bflag:$0x0] =	sbarrier.arrive $0xFFFF  }
0x88: {  	_ =	strace $0x90000047  }
0x89: {  	[bflag:$0x2] =	sbarrier.arrive $0xFFFF  }
0x8a: {  	s0 =	rddreg [dreg:$0x4]  }
0x8b: {  	s0 =	sadd.s32 @!p0 $0x100000, s0  }
0x8c: {  	[sflag:s0] =	ssyncadd.tile.s32 @!p0 $0x1;
	_ =	shalt  }
.Lfunc_end2:
_tile_overlayer_lowered:
.L_overlay_start_2:
0x8d: {  	(tag) =	ssettag $0x2  }
0x8e: {  	s0 =	rddreg [dreg:$0x0];
	s2 =	stileid.u32  }
0x8f: {  	s1 =	rddreg [dreg:$0x1];
	p0 =	sne.s32 s2, $0x0  }
0x90: {  	s3 =	rddreg [dreg:$0x2];
	[bflag:$0x3] =	sbarrier.arrive $0xFFFF;
	s2 =	simm.s32 @!p0 $0x1C09  }
0x91: {  	[timem:s3], [sflag:s2] =	dma.local @!p0 [hbm:s0], s1  }
0x92: {  	s0 =	simm.s32 @!p0 $0x9  }
0x93: {  	_ =	swait.ge @!p0 [sflag:s0], s1  }
0x94: {  	s1 =	ssub.s32 @!p0 $0x0, s1;
	[sflag:s0] =	ssyncset.done @!p0 $0x0  }
0x95: {  	[sflag:s0] =	ssyncadd.s32 @!p0 s1  }
0x96: {  	[bflag:$0x3] =	sbarrier.arrive $0xFFFF  }
0x97: {  	_ =	shalt  }

// kernel: _run.13.cloned.1.call-start
scs
__scs_entry_jumppad:
0x0: {  	(pc) =	sbr.rel $0x88, $3  }
0x1: {  	(tag) =	ssettag $0x0;
	lr =	simm.s32 $0x1  }
0x2: {  	[smem:$0x3F9F] =	sst lr;
	_ =	strace $0xD0000000  }
0x3: {  	_ = 	snop  }
0x4: {  	_ = 	snop  }
0x5: {  	_ = 	snop  }
0x6: {  	_ = 	snop  }
0x7: {  	_ = 	snop  }
__scs_overlays_trampoline_lowered:
0x8: {  	[smem:$0x3FAE] =	sst s0  }
0x9: {  	[smem:$0x3FAF] =	sst s1  }
0xa: {  	[smem:$0x3FB0] =	sst s2  }
0xb: {  	[smem:$0x3FB1] =	sst s3  }
0xc: {  	[smem:$0x3FB2] =	sst s4  }
0xd: {  	[smem:$0x3FB3] =	sst s5  }
0xe: {  	[smem:$0x3FB4] =	sst s6  }
0xf: {  	[smem:$0x3FB5] =	sst s7  }
0x10: {  	[smem:$0x3FB6] =	sst s8  }
0x11: {  	[smem:$0x3FB7] =	sst s9;
	s0 =	simm.s32 @!p0 $0x0  }
0x12: {  	s1 =	sld [smem:$0x3F9D];
	s0 =	simm.s32 @p0 $0x1  }
0x13: {  	[smem:$0x3FB8] =	sst s0;
	s0 =	simm.s32 @!p1 $0x0  }
0x14: {  	s2 =	sld [smem:$0x3F9C];
	s0 =	simm.s32 @p1 $0x1  }
0x15: {  	[smem:$0x3FB9] =	sst s0;
	s0 =	simm.s32 @!p2 $0x0  }
0x16: {  	s3 =	sld [smem:$0x3FDB];
	s0 =	simm.s32 @p2 $0x1  }
0x17: {  	s4 =	simm.s32 $0x1BF5;
	[smem:$0x3FBB] =	sst s0  }
0x18: {  	s0 =	sld [smem:$0x3F9E];
	_ =	swait.ge [sflag:s4], $0x0  }
0x19: {  	s7 =	sld [smem:$0x3F9F]  }
0x1a: {  	s8 =	sadd.s32 $0xFFFFE003, lr  }
0x1b: {  	s9 =	sadd.s32 $0xFFFFFEF7, lr;
	s5 =	simm.s32 $0xFFFFFFFF;
	p2 =	slt.u32 s8, $0xFFFFF086  }
0x1c: {  	p1 =	slt.u32 s9, $0xF7A;
	s5 =	simm.s32 @!p2 $0x0  }
0x1d: {  	s5 =	simm.s32 @p1 $0x1;
	p0 =	seq.s32 s7, s2  }
0x1e: {  	s7 =	smul.u32 @!p0 $0xF7A, s2;
	p2 =	seq.s32 @!p0 s5, $0x0  }
0x1f: {  	s9 =	smul.u32 $0xF7A, s1;
	s8 =	simm.s32 @!p0 $0x1BF5;
	p2 =	por !p2, p0  }
0x20: {  	[sflag:s8] =	ssyncset.s32 @!p0 $0xFFFFF086;
	s6 =	sadd.s32 @!p0 s3, s7;
	s7 =	simm.s32 @!p0 $0x108  }
0x21: {  	s3 =	sadd.s32 s3, s9;
	s6 =	sadd.s32 @!p0 $0x88, s6;
	s7 =	simm.s32 @p2 $0x1082  }
0x22: {  	[simem:s7], [sflag:s8] =	dma.local @!p0 [hbm:s6], $0xF7A  }
0x23: {  	s9 =	sor.u32 $0xD0000000, s2;
	s6 =	simm.s32 $0x108;
	_ =	swait.ge @!p0 [sflag:s8], $0x0  }
0x24: {  	s3 =	sadd.s32 $0x88, s3;
	s6 =	simm.s32 @!p1 $0x1082;
	[sflag:s4] =	ssyncset.s32 $0xFFFFF086  }
0x25: {  	[simem:s6], [sflag:s4] =	dma.local [hbm:s3], $0xF7A  }
0x26: {  	[smem:$0x3F9F] =	sst s1;
	(tag) =	ssettag s2;
	_ =	strace s9  }
0x27: {  	s1 =	sld [smem:$0x3FAF]  }
0x28: {  	s2 =	sld [smem:$0x3FB0]  }
0x29: {  	s4 =	sld [smem:$0x3FB2]  }
0x2a: {  	p0 =	seq.s32 s5, $0x0;
	s5 =	sld [smem:$0x3FB3]  }
0x2b: {  	s6 =	sld [smem:$0x3FB4]  }
0x2c: {  	s7 =	sld [smem:$0x3FB5]  }
0x2d: {  	s3 =	simm.s32 $0x108;
	s8 =	sld [smem:$0x3FB6]  }
0x2e: {  	s3 =	simm.s32 @!p0 $0x1082;
	s9 =	sld [smem:$0x3FB7]  }
0x2f: {  	lr =	sadd.s32 s0, s3;
	s0 =	sld [smem:$0x3FAE]  }
0x30: {  	s3 =	sld [smem:$0x3FB1]  }
0x31: {  	[smem:$0x3FBA] =	sst s10  }
0x32: {  	s10 =	sld [smem:$0x3FB8];
	_ =	sdelay $0x3  }
0x33: {  	p0 =	seq.s32 s10, $0x1;
	s10 =	sld [smem:$0x3FBA];
	_ =	sdelay $0x3  }
0x34: {  	[smem:$0x3FBA] =	sst s10  }
0x35: {  	s10 =	sld [smem:$0x3FB9];
	_ =	sdelay $0x3  }
0x36: {  	p1 =	seq.s32 s10, $0x1;
	s10 =	sld [smem:$0x3FBA];
	_ =	sdelay $0x3  }
0x37: {  	[smem:$0x3FBA] =	sst s10  }
0x38: {  	s10 =	sld [smem:$0x3FBB]  }
0x39: {  	_ = 	snop;
	(pc) =	sbr.ind lr, $3  }
0x3a: {  	_ = 	snop  }
0x3b: {  	_ = 	snop  }
0x3c: {  	p2 =	seq.s32 s10, $0x1;
	s10 =	sld [smem:$0x3FBA]  }
0x3d: {  	_ =	shalt  }
0x3e: {  	_ =	shalt  }
0x3f: {  	_ =	shalt  }
0x40: {  	_ =	shalt  }
0x41: {  	_ =	shalt  }
0x42: {  	_ =	shalt  }
0x43: {  	_ =	shalt  }
0x44: {  	_ =	shalt  }
0x45: {  	_ =	shalt  }
0x46: {  	_ =	shalt  }
0x47: {  	_ =	shalt  }
0x48: {  	_ =	shalt  }
0x49: {  	_ =	shalt  }
0x4a: {  	_ =	shalt  }
0x4b: {  	_ =	shalt  }
0x4c: {  	_ =	shalt  }
0x4d: {  	_ =	shalt  }
0x4e: {  	_ =	shalt  }
0x4f: {  	_ =	shalt  }
0x50: {  	_ =	shalt  }
0x51: {  	_ =	shalt  }
0x52: {  	_ =	shalt  }
0x53: {  	_ =	shalt  }
0x54: {  	_ =	shalt  }
0x55: {  	_ =	shalt  }
0x56: {  	_ =	shalt  }
0x57: {  	_ =	shalt  }
0x58: {  	_ =	shalt  }
0x59: {  	_ =	shalt  }
0x5a: {  	_ =	shalt  }
0x5b: {  	_ =	shalt  }
0x5c: {  	_ =	shalt  }
0x5d: {  	_ =	shalt  }
0x5e: {  	_ =	shalt  }
0x5f: {  	_ =	shalt  }
0x60: {  	_ =	shalt  }
0x61: {  	_ =	shalt  }
0x62: {  	_ =	shalt  }
0x63: {  	_ =	shalt  }
0x64: {  	_ =	shalt  }
0x65: {  	_ =	shalt  }
0x66: {  	_ =	shalt  }
0x67: {  	_ =	shalt  }
0x68: {  	_ =	shalt  }
0x69: {  	_ =	shalt  }
0x6a: {  	_ =	shalt  }
0x6b: {  	_ =	shalt  }
0x6c: {  	_ =	shalt  }
0x6d: {  	_ =	shalt  }
0x6e: {  	_ =	shalt  }
0x6f: {  	_ =	shalt  }
0x70: {  	_ =	shalt  }
0x71: {  	_ =	shalt  }
0x72: {  	_ =	shalt  }
0x73: {  	_ =	shalt  }
0x74: {  	_ =	shalt  }
0x75: {  	_ =	shalt  }
0x76: {  	_ =	shalt  }
0x77: {  	_ =	shalt  }
0x78: {  	_ =	shalt  }
0x79: {  	_ =	shalt  }
0x7a: {  	_ =	shalt  }
0x7b: {  	_ =	shalt  }
0x7c: {  	_ =	shalt  }
0x7d: {  	_ =	shalt  }
0x7e: {  	_ =	shalt  }
0x7f: {  	_ =	shalt  }
0x80: {  	_ =	shalt  }
0x81: {  	_ =	shalt  }
0x82: {  	_ =	shalt  }
0x83: {  	_ =	shalt  }
0x84: {  	_ =	shalt  }
0x85: {  	_ =	shalt  }
0x86: {  	_ =	shalt  }
0x87: {  	_ =	shalt  }
.Lfunc_end0:
.L_simem_size_0:
called_computation.1_lowered:
.L_overlay_start_0:
0x88: {  	s2 =	sld [smem:$0x3FD9]  }
0x89: {  	s3 =	sld [smem:$0x3FFE];
	_ =	sdelay $0x1  }
0x8a: {  	s1 =	srdreg.scid  }
0x8b: {  	s0 =	sand.u32 $0x1, s1  }
0x8c: {  	s17 =	sshll.u32 s0, $0xA;
	s2 =	sadd.s32 s3, s2  }
0x8d: {  	s2 =	sadd.s32 s2, s17  }
0x8e: {  	[smem:$0x3FC6] =	sst s2  }
0x8f: {  	_ = 	snop  }
0x90: {  	s18 =	sld [smem:$0x3FC9];
	(tm) =	ssettm $0x1  }
0x91: {  	s19 =	sld [smem:$0x3FFB];
	_ =	sdelay $0x3  }
0x92: {  	_ =	strace s19  }
0x93: {  	s2 =	sld [smem:$0x3FFC];
	_ =	sdelay $0x3  }
0x94: {  	_ =	strace s2  }
0x95: {  	s2 =	sld [smem:$0x3FFD];
	_ =	sdelay $0x3  }
0x96: {  	_ =	strace s2  }
0x97: {  	_ =	strace $0x8FFFFFFF  }
0x98: {  	s20 =	sld [smem:$0x3FDB];
	_ =	sdelay $0x1  }
0x99: {  	s4 =	simm.s32 $_scs_section_size  }
0x9a: {  	s5 =	simm.s32 $_size__tile_overlayer_lowered;
	s6 =	simm.s32 $_tile_overlayer_lowered  }
0x9b: {  	s7 =	simm.s32 $0x1BFF;
	s21 =	sshll.u32 s6, $0x1;
	s4 =	sadd.s32 s4, s20  }
0x9c: {  	s22 =	simm.s32 $0x0;
	s5 =	sshll.u32 s5, $0x1;
	s6 =	sadd.s32 s21, s4  }
0x9d: {  	[timem:s22], [sflag:s7] =	dma.local [hbm:s6], s5  }
0x9e: {  	_ =	swait.ge [sflag:s7], s5  }
0x9f: {  	s5 =	ssub.s32 $0x0, s5;
	[sflag:s7] =	ssyncset.done $0x0  }
0xa0: {  	[sflag:s7] =	ssyncadd.s32 s5;
	_ =	sdelay $0x1  }
0xa1: {  	s23 =	simm.s32 $0x1B8B  }
0xa2: {  	_ =	swait.ge [sflag:s23], $0x1  }
0xa3: {  	[sflag:s23] =	ssyncset.done $0x0  }
0xa4: {  	[sflag:s23] =	ssyncadd.s32 $0xFFFFFFFF  }
0xa5: {  	s5 =	sld [smem:$0x0]  }
0xa6: {  	s6 =	sand.u32 $0xFFFFFFFE, s1  }
0xa7: {  	p0 =	sne.s32 s1, s6  }
0xa8: {  	s6 =	sshll.u32 @p0 s6, $0xE  }
0xa9: {  	s6 =	sadd.s32 @p0 $0x11B8D, s6;
	s7 =	sshll.u32 @p0 s5, $0x11  }
0xaa: {  	s6 =	sor.u32 @p0 s7, s6  }
0xab: {  	[sflag:s6] =	ssyncadd.remote.s32 @p0 $0x1;
	_ =	sdelay $0x1  }
0xac: {  	s6 =	simm.s32 @p0 $0x1B8D  }
0xad: {  	_ =	swait.eq @p0 [sflag:s6], $0x1  }
0xae: {  	[sflag:s6] =	ssyncadd.s32 @p0 $0xFFFFFFFF  }
0xaf: {  	s7 =	sshll.u32 @!p0 s1, $0xE  }
0xb0: {  	s7 =	sor.u32 @!p0 $0x4000, s7;
	s6 =	simm.s32 @!p0 $0x1B8D  }
0xb1: {  	s5 =	sshll.u32 @!p0 s5, $0x11;
	s7 =	sadd.s32 @!p0 $0x11B8D, s7;
	_ =	swait.eq @!p0 [sflag:s6], $0x1  }
0xb2: {  	s5 =	sor.u32 @!p0 s5, s7;
	[sflag:s6] =	ssyncadd.s32 @!p0 $0xFFFFFFFF  }
0xb3: {  	s25 =	simm.s32 $0x1B8E;
	s24 =	sld [smem:$0x3FFE];
	[sflag:s5] =	ssyncadd.remote.s32 @!p0 $0x1  }
0xb4: {  	s26 =	simm.s32 $execute0_lowered;
	[smem:$0x3FD2] =	sst s25  }
0xb5: {  	s6 =	sshll.u32 s26, $0x1;
	_ =	strace $0x80000049;
	[dreg:$0x1] =	wrdreg $0xFFFFFFFF  }
0xb6: {  	s28 =	simm.s32 $_size_execute0_lowered;
	s4 =	sadd.s32 s4, s6;
	[dreg:$0x0] =	wrdreg $0x0  }
0xb7: {  	s6 =	sshll.u32 s28, $0x1;
	[dreg:$0x2] =	wrdreg s4  }
0xb8: {  	[dreg:$0x3] =	wrdreg s6  }
0xb9: {  	[dreg:$0x4] =	wrdreg $0xC0  }
0xba: {  	_ =	task [dreg:s22], $0x5FFFF  }
0xbb: {  	[dreg:$0x1] =	wrdreg $0xFFFFFFFF  }
0xbc: {  	[dreg:$0x0] =	wrdreg $0x60  }
0xbd: {  	[dreg:$0x2] =	wrdreg s18  }
0xbe: {  	[dreg:$0x3] =	wrdreg s24  }
0xbf: {  	[dreg:$0x4] =	wrdreg $0x20000  }
0xc0: {  	[dreg:$0x5] =	wrdreg $0xA  }
0xc1: {  	_ =	task.clear_ibuf [dreg:s22], $0x6FFFF;
	_ =	strace $0x90000049  }
0xc2: {  	s29 =	simm.s32 $0xA;
	_ =	strace $0x8000004B  }
0xc3: {  	_ =	swait.ge [sflag:s29], $0x1  }
0xc4: {  	[sflag:s29] =	ssyncadd.s32 $0xFFFFFFFF  }
0xc5: {  	_ =	strace $0x9000004B  }
0xc6: {  	_ =	sfence  }
0xc7: {  	s30 =	sld [smem:$0x0];
	_ =	sdelay $0x2  }
0xc8: {  	s31 =	sshll.u32 s1, $0xD;
	s1 =	sshrl.u32 s1, $0x2  }
0xc9: {  	s4 =	sand.u32 $0x4000, s31;
	s1 =	sadd.s32 s1, s30  }
0xca: {  	s0 =	sor.u32 s4, s0;
	s1 =	sshll.u32 s1, $0x11  }
0xcb: {  	s0 =	sor.u32 s1, s0  }
0xcc: {  	s0 =	sadd.s32 $0x8F2B, s0  }
0xcd: {  	[sflag:s0] =	ssyncadd.remote.s32 $0x1  }
0xce: {  	_ =	sfence.sel $0xFFFF  }
0xcf: {  	[dreg:$0x0] =	wrdreg $0xFFFFFFFF;
	(pc) =	sbr.abs _section_cstart, $3  }
0xd0: {  	[dreg:$0x1] =	wrdreg $0xFFFFFFFF  }
0xd1: {  	_ =	task.clear_ibuf [dreg:s22], $0x2FFFF;
	_ =	strace $0x9FFFFFFF  }
0xd2: {  	(tm) =	ssettm $0x7FFFFFFF  }
0xd3: {  	_ =	shalt  }
tec
execute0_lowered:
.L_overlay_start_1:
0x0: {  	(tag) =	ssettag $0x1  }
0x1: {  	s0 =	rddreg [dreg:$0x1]  }
0x2: {  	s2 =	rddreg [dreg:$0x2]  }
0x3: {  	s1 =	srdreg.scid;
	s4 =	stileid.u32  }
0x4: {  	s3 =	simm.s32 $0x0;
	s15 =	simm.s32 $0x9;
	s16 =	simm.s32 $0xA  }
0x5: {  	s17 =	simm.s32 $0x11A00;
	s19 =	simm.s32 $0x14200;
	s28 =	simm.s32 $0x4  }
0x6: {  	s29 =	simm.s32 $0x5;
	s30 =	simm.s32 $0x6;
	s31 =	simm.s32 $0x7  }
0x7: {  	s1 =	sand.u32 $0x1, s1;
	s5 =	sshll.u32 s4, $0x1;
	s8 =	smul.u32 $0x500, s4  }
0x8: {  	[smem:$0x7FF] =	sst s3;
	s12 =	sadd.s32 $0x28BE00, s0;
	s26 =	smul.u32 $0x28000, s4  }
0x9: {  	p0 =	sne.s32 s4, $0x0;
	s5 =	sor.u32 s1, s5;
	s10 =	smul.u32 $0x280, s1  }
0xa: {  	_ =	strace $0x8000004A;
	s7 =	ssub.s32 $0x2, s1;
	s1 =	smul.u32 $0x14000, s1  }
0xb: {  	s6 =	sshll.u32 s5, $0xA;
	s5 =	smul.u32 $0xA0000, s5;
	s9 =	sshrl.u32 s7, $0x1  }
0xc: {  	s14 =	sshrl.u32 @!p0 s2, $0x3;
	s0 =	sadd.s32 s6, s0;
	s21 =	ssub.s32 s7, s9  }
0xd: {  	s23 =	sadd.s32 s10, s8;
	s5 =	sshrl.u32 s5, $0x3;
	s0 =	sadd.s32 $0x283E00, s0  }
0xe: {  	s9 =	smax.u32 s21, $0x1;
	s21 =	simm.s32 $0x16A00;
	s5 =	sadd.s32 s12, s5  }
0xf: {  	[dreg:$0x4] =	wrdreg s0;
	s0 =	sshll.u32 s23, $0x7;
	s23 =	simm.s32 $0x19200  }
0x10: {  	s22 =	sadd.s32 $0x12C00, s5;
	s24 =	sadd.s32 $0x13100, s5;
	s25 =	sadd.s32 $0x13600, s5  }
0x11: {  	s8 =	sadd.s32 $0x13B00, s5;
	s0 =	sadd.s32 s0, s12;
	[dreg:$0x5] =	wrdreg s22  }
0x12: {  	s5 =	sadd.s32 s26, s12;
	s26 =	simm.s32 $0x3;
	[dreg:$0x6] =	wrdreg s24  }
0x13: {  	[dreg:$0x7] =	wrdreg s25;
	s10 =	sadd.s32 $0xF00, s0;
	s11 =	sadd.s32 $0xA00, s0  }
0x14: {  	s12 =	sadd.s32 $0x500, s0;
	s13 =	sadd.s32 s1, s5;
	s24 =	simm.s32 $0x1  }
0x15: {  	s25 =	simm.s32 $0x2;
	s0 =	simm.s32 $0x8;
	s1 =	simm.s32 $0x0  }
.LBB2_1:
0x16: {  	s4 =	simm.s32 @!p0 $0x1C09;
	s5 =	rddreg [dreg:$0x0]  }
0x17: {  	[spmem:s14], [sflag:s4] =	dma.local @!p0 [hbm:s5], $0x1F400  }
0x18: {  	s4 =	simm.s32 @!p0 $0x9  }
0x19: {  	_ =	swait.ge @!p0 [sflag:s4], $0x1F400  }
0x1a: {  	[sflag:s4] =	ssyncset.done @!p0 $0x0  }
0x1b: {  	[sflag:s4] =	ssyncadd.s32 @!p0 $0xFFFE0C00  }
0x1c: {  	[bflag:$0x0] =	sbarrier.arrive $0xFFFF  }
0x1d: {  	s22 =	rddreg [dreg:$0x4]  }
0x1e: {  	[tilespmem:s3], [sflag:$0x9] =	stream.linear.gather [hbm4b:s22+s3], $0x2000, $0x38;
	[tilespmem:$0x1BA00] =	vst v63  }
0x1f: {  	_ =	swait.ge [sflag:s15], $0x2000  }
0x20: {  	[sflag:s15] =	ssyncset.done $0x0  }
0x21: {  	[sflag:s15] =	ssyncadd.s32 $0xFFFFE000  }
0x22: {  	[tilespmem:s17], [sflag:$0x1] =	stream.indirect.gather [spmem:s2], $0x400, s3, s16, $0xb8;
	[tilespmem:$0x1BA00] =	vst v63  }
0x23: {  	s5 =	simm.s32 $0x80  }
0x24: {  	[tilespmem:s19], [sflag:$0x2] =	stream.indirect.gather [spmem:s2], $0x400, s5, s16, $0xb8;
	[tilespmem:$0x1BA00] =	vst v63  }
0x25: {  	s6 =	simm.s32 $0x100  }
0x26: {  	[tilespmem:s21], [sflag:$0x3] =	stream.indirect.gather [spmem:s2], $0x400, s6, s16, $0xb8;
	[tilespmem:$0x1BA00] =	vst v63  }
0x27: {  	s7 =	simm.s32 $0x180  }
0x28: {  	[tilespmem:s23], [sflag:$0x4] =	stream.indirect.gather [spmem:s2], $0x400, s7, s16, $0xb8;
	[tilespmem:$0x1BA00] =	vst v63  }
0x29: {  	_ =	swait.ge [sflag:s24], $0x2800  }
0x2a: {  	[sflag:s24] =	ssyncset.done $0x0  }
0x2b: {  	[sflag:s24] =	ssyncadd.s32 $0xFFFFD800  }
0x2c: {  	[hbm4b:s13+s3] =	stream.linear.scatter [tilespmem:s17], [sflag:$0x5], $0x2800, $0x38;
	[tilespmem:$0x1BA00] =	vst v63  }
0x2d: {  	_ =	swait.ge [sflag:s25], $0x2800  }
0x2e: {  	[sflag:s25] =	ssyncset.done $0x0  }
0x2f: {  	[sflag:s25] =	ssyncadd.s32 $0xFFFFD800  }
0x30: {  	[hbm4b:s12+s3] =	stream.linear.scatter [tilespmem:s19], [sflag:$0x6], $0x2800, $0x38;
	[tilespmem:$0x1BA00] =	vst v63  }
0x31: {  	_ =	swait.ge [sflag:s26], $0x2800  }
0x32: {  	[sflag:s26] =	ssyncset.done $0x0  }
0x33: {  	[sflag:s26] =	ssyncadd.s32 $0xFFFFD800  }
0x34: {  	[hbm4b:s11+s3] =	stream.linear.scatter [tilespmem:s21], [sflag:$0x7], $0x2800, $0x38;
	[tilespmem:$0x1BA00] =	vst v63  }
0x35: {  	_ =	swait.ge [sflag:s28], $0x2800  }
0x36: {  	[sflag:s28] =	ssyncset.done $0x0  }
0x37: {  	[sflag:s28] =	ssyncadd.s32 $0xFFFFD800  }
0x38: {  	[hbm4b:s10+s3] =	stream.linear.scatter [tilespmem:s23], [sflag:$0x8], $0x2800, $0x38;
	[tilespmem:$0x1BA00] =	vst v63  }
0x39: {  	_ =	swait.ge [sflag:s29], $0x2800  }
0x3a: {  	[sflag:s29] =	ssyncset.done $0x0  }
0x3b: {  	s18 =	simm.s32 $0x200;
	[sflag:s29] =	ssyncadd.s32 $0xFFFFD800  }
0x3c: {  	[tilespmem:s17], [sflag:$0x1] =	stream.indirect.gather [spmem:s2], $0x400, s18, s16, $0xb8;
	[tilespmem:$0x1BA00] =	vst v63  }
0x3d: {  	_ =	swait.ge [sflag:s30], $0x2800  }
0x3e: {  	[sflag:s30] =	ssyncset.done $0x0  }
0x3f: {  	s20 =	simm.s32 $0x280;
	[sflag:s30] =	ssyncadd.s32 $0xFFFFD800  }
0x40: {  	[tilespmem:s19], [sflag:$0x2] =	stream.indirect.gather [spmem:s2], $0x400, s20, s16, $0xb8;
	[tilespmem:$0x1BA00] =	vst v63  }
0x41: {  	_ =	swait.ge [sflag:s31], $0x2800  }
0x42: {  	[sflag:s31] =	ssyncset.done $0x0  }
0x43: {  	s22 =	simm.s32 $0x300;
	[sflag:s31] =	ssyncadd.s32 $0xFFFFD800  }
0x44: {  	[tilespmem:s21], [sflag:$0x3] =	stream.indirect.gather [spmem:s2], $0x400, s22, s16, $0xb8;
	[tilespmem:$0x1BA00] =	vst v63  }
0x45: {  	s4 =	sadd.s32 $0x1400, s12;
	s5 =	sadd.s32 $0x1400, s10;
	_ =	swait.ge [sflag:s0], $0x2800  }
0x46: {  	s6 =	simm.s32 $0x380;
	s18 =	simm.s32 $0x800;
	[sflag:s0] =	ssyncset.done $0x0  }
0x47: {  	s20 =	sadd.s32 $0x1400, s13;
	s22 =	sadd.s32 $0x1400, s11;
	[sflag:s0] =	ssyncadd.s32 $0xFFFFD800  }
.LBB2_2:
0x48: {  	[tilespmem:s23], [sflag:$0x4] =	stream.indirect.gather [spmem:s2], $0x400, s6, s16, $0xb8;
	[tilespmem:$0x1BA00] =	vst v63  }
0x49: {  	s6 =	smov.u32 s18  }
0x4a: {  	p1 =	sne.s32 s18, $0x7000;
	s18 =	sadd.s32 $0x800, s18;
	_ =	swait.ge [sflag:s24], $0x2800  }
0x4b: {  	[sflag:s24] =	ssyncset.done $0x0  }
0x4c: {  	[sflag:s24] =	ssyncadd.s32 $0xFFFFD800  }
0x4d: {  	[hbm4b:s20+s3] =	stream.linear.scatter [tilespmem:s17], [sflag:$0x5], $0x2800, $0x38;
	[tilespmem:$0x1BA00] =	vst v63  }
0x4e: {  	_ =	swait.ge [sflag:s25], $0x2800  }
0x4f: {  	[sflag:s25] =	ssyncset.done $0x0  }
0x50: {  	[sflag:s25] =	ssyncadd.s32 $0xFFFFD800  }
0x51: {  	[hbm4b:s4+s3] =	stream.linear.scatter [tilespmem:s19], [sflag:$0x6], $0x2800, $0x38;
	[tilespmem:$0x1BA00] =	vst v63  }
0x52: {  	_ =	swait.ge [sflag:s26], $0x2800  }
0x53: {  	[sflag:s26] =	ssyncset.done $0x0  }
0x54: {  	[sflag:s26] =	ssyncadd.s32 $0xFFFFD800  }
0x55: {  	[hbm4b:s22+s3] =	stream.linear.scatter [tilespmem:s21], [sflag:$0x7], $0x2800, $0x38;
	[tilespmem:$0x1BA00] =	vst v63  }
0x56: {  	_ =	swait.ge [sflag:s28], $0x2800  }
0x57: {  	[sflag:s28] =	ssyncset.done $0x0  }
0x58: {  	[sflag:s28] =	ssyncadd.s32 $0xFFFFD800  }
0x59: {  	[hbm4b:s5+s3] =	stream.linear.scatter [tilespmem:s23], [sflag:$0x8], $0x2800, $0x38;
	[tilespmem:$0x1BA00] =	vst v63  }
0x5a: {  	_ =	swait.ge [sflag:s29], $0x2800  }
0x5b: {  	s6 =	sshra.s32 s6, $0x2;
	[sflag:s29] =	ssyncset.done $0x0  }
0x5c: {  	s7 =	sadd.s32 $0x200, s6;
	[sflag:s29] =	ssyncadd.s32 $0xFFFFD800  }
0x5d: {  	[tilespmem:s17], [sflag:$0x1] =	stream.indirect.gather [spmem:s2], $0x400, s7, s16, $0xb8;
	[tilespmem:$0x1BA00] =	vst v63  }
0x5e: {  	_ =	swait.ge [sflag:s30], $0x2800  }
0x5f: {  	[sflag:s30] =	ssyncset.done $0x0  }
0x60: {  	s7 =	sadd.s32 $0x280, s6;
	[sflag:s30] =	ssyncadd.s32 $0xFFFFD800  }
0x61: {  	[tilespmem:s19], [sflag:$0x2] =	stream.indirect.gather [spmem:s2], $0x400, s7, s16, $0xb8;
	[tilespmem:$0x1BA00] =	vst v63  }
0x62: {  	_ =	swait.ge [sflag:s31], $0x2800  }
0x63: {  	[sflag:s31] =	ssyncset.done $0x0  }
.Ltmp0:
0x64: {  	s7 =	sadd.s32 $0x300, s6;
	[sflag:s31] =	ssyncadd.s32 $0xFFFFD800;
	(pc) =	sbr.rel @p1 .LBB2_2-.Ltmp0, $4  }
0x65: {  	[tilespmem:s21], [sflag:$0x3] =	stream.indirect.gather [spmem:s2], $0x400, s7, s16, $0xb8;
	[tilespmem:$0x1BA00] =	vst v63  }
0x66: {  	s20 =	sadd.s32 $0x1400, s20;
	_ =	swait.ge [sflag:s0], $0x2800  }
0x67: {  	s4 =	sadd.s32 $0x1400, s4;
	s22 =	sadd.s32 $0x1400, s22;
	[sflag:s0] =	ssyncset.done $0x0  }
0x68: {  	s5 =	sadd.s32 $0x1400, s5;
	s6 =	sadd.s32 $0x380, s6;
	[sflag:s0] =	ssyncadd.s32 $0xFFFFD800  }
0x69: {  	[tilespmem:s23], [sflag:$0x4] =	stream.indirect.gather [spmem:s2], $0x400, s6, s16, $0xb8;
	[tilespmem:$0x1BA00] =	vst v63  }
0x6a: {  	_ =	swait.ge [sflag:s24], $0x2800  }
0x6b: {  	[sflag:s24] =	ssyncset.done $0x0  }
0x6c: {  	s4 =	rddreg [dreg:$0x5];
	[sflag:s24] =	ssyncadd.s32 $0xFFFFD800  }
0x6d: {  	[hbm4b:s4+s3] =	stream.linear.scatter [tilespmem:s17], [sflag:$0x5], $0x2800, $0x38;
	[tilespmem:$0x1BA00] =	vst v63  }
0x6e: {  	_ =	swait.ge [sflag:s25], $0x2800  }
0x6f: {  	[sflag:s25] =	ssyncset.done $0x0  }
0x70: {  	s20 =	rddreg [dreg:$0x6];
	[sflag:s25] =	ssyncadd.s32 $0xFFFFD800  }
0x71: {  	[hbm4b:s20+s3] =	stream.linear.scatter [tilespmem:s19], [sflag:$0x6], $0x2800, $0x38;
	[tilespmem:$0x1BA00] =	vst v63  }
0x72: {  	_ =	swait.ge [sflag:s26], $0x2800  }
0x73: {  	[sflag:s26] =	ssyncset.done $0x0  }
0x74: {  	s22 =	rddreg [dreg:$0x7];
	[sflag:s26] =	ssyncadd.s32 $0xFFFFD800  }
0x75: {  	[hbm4b:s22+s3] =	stream.linear.scatter [tilespmem:s21], [sflag:$0x7], $0x2800, $0x38;
	[tilespmem:$0x1BA00] =	vst v63  }
0x76: {  	_ =	swait.ge [sflag:s28], $0x2800  }
0x77: {  	[sflag:s28] =	ssyncset.done $0x0  }
0x78: {  	[sflag:s28] =	ssyncadd.s32 $0xFFFFD800  }
0x79: {  	[hbm4b:s8+s3] =	stream.linear.scatter [tilespmem:s23], [sflag:$0x8], $0x2800, $0x38;
	[tilespmem:$0x1BA00] =	vst v63  }
0x7a: {  	_ =	swait.ge [sflag:s29], $0x2800  }
0x7b: {  	[sflag:s29] =	ssyncset.done $0x0  }
0x7c: {  	[sflag:s29] =	ssyncadd.s32 $0xFFFFD800  }
0x7d: {  	_ =	swait.ge [sflag:s30], $0x2800  }
0x7e: {  	[sflag:s30] =	ssyncset.done $0x0  }
0x7f: {  	s1 =	sadd.s32 $0x1, s1;
	[sflag:s30] =	ssyncadd.s32 $0xFFFFD800  }
0x80: {  	p1 =	sne.s32 s1, s9;
	_ =	swait.ge [sflag:s31], $0x2800  }
.Ltmp1:
0x81: {  	[sflag:s31] =	ssyncset.done $0x0;
	(pc) =	sbr.rel @p1 .LBB2_1-.Ltmp1, $4  }
0x82: {  	[sflag:s31] =	ssyncadd.s32 $0xFFFFD800  }
0x83: {  	_ =	swait.ge [sflag:s0], $0x2800  }
0x84: {  	[sflag:s0] =	ssyncset.done $0x0  }
0x85: {  	[sflag:s0] =	ssyncadd.s32 $0xFFFFD800  }
0x86: {  	_ =	sfence.sel $0x180000  }
0x87: {  	[bflag:$0x0] =	sbarrier.arrive $0xFFFF  }
0x88: {  	_ =	strace $0x9000004A  }
0x89: {  	[bflag:$0x2] =	sbarrier.arrive $0xFFFF  }
0x8a: {  	s0 =	rddreg [dreg:$0x3]  }
0x8b: {  	s0 =	sadd.s32 @!p0 $0x100000, s0  }
0x8c: {  	[sflag:s0] =	ssyncadd.tile.s32 @!p0 $0x1;
	_ =	shalt  }
.Lfunc_end2:
_tile_overlayer_lowered:
.L_overlay_start_2:
0x8d: {  	(tag) =	ssettag $0x2  }
0x8e: {  	s0 =	rddreg [dreg:$0x0];
	s2 =	stileid.u32  }
0x8f: {  	s1 =	rddreg [dreg:$0x1];
	p0 =	sne.s32 s2, $0x0  }
0x90: {  	s3 =	rddreg [dreg:$0x2];
	[bflag:$0x3] =	sbarrier.arrive $0xFFFF;
	s2 =	simm.s32 @!p0 $0x1C09  }
0x91: {  	[timem:s3], [sflag:s2] =	dma.local @!p0 [hbm:s0], s1  }
0x92: {  	s0 =	simm.s32 @!p0 $0x9  }
0x93: {  	_ =	swait.ge @!p0 [sflag:s0], s1  }
0x94: {  	s1 =	ssub.s32 @!p0 $0x0, s1;
	[sflag:s0] =	ssyncset.done @!p0 $0x0  }
0x95: {  	[sflag:s0] =	ssyncadd.s32 @!p0 s1  }
0x96: {  	[bflag:$0x3] =	sbarrier.arrive $0xFFFF  }
0x97: {  	_ =	shalt  }

// kernel: _run.16.cloned.1.call-start
scs
__scs_entry_jumppad:
0x0: {  	(pc) =	sbr.rel $0x88, $3  }
0x1: {  	(tag) =	ssettag $0x0;
	lr =	simm.s32 $0x1  }
0x2: {  	[smem:$0x3F9F] =	sst lr;
	_ =	strace $0xD0000000  }
0x3: {  	_ = 	snop  }
0x4: {  	_ = 	snop  }
0x5: {  	_ = 	snop  }
0x6: {  	_ = 	snop  }
0x7: {  	_ = 	snop  }
__scs_overlays_trampoline_lowered:
0x8: {  	[smem:$0x3FAE] =	sst s0  }
0x9: {  	[smem:$0x3FAF] =	sst s1  }
0xa: {  	[smem:$0x3FB0] =	sst s2  }
0xb: {  	[smem:$0x3FB1] =	sst s3  }
0xc: {  	[smem:$0x3FB2] =	sst s4  }
0xd: {  	[smem:$0x3FB3] =	sst s5  }
0xe: {  	[smem:$0x3FB4] =	sst s6  }
0xf: {  	[smem:$0x3FB5] =	sst s7  }
0x10: {  	[smem:$0x3FB6] =	sst s8  }
0x11: {  	[smem:$0x3FB7] =	sst s9;
	s0 =	simm.s32 @!p0 $0x0  }
0x12: {  	s1 =	sld [smem:$0x3F9D];
	s0 =	simm.s32 @p0 $0x1  }
0x13: {  	[smem:$0x3FB8] =	sst s0;
	s0 =	simm.s32 @!p1 $0x0  }
0x14: {  	s2 =	sld [smem:$0x3F9C];
	s0 =	simm.s32 @p1 $0x1  }
0x15: {  	[smem:$0x3FB9] =	sst s0;
	s0 =	simm.s32 @!p2 $0x0  }
0x16: {  	s3 =	sld [smem:$0x3FDB];
	s0 =	simm.s32 @p2 $0x1  }
0x17: {  	s4 =	simm.s32 $0x1BF5;
	[smem:$0x3FBB] =	sst s0  }
0x18: {  	s0 =	sld [smem:$0x3F9E];
	_ =	swait.ge [sflag:s4], $0x0  }
0x19: {  	s7 =	sld [smem:$0x3F9F]  }
0x1a: {  	s8 =	sadd.s32 $0xFFFFE003, lr  }
0x1b: {  	s9 =	sadd.s32 $0xFFFFFEF7, lr;
	s5 =	simm.s32 $0xFFFFFFFF;
	p2 =	slt.u32 s8, $0xFFFFF086  }
0x1c: {  	p1 =	slt.u32 s9, $0xF7A;
	s5 =	simm.s32 @!p2 $0x0  }
0x1d: {  	s5 =	simm.s32 @p1 $0x1;
	p0 =	seq.s32 s7, s2  }
0x1e: {  	s7 =	smul.u32 @!p0 $0xF7A, s2;
	p2 =	seq.s32 @!p0 s5, $0x0  }
0x1f: {  	s9 =	smul.u32 $0xF7A, s1;
	s8 =	simm.s32 @!p0 $0x1BF5;
	p2 =	por !p2, p0  }
0x20: {  	[sflag:s8] =	ssyncset.s32 @!p0 $0xFFFFF086;
	s6 =	sadd.s32 @!p0 s3, s7;
	s7 =	simm.s32 @!p0 $0x108  }
0x21: {  	s3 =	sadd.s32 s3, s9;
	s6 =	sadd.s32 @!p0 $0x88, s6;
	s7 =	simm.s32 @p2 $0x1082  }
0x22: {  	[simem:s7], [sflag:s8] =	dma.local @!p0 [hbm:s6], $0xF7A  }
0x23: {  	s9 =	sor.u32 $0xD0000000, s2;
	s6 =	simm.s32 $0x108;
	_ =	swait.ge @!p0 [sflag:s8], $0x0  }
0x24: {  	s3 =	sadd.s32 $0x88, s3;
	s6 =	simm.s32 @!p1 $0x1082;
	[sflag:s4] =	ssyncset.s32 $0xFFFFF086  }
0x25: {  	[simem:s6], [sflag:s4] =	dma.local [hbm:s3], $0xF7A  }
0x26: {  	[smem:$0x3F9F] =	sst s1;
	(tag) =	ssettag s2;
	_ =	strace s9  }
0x27: {  	s1 =	sld [smem:$0x3FAF]  }
0x28: {  	s2 =	sld [smem:$0x3FB0]  }
0x29: {  	s4 =	sld [smem:$0x3FB2]  }
0x2a: {  	p0 =	seq.s32 s5, $0x0;
	s5 =	sld [smem:$0x3FB3]  }
0x2b: {  	s6 =	sld [smem:$0x3FB4]  }
0x2c: {  	s7 =	sld [smem:$0x3FB5]  }
0x2d: {  	s3 =	simm.s32 $0x108;
	s8 =	sld [smem:$0x3FB6]  }
0x2e: {  	s3 =	simm.s32 @!p0 $0x1082;
	s9 =	sld [smem:$0x3FB7]  }
0x2f: {  	lr =	sadd.s32 s0, s3;
	s0 =	sld [smem:$0x3FAE]  }
0x30: {  	s3 =	sld [smem:$0x3FB1]  }
0x31: {  	[smem:$0x3FBA] =	sst s10  }
0x32: {  	s10 =	sld [smem:$0x3FB8];
	_ =	sdelay $0x3  }
0x33: {  	p0 =	seq.s32 s10, $0x1;
	s10 =	sld [smem:$0x3FBA];
	_ =	sdelay $0x3  }
0x34: {  	[smem:$0x3FBA] =	sst s10  }
0x35: {  	s10 =	sld [smem:$0x3FB9];
	_ =	sdelay $0x3  }
0x36: {  	p1 =	seq.s32 s10, $0x1;
	s10 =	sld [smem:$0x3FBA];
	_ =	sdelay $0x3  }
0x37: {  	[smem:$0x3FBA] =	sst s10  }
0x38: {  	s10 =	sld [smem:$0x3FBB]  }
0x39: {  	_ = 	snop;
	(pc) =	sbr.ind lr, $3  }
0x3a: {  	_ = 	snop  }
0x3b: {  	_ = 	snop  }
0x3c: {  	p2 =	seq.s32 s10, $0x1;
	s10 =	sld [smem:$0x3FBA]  }
0x3d: {  	_ =	shalt  }
0x3e: {  	_ =	shalt  }
0x3f: {  	_ =	shalt  }
0x40: {  	_ =	shalt  }
0x41: {  	_ =	shalt  }
0x42: {  	_ =	shalt  }
0x43: {  	_ =	shalt  }
0x44: {  	_ =	shalt  }
0x45: {  	_ =	shalt  }
0x46: {  	_ =	shalt  }
0x47: {  	_ =	shalt  }
0x48: {  	_ =	shalt  }
0x49: {  	_ =	shalt  }
0x4a: {  	_ =	shalt  }
0x4b: {  	_ =	shalt  }
0x4c: {  	_ =	shalt  }
0x4d: {  	_ =	shalt  }
0x4e: {  	_ =	shalt  }
0x4f: {  	_ =	shalt  }
0x50: {  	_ =	shalt  }
0x51: {  	_ =	shalt  }
0x52: {  	_ =	shalt  }
0x53: {  	_ =	shalt  }
0x54: {  	_ =	shalt  }
0x55: {  	_ =	shalt  }
0x56: {  	_ =	shalt  }
0x57: {  	_ =	shalt  }
0x58: {  	_ =	shalt  }
0x59: {  	_ =	shalt  }
0x5a: {  	_ =	shalt  }
0x5b: {  	_ =	shalt  }
0x5c: {  	_ =	shalt  }
0x5d: {  	_ =	shalt  }
0x5e: {  	_ =	shalt  }
0x5f: {  	_ =	shalt  }
0x60: {  	_ =	shalt  }
0x61: {  	_ =	shalt  }
0x62: {  	_ =	shalt  }
0x63: {  	_ =	shalt  }
0x64: {  	_ =	shalt  }
0x65: {  	_ =	shalt  }
0x66: {  	_ =	shalt  }
0x67: {  	_ =	shalt  }
0x68: {  	_ =	shalt  }
0x69: {  	_ =	shalt  }
0x6a: {  	_ =	shalt  }
0x6b: {  	_ =	shalt  }
0x6c: {  	_ =	shalt  }
0x6d: {  	_ =	shalt  }
0x6e: {  	_ =	shalt  }
0x6f: {  	_ =	shalt  }
0x70: {  	_ =	shalt  }
0x71: {  	_ =	shalt  }
0x72: {  	_ =	shalt  }
0x73: {  	_ =	shalt  }
0x74: {  	_ =	shalt  }
0x75: {  	_ =	shalt  }
0x76: {  	_ =	shalt  }
0x77: {  	_ =	shalt  }
0x78: {  	_ =	shalt  }
0x79: {  	_ =	shalt  }
0x7a: {  	_ =	shalt  }
0x7b: {  	_ =	shalt  }
0x7c: {  	_ =	shalt  }
0x7d: {  	_ =	shalt  }
0x7e: {  	_ =	shalt  }
0x7f: {  	_ =	shalt  }
0x80: {  	_ =	shalt  }
0x81: {  	_ =	shalt  }
0x82: {  	_ =	shalt  }
0x83: {  	_ =	shalt  }
0x84: {  	_ =	shalt  }
0x85: {  	_ =	shalt  }
0x86: {  	_ =	shalt  }
0x87: {  	_ =	shalt  }
.Lfunc_end0:
.L_simem_size_0:
called_computation.2_lowered:
.L_overlay_start_0:
0x88: {  	s2 =	sld [smem:$0x3FD9]  }
0x89: {  	s3 =	sld [smem:$0x3FFE];
	_ =	sdelay $0x1  }
0x8a: {  	s1 =	srdreg.scid  }
0x8b: {  	s0 =	sand.u32 $0x1, s1  }
0x8c: {  	s17 =	sshll.u32 s0, $0xA;
	s2 =	sadd.s32 s3, s2  }
0x8d: {  	s2 =	sadd.s32 s2, s17  }
0x8e: {  	[smem:$0x3FC6] =	sst s2  }
0x8f: {  	_ = 	snop  }
0x90: {  	s18 =	sld [smem:$0x3FC9];
	(tm) =	ssettm $0x1  }
0x91: {  	s19 =	sld [smem:$0x3FFB];
	_ =	sdelay $0x3  }
0x92: {  	_ =	strace s19  }
0x93: {  	s2 =	sld [smem:$0x3FFC];
	_ =	sdelay $0x3  }
0x94: {  	_ =	strace s2  }
0x95: {  	s2 =	sld [smem:$0x3FFD];
	_ =	sdelay $0x3  }
0x96: {  	_ =	strace s2  }
0x97: {  	_ =	strace $0x8FFFFFFF  }
0x98: {  	s20 =	sld [smem:$0x3FDB];
	_ =	sdelay $0x1  }
0x99: {  	s4 =	simm.s32 $_scs_section_size  }
0x9a: {  	s5 =	simm.s32 $_size__tile_overlayer_lowered;
	s6 =	simm.s32 $_tile_overlayer_lowered  }
0x9b: {  	s7 =	simm.s32 $0x1BFF;
	s21 =	sshll.u32 s6, $0x1;
	s4 =	sadd.s32 s4, s20  }
0x9c: {  	s22 =	simm.s32 $0x0;
	s5 =	sshll.u32 s5, $0x1;
	s6 =	sadd.s32 s21, s4  }
0x9d: {  	[timem:s22], [sflag:s7] =	dma.local [hbm:s6], s5  }
0x9e: {  	_ =	swait.ge [sflag:s7], s5  }
0x9f: {  	s5 =	ssub.s32 $0x0, s5;
	[sflag:s7] =	ssyncset.done $0x0  }
0xa0: {  	[sflag:s7] =	ssyncadd.s32 s5;
	_ =	sdelay $0x1  }
0xa1: {  	s23 =	simm.s32 $0x1B8B  }
0xa2: {  	_ =	swait.ge [sflag:s23], $0x1  }
0xa3: {  	[sflag:s23] =	ssyncset.done $0x0  }
0xa4: {  	[sflag:s23] =	ssyncadd.s32 $0xFFFFFFFF  }
0xa5: {  	s5 =	sld [smem:$0x0]  }
0xa6: {  	s6 =	sand.u32 $0xFFFFFFFE, s1  }
0xa7: {  	p0 =	sne.s32 s1, s6  }
0xa8: {  	s6 =	sshll.u32 @p0 s6, $0xE  }
0xa9: {  	s6 =	sadd.s32 @p0 $0x11B8D, s6;
	s7 =	sshll.u32 @p0 s5, $0x11  }
0xaa: {  	s6 =	sor.u32 @p0 s7, s6  }
0xab: {  	[sflag:s6] =	ssyncadd.remote.s32 @p0 $0x1;
	_ =	sdelay $0x1  }
0xac: {  	s6 =	simm.s32 @p0 $0x1B8D  }
0xad: {  	_ =	swait.eq @p0 [sflag:s6], $0x1  }
0xae: {  	[sflag:s6] =	ssyncadd.s32 @p0 $0xFFFFFFFF  }
0xaf: {  	s7 =	sshll.u32 @!p0 s1, $0xE  }
0xb0: {  	s7 =	sor.u32 @!p0 $0x4000, s7;
	s6 =	simm.s32 @!p0 $0x1B8D  }
0xb1: {  	s5 =	sshll.u32 @!p0 s5, $0x11;
	s7 =	sadd.s32 @!p0 $0x11B8D, s7;
	_ =	swait.eq @!p0 [sflag:s6], $0x1  }
0xb2: {  	s5 =	sor.u32 @!p0 s5, s7;
	[sflag:s6] =	ssyncadd.s32 @!p0 $0xFFFFFFFF  }
0xb3: {  	s25 =	simm.s32 $0x1B8E;
	s24 =	sld [smem:$0x3FFE];
	[sflag:s5] =	ssyncadd.remote.s32 @!p0 $0x1  }
0xb4: {  	s26 =	simm.s32 $execute0_lowered;
	[smem:$0x3FD2] =	sst s25  }
0xb5: {  	s6 =	sshll.u32 s26, $0x1;
	_ =	strace $0x8000004C;
	[dreg:$0x1] =	wrdreg $0xFFFFFFFF  }
0xb6: {  	s28 =	simm.s32 $_size_execute0_lowered;
	s4 =	sadd.s32 s4, s6;
	[dreg:$0x0] =	wrdreg $0x0  }
0xb7: {  	s6 =	sshll.u32 s28, $0x1;
	[dreg:$0x2] =	wrdreg s4  }
0xb8: {  	[dreg:$0x3] =	wrdreg s6  }
0xb9: {  	[dreg:$0x4] =	wrdreg $0xC0  }
0xba: {  	_ =	task [dreg:s22], $0x5FFFF  }
0xbb: {  	[dreg:$0x1] =	wrdreg $0xFFFFFFFF  }
0xbc: {  	[dreg:$0x0] =	wrdreg $0x60  }
0xbd: {  	[dreg:$0x2] =	wrdreg s18  }
0xbe: {  	[dreg:$0x3] =	wrdreg s24  }
0xbf: {  	[dreg:$0x4] =	wrdreg $0x20000  }
0xc0: {  	[dreg:$0x5] =	wrdreg $0xB  }
0xc1: {  	_ =	task.clear_ibuf [dreg:s22], $0x6FFFF;
	_ =	strace $0x9000004C  }
0xc2: {  	s29 =	simm.s32 $0xB;
	_ =	strace $0x8000004E  }
0xc3: {  	_ =	swait.ge [sflag:s29], $0x1  }
0xc4: {  	[sflag:s29] =	ssyncadd.s32 $0xFFFFFFFF  }
0xc5: {  	_ =	strace $0x9000004E  }
0xc6: {  	_ =	sfence  }
0xc7: {  	s30 =	sld [smem:$0x0];
	_ =	sdelay $0x2  }
0xc8: {  	s31 =	sshll.u32 s1, $0xD;
	s1 =	sshrl.u32 s1, $0x2  }
0xc9: {  	s4 =	sand.u32 $0x4000, s31;
	s1 =	sadd.s32 s1, s30  }
0xca: {  	s0 =	sor.u32 s4, s0;
	s1 =	sshll.u32 s1, $0x11  }
0xcb: {  	s0 =	sor.u32 s1, s0  }
0xcc: {  	s0 =	sadd.s32 $0x8F2B, s0  }
0xcd: {  	[sflag:s0] =	ssyncadd.remote.s32 $0x1  }
0xce: {  	_ =	sfence.sel $0xFFFF  }
0xcf: {  	[dreg:$0x0] =	wrdreg $0xFFFFFFFF;
	(pc) =	sbr.abs _section_cstart, $3  }
0xd0: {  	[dreg:$0x1] =	wrdreg $0xFFFFFFFF  }
0xd1: {  	_ =	task.clear_ibuf [dreg:s22], $0x2FFFF;
	_ =	strace $0x9FFFFFFF  }
0xd2: {  	(tm) =	ssettm $0x7FFFFFFF  }
0xd3: {  	_ =	shalt  }
tec
execute0_lowered:
.L_overlay_start_1:
0x0: {  	(tag) =	ssettag $0x1  }
0x1: {  	s0 =	rddreg [dreg:$0x1]  }
0x2: {  	s2 =	rddreg [dreg:$0x2]  }
0x3: {  	s1 =	srdreg.scid;
	s4 =	stileid.u32  }
0x4: {  	s3 =	simm.s32 $0x0;
	s15 =	simm.s32 $0x9;
	s16 =	simm.s32 $0xA  }
0x5: {  	s17 =	simm.s32 $0x11A00;
	s19 =	simm.s32 $0x14200;
	s28 =	simm.s32 $0x4  }
0x6: {  	s29 =	simm.s32 $0x5;
	s30 =	simm.s32 $0x6;
	s31 =	simm.s32 $0x7  }
0x7: {  	s1 =	sand.u32 $0x1, s1;
	s5 =	sshll.u32 s4, $0x1;
	s8 =	smul.u32 $0x500, s4  }
0x8: {  	[smem:$0x7FF] =	sst s3;
	s12 =	sadd.s32 $0x513E00, s0;
	s26 =	smul.u32 $0x28000, s4  }
0x9: {  	p0 =	sne.s32 s4, $0x0;
	s5 =	sor.u32 s1, s5;
	s10 =	smul.u32 $0x280, s1  }
0xa: {  	_ =	strace $0x8000004D;
	s7 =	ssub.s32 $0x2, s1;
	s1 =	smul.u32 $0x14000, s1  }
0xb: {  	s6 =	sshll.u32 s5, $0xA;
	s5 =	smul.u32 $0xA0000, s5;
	s9 =	sshrl.u32 s7, $0x1  }
0xc: {  	s14 =	sshrl.u32 @!p0 s2, $0x3;
	s0 =	sadd.s32 s6, s0;
	s21 =	ssub.s32 s7, s9  }
0xd: {  	s23 =	sadd.s32 s10, s8;
	s5 =	sshrl.u32 s5, $0x3;
	s0 =	sadd.s32 $0x50BE00, s0  }
0xe: {  	s9 =	smax.u32 s21, $0x1;
	s21 =	simm.s32 $0x16A00;
	s5 =	sadd.s32 s12, s5  }
0xf: {  	[dreg:$0x4] =	wrdreg s0;
	s0 =	sshll.u32 s23, $0x7;
	s23 =	simm.s32 $0x19200  }
0x10: {  	s22 =	sadd.s32 $0x12C00, s5;
	s24 =	sadd.s32 $0x13100, s5;
	s25 =	sadd.s32 $0x13600, s5  }
0x11: {  	s8 =	sadd.s32 $0x13B00, s5;
	s0 =	sadd.s32 s0, s12;
	[dreg:$0x5] =	wrdreg s22  }
0x12: {  	s5 =	sadd.s32 s26, s12;
	s26 =	simm.s32 $0x3;
	[dreg:$0x6] =	wrdreg s24  }
0x13: {  	[dreg:$0x7] =	wrdreg s25;
	s10 =	sadd.s32 $0xF00, s0;
	s11 =	sadd.s32 $0xA00, s0  }
0x14: {  	s12 =	sadd.s32 $0x500, s0;
	s13 =	sadd.s32 s1, s5;
	s24 =	simm.s32 $0x1  }
0x15: {  	s25 =	simm.s32 $0x2;
	s0 =	simm.s32 $0x8;
	s1 =	simm.s32 $0x0  }
.LBB2_1:
0x16: {  	s4 =	simm.s32 @!p0 $0x1C09;
	s5 =	rddreg [dreg:$0x0]  }
0x17: {  	[spmem:s14], [sflag:s4] =	dma.local @!p0 [hbm:s5], $0x1F400  }
0x18: {  	s4 =	simm.s32 @!p0 $0x9  }
0x19: {  	_ =	swait.ge @!p0 [sflag:s4], $0x1F400  }
0x1a: {  	[sflag:s4] =	ssyncset.done @!p0 $0x0  }
0x1b: {  	[sflag:s4] =	ssyncadd.s32 @!p0 $0xFFFE0C00  }
0x1c: {  	[bflag:$0x0] =	sbarrier.arrive $0xFFFF  }
0x1d: {  	s22 =	rddreg [dreg:$0x4]  }
0x1e: {  	[tilespmem:s3], [sflag:$0x9] =	stream.linear.gather [hbm4b:s22+s3], $0x2000, $0x38;
	[tilespmem:$0x1BA00] =	vst v63  }
0x1f: {  	_ =	swait.ge [sflag:s15], $0x2000  }
0x20: {  	[sflag:s15] =	ssyncset.done $0x0  }
0x21: {  	[sflag:s15] =	ssyncadd.s32 $0xFFFFE000  }
0x22: {  	[tilespmem:s17], [sflag:$0x1] =	stream.indirect.gather [spmem:s2], $0x400, s3, s16, $0xb8;
	[tilespmem:$0x1BA00] =	vst v63  }
0x23: {  	s5 =	simm.s32 $0x80  }
0x24: {  	[tilespmem:s19], [sflag:$0x2] =	stream.indirect.gather [spmem:s2], $0x400, s5, s16, $0xb8;
	[tilespmem:$0x1BA00] =	vst v63  }
0x25: {  	s6 =	simm.s32 $0x100  }
0x26: {  	[tilespmem:s21], [sflag:$0x3] =	stream.indirect.gather [spmem:s2], $0x400, s6, s16, $0xb8;
	[tilespmem:$0x1BA00] =	vst v63  }
0x27: {  	s7 =	simm.s32 $0x180  }
0x28: {  	[tilespmem:s23], [sflag:$0x4] =	stream.indirect.gather [spmem:s2], $0x400, s7, s16, $0xb8;
	[tilespmem:$0x1BA00] =	vst v63  }
0x29: {  	_ =	swait.ge [sflag:s24], $0x2800  }
0x2a: {  	[sflag:s24] =	ssyncset.done $0x0  }
0x2b: {  	[sflag:s24] =	ssyncadd.s32 $0xFFFFD800  }
0x2c: {  	[hbm4b:s13+s3] =	stream.linear.scatter [tilespmem:s17], [sflag:$0x5], $0x2800, $0x38;
	[tilespmem:$0x1BA00] =	vst v63  }
0x2d: {  	_ =	swait.ge [sflag:s25], $0x2800  }
0x2e: {  	[sflag:s25] =	ssyncset.done $0x0  }
0x2f: {  	[sflag:s25] =	ssyncadd.s32 $0xFFFFD800  }
0x30: {  	[hbm4b:s12+s3] =	stream.linear.scatter [tilespmem:s19], [sflag:$0x6], $0x2800, $0x38;
	[tilespmem:$0x1BA00] =	vst v63  }
0x31: {  	_ =	swait.ge [sflag:s26], $0x2800  }
0x32: {  	[sflag:s26] =	ssyncset.done $0x0  }
0x33: {  	[sflag:s26] =	ssyncadd.s32 $0xFFFFD800  }
0x34: {  	[hbm4b:s11+s3] =	stream.linear.scatter [tilespmem:s21], [sflag:$0x7], $0x2800, $0x38;
	[tilespmem:$0x1BA00] =	vst v63  }
0x35: {  	_ =	swait.ge [sflag:s28], $0x2800  }
0x36: {  	[sflag:s28] =	ssyncset.done $0x0  }
0x37: {  	[sflag:s28] =	ssyncadd.s32 $0xFFFFD800  }
0x38: {  	[hbm4b:s10+s3] =	stream.linear.scatter [tilespmem:s23], [sflag:$0x8], $0x2800, $0x38;
	[tilespmem:$0x1BA00] =	vst v63  }
0x39: {  	_ =	swait.ge [sflag:s29], $0x2800  }
0x3a: {  	[sflag:s29] =	ssyncset.done $0x0  }
0x3b: {  	s18 =	simm.s32 $0x200;
	[sflag:s29] =	ssyncadd.s32 $0xFFFFD800  }
0x3c: {  	[tilespmem:s17], [sflag:$0x1] =	stream.indirect.gather [spmem:s2], $0x400, s18, s16, $0xb8;
	[tilespmem:$0x1BA00] =	vst v63  }
0x3d: {  	_ =	swait.ge [sflag:s30], $0x2800  }
0x3e: {  	[sflag:s30] =	ssyncset.done $0x0  }
0x3f: {  	s20 =	simm.s32 $0x280;
	[sflag:s30] =	ssyncadd.s32 $0xFFFFD800  }
0x40: {  	[tilespmem:s19], [sflag:$0x2] =	stream.indirect.gather [spmem:s2], $0x400, s20, s16, $0xb8;
	[tilespmem:$0x1BA00] =	vst v63  }
0x41: {  	_ =	swait.ge [sflag:s31], $0x2800  }
0x42: {  	[sflag:s31] =	ssyncset.done $0x0  }
0x43: {  	s22 =	simm.s32 $0x300;
	[sflag:s31] =	ssyncadd.s32 $0xFFFFD800  }
0x44: {  	[tilespmem:s21], [sflag:$0x3] =	stream.indirect.gather [spmem:s2], $0x400, s22, s16, $0xb8;
	[tilespmem:$0x1BA00] =	vst v63  }
0x45: {  	s4 =	sadd.s32 $0x1400, s12;
	s5 =	sadd.s32 $0x1400, s10;
	_ =	swait.ge [sflag:s0], $0x2800  }
0x46: {  	s6 =	simm.s32 $0x380;
	s18 =	simm.s32 $0x800;
	[sflag:s0] =	ssyncset.done $0x0  }
0x47: {  	s20 =	sadd.s32 $0x1400, s13;
	s22 =	sadd.s32 $0x1400, s11;
	[sflag:s0] =	ssyncadd.s32 $0xFFFFD800  }
.LBB2_2:
0x48: {  	[tilespmem:s23], [sflag:$0x4] =	stream.indirect.gather [spmem:s2], $0x400, s6, s16, $0xb8;
	[tilespmem:$0x1BA00] =	vst v63  }
0x49: {  	s6 =	smov.u32 s18  }
0x4a: {  	p1 =	sne.s32 s18, $0x7000;
	s18 =	sadd.s32 $0x800, s18;
	_ =	swait.ge [sflag:s24], $0x2800  }
0x4b: {  	[sflag:s24] =	ssyncset.done $0x0  }
0x4c: {  	[sflag:s24] =	ssyncadd.s32 $0xFFFFD800  }
0x4d: {  	[hbm4b:s20+s3] =	stream.linear.scatter [tilespmem:s17], [sflag:$0x5], $0x2800, $0x38;
	[tilespmem:$0x1BA00] =	vst v63  }
0x4e: {  	_ =	swait.ge [sflag:s25], $0x2800  }
0x4f: {  	[sflag:s25] =	ssyncset.done $0x0  }
0x50: {  	[sflag:s25] =	ssyncadd.s32 $0xFFFFD800  }
0x51: {  	[hbm4b:s4+s3] =	stream.linear.scatter [tilespmem:s19], [sflag:$0x6], $0x2800, $0x38;
	[tilespmem:$0x1BA00] =	vst v63  }
0x52: {  	_ =	swait.ge [sflag:s26], $0x2800  }
0x53: {  	[sflag:s26] =	ssyncset.done $0x0  }
0x54: {  	[sflag:s26] =	ssyncadd.s32 $0xFFFFD800  }
0x55: {  	[hbm4b:s22+s3] =	stream.linear.scatter [tilespmem:s21], [sflag:$0x7], $0x2800, $0x38;
	[tilespmem:$0x1BA00] =	vst v63  }
0x56: {  	_ =	swait.ge [sflag:s28], $0x2800  }
0x57: {  	[sflag:s28] =	ssyncset.done $0x0  }
0x58: {  	[sflag:s28] =	ssyncadd.s32 $0xFFFFD800  }
0x59: {  	[hbm4b:s5+s3] =	stream.linear.scatter [tilespmem:s23], [sflag:$0x8], $0x2800, $0x38;
	[tilespmem:$0x1BA00] =	vst v63  }
0x5a: {  	_ =	swait.ge [sflag:s29], $0x2800  }
0x5b: {  	s6 =	sshra.s32 s6, $0x2;
	[sflag:s29] =	ssyncset.done $0x0  }
0x5c: {  	s7 =	sadd.s32 $0x200, s6;
	[sflag:s29] =	ssyncadd.s32 $0xFFFFD800  }
0x5d: {  	[tilespmem:s17], [sflag:$0x1] =	stream.indirect.gather [spmem:s2], $0x400, s7, s16, $0xb8;
	[tilespmem:$0x1BA00] =	vst v63  }
0x5e: {  	_ =	swait.ge [sflag:s30], $0x2800  }
0x5f: {  	[sflag:s30] =	ssyncset.done $0x0  }
0x60: {  	s7 =	sadd.s32 $0x280, s6;
	[sflag:s30] =	ssyncadd.s32 $0xFFFFD800  }
0x61: {  	[tilespmem:s19], [sflag:$0x2] =	stream.indirect.gather [spmem:s2], $0x400, s7, s16, $0xb8;
	[tilespmem:$0x1BA00] =	vst v63  }
0x62: {  	_ =	swait.ge [sflag:s31], $0x2800  }
0x63: {  	[sflag:s31] =	ssyncset.done $0x0  }
.Ltmp0:
0x64: {  	s7 =	sadd.s32 $0x300, s6;
	[sflag:s31] =	ssyncadd.s32 $0xFFFFD800;
	(pc) =	sbr.rel @p1 .LBB2_2-.Ltmp0, $4  }
0x65: {  	[tilespmem:s21], [sflag:$0x3] =	stream.indirect.gather [spmem:s2], $0x400, s7, s16, $0xb8;
	[tilespmem:$0x1BA00] =	vst v63  }
0x66: {  	s20 =	sadd.s32 $0x1400, s20;
	_ =	swait.ge [sflag:s0], $0x2800  }
0x67: {  	s4 =	sadd.s32 $0x1400, s4;
	s22 =	sadd.s32 $0x1400, s22;
	[sflag:s0] =	ssyncset.done $0x0  }
0x68: {  	s5 =	sadd.s32 $0x1400, s5;
	s6 =	sadd.s32 $0x380, s6;
	[sflag:s0] =	ssyncadd.s32 $0xFFFFD800  }
0x69: {  	[tilespmem:s23], [sflag:$0x4] =	stream.indirect.gather [spmem:s2], $0x400, s6, s16, $0xb8;
	[tilespmem:$0x1BA00] =	vst v63  }
0x6a: {  	_ =	swait.ge [sflag:s24], $0x2800  }
0x6b: {  	[sflag:s24] =	ssyncset.done $0x0  }
0x6c: {  	s4 =	rddreg [dreg:$0x5];
	[sflag:s24] =	ssyncadd.s32 $0xFFFFD800  }
0x6d: {  	[hbm4b:s4+s3] =	stream.linear.scatter [tilespmem:s17], [sflag:$0x5], $0x2800, $0x38;
	[tilespmem:$0x1BA00] =	vst v63  }
0x6e: {  	_ =	swait.ge [sflag:s25], $0x2800  }
0x6f: {  	[sflag:s25] =	ssyncset.done $0x0  }
0x70: {  	s20 =	rddreg [dreg:$0x6];
	[sflag:s25] =	ssyncadd.s32 $0xFFFFD800  }
0x71: {  	[hbm4b:s20+s3] =	stream.linear.scatter [tilespmem:s19], [sflag:$0x6], $0x2800, $0x38;
	[tilespmem:$0x1BA00] =	vst v63  }
0x72: {  	_ =	swait.ge [sflag:s26], $0x2800  }
0x73: {  	[sflag:s26] =	ssyncset.done $0x0  }
0x74: {  	s22 =	rddreg [dreg:$0x7];
	[sflag:s26] =	ssyncadd.s32 $0xFFFFD800  }
0x75: {  	[hbm4b:s22+s3] =	stream.linear.scatter [tilespmem:s21], [sflag:$0x7], $0x2800, $0x38;
	[tilespmem:$0x1BA00] =	vst v63  }
0x76: {  	_ =	swait.ge [sflag:s28], $0x2800  }
0x77: {  	[sflag:s28] =	ssyncset.done $0x0  }
0x78: {  	[sflag:s28] =	ssyncadd.s32 $0xFFFFD800  }
0x79: {  	[hbm4b:s8+s3] =	stream.linear.scatter [tilespmem:s23], [sflag:$0x8], $0x2800, $0x38;
	[tilespmem:$0x1BA00] =	vst v63  }
0x7a: {  	_ =	swait.ge [sflag:s29], $0x2800  }
0x7b: {  	[sflag:s29] =	ssyncset.done $0x0  }
0x7c: {  	[sflag:s29] =	ssyncadd.s32 $0xFFFFD800  }
0x7d: {  	_ =	swait.ge [sflag:s30], $0x2800  }
0x7e: {  	[sflag:s30] =	ssyncset.done $0x0  }
0x7f: {  	s1 =	sadd.s32 $0x1, s1;
	[sflag:s30] =	ssyncadd.s32 $0xFFFFD800  }
0x80: {  	p1 =	sne.s32 s1, s9;
	_ =	swait.ge [sflag:s31], $0x2800  }
.Ltmp1:
0x81: {  	[sflag:s31] =	ssyncset.done $0x0;
	(pc) =	sbr.rel @p1 .LBB2_1-.Ltmp1, $4  }
0x82: {  	[sflag:s31] =	ssyncadd.s32 $0xFFFFD800  }
0x83: {  	_ =	swait.ge [sflag:s0], $0x2800  }
0x84: {  	[sflag:s0] =	ssyncset.done $0x0  }
0x85: {  	[sflag:s0] =	ssyncadd.s32 $0xFFFFD800  }
0x86: {  	_ =	sfence.sel $0x180000  }
0x87: {  	[bflag:$0x0] =	sbarrier.arrive $0xFFFF  }
0x88: {  	_ =	strace $0x9000004D  }
0x89: {  	[bflag:$0x2] =	sbarrier.arrive $0xFFFF  }
0x8a: {  	s0 =	rddreg [dreg:$0x3]  }
0x8b: {  	s0 =	sadd.s32 @!p0 $0x100000, s0  }
0x8c: {  	[sflag:s0] =	ssyncadd.tile.s32 @!p0 $0x1;
	_ =	shalt  }
.Lfunc_end2:
_tile_overlayer_lowered:
.L_overlay_start_2:
0x8d: {  	(tag) =	ssettag $0x2  }
0x8e: {  	s0 =	rddreg [dreg:$0x0];
	s2 =	stileid.u32  }
0x8f: {  	s1 =	rddreg [dreg:$0x1];
	p0 =	sne.s32 s2, $0x0  }
0x90: {  	s3 =	rddreg [dreg:$0x2];
	[bflag:$0x3] =	sbarrier.arrive $0xFFFF;
	s2 =	simm.s32 @!p0 $0x1C09  }
0x91: {  	[timem:s3], [sflag:s2] =	dma.local @!p0 [hbm:s0], s1  }
0x92: {  	s0 =	simm.s32 @!p0 $0x9  }
0x93: {  	_ =	swait.ge @!p0 [sflag:s0], s1  }
0x94: {  	s1 =	ssub.s32 @!p0 $0x0, s1;
	[sflag:s0] =	ssyncset.done @!p0 $0x0  }
0x95: {  	[sflag:s0] =	ssyncadd.s32 @!p0 s1  }
0x96: {  	[bflag:$0x3] =	sbarrier.arrive $0xFFFF  }
0x97: {  	_ =	shalt  }

// kernel: _run.19.cloned.1.call-start
scs
__scs_entry_jumppad:
0x0: {  	(pc) =	sbr.rel $0x88, $3  }
0x1: {  	(tag) =	ssettag $0x0;
	lr =	simm.s32 $0x1  }
0x2: {  	[smem:$0x3F9F] =	sst lr;
	_ =	strace $0xD0000000  }
0x3: {  	_ = 	snop  }
0x4: {  	_ = 	snop  }
0x5: {  	_ = 	snop  }
0x6: {  	_ = 	snop  }
0x7: {  	_ = 	snop  }
__scs_overlays_trampoline_lowered:
0x8: {  	[smem:$0x3FAE] =	sst s0  }
0x9: {  	[smem:$0x3FAF] =	sst s1  }
0xa: {  	[smem:$0x3FB0] =	sst s2  }
0xb: {  	[smem:$0x3FB1] =	sst s3  }
0xc: {  	[smem:$0x3FB2] =	sst s4  }
0xd: {  	[smem:$0x3FB3] =	sst s5  }
0xe: {  	[smem:$0x3FB4] =	sst s6  }
0xf: {  	[smem:$0x3FB5] =	sst s7  }
0x10: {  	[smem:$0x3FB6] =	sst s8  }
0x11: {  	[smem:$0x3FB7] =	sst s9;
	s0 =	simm.s32 @!p0 $0x0  }
0x12: {  	s1 =	sld [smem:$0x3F9D];
	s0 =	simm.s32 @p0 $0x1  }
0x13: {  	[smem:$0x3FB8] =	sst s0;
	s0 =	simm.s32 @!p1 $0x0  }
0x14: {  	s2 =	sld [smem:$0x3F9C];
	s0 =	simm.s32 @p1 $0x1  }
0x15: {  	[smem:$0x3FB9] =	sst s0;
	s0 =	simm.s32 @!p2 $0x0  }
0x16: {  	s3 =	sld [smem:$0x3FDB];
	s0 =	simm.s32 @p2 $0x1  }
0x17: {  	s4 =	simm.s32 $0x1BF5;
	[smem:$0x3FBB] =	sst s0  }
0x18: {  	s0 =	sld [smem:$0x3F9E];
	_ =	swait.ge [sflag:s4], $0x0  }
0x19: {  	s7 =	sld [smem:$0x3F9F]  }
0x1a: {  	s8 =	sadd.s32 $0xFFFFE003, lr  }
0x1b: {  	s9 =	sadd.s32 $0xFFFFFEF7, lr;
	s5 =	simm.s32 $0xFFFFFFFF;
	p2 =	slt.u32 s8, $0xFFFFF086  }
0x1c: {  	p1 =	slt.u32 s9, $0xF7A;
	s5 =	simm.s32 @!p2 $0x0  }
0x1d: {  	s5 =	simm.s32 @p1 $0x1;
	p0 =	seq.s32 s7, s2  }
0x1e: {  	s7 =	smul.u32 @!p0 $0xF7A, s2;
	p2 =	seq.s32 @!p0 s5, $0x0  }
0x1f: {  	s9 =	smul.u32 $0xF7A, s1;
	s8 =	simm.s32 @!p0 $0x1BF5;
	p2 =	por !p2, p0  }
0x20: {  	[sflag:s8] =	ssyncset.s32 @!p0 $0xFFFFF086;
	s6 =	sadd.s32 @!p0 s3, s7;
	s7 =	simm.s32 @!p0 $0x108  }
0x21: {  	s3 =	sadd.s32 s3, s9;
	s6 =	sadd.s32 @!p0 $0x88, s6;
	s7 =	simm.s32 @p2 $0x1082  }
0x22: {  	[simem:s7], [sflag:s8] =	dma.local @!p0 [hbm:s6], $0xF7A  }
0x23: {  	s9 =	sor.u32 $0xD0000000, s2;
	s6 =	simm.s32 $0x108;
	_ =	swait.ge @!p0 [sflag:s8], $0x0  }
0x24: {  	s3 =	sadd.s32 $0x88, s3;
	s6 =	simm.s32 @!p1 $0x1082;
	[sflag:s4] =	ssyncset.s32 $0xFFFFF086  }
0x25: {  	[simem:s6], [sflag:s4] =	dma.local [hbm:s3], $0xF7A  }
0x26: {  	[smem:$0x3F9F] =	sst s1;
	(tag) =	ssettag s2;
	_ =	strace s9  }
0x27: {  	s1 =	sld [smem:$0x3FAF]  }
0x28: {  	s2 =	sld [smem:$0x3FB0]  }
0x29: {  	s4 =	sld [smem:$0x3FB2]  }
0x2a: {  	p0 =	seq.s32 s5, $0x0;
	s5 =	sld [smem:$0x3FB3]  }
0x2b: {  	s6 =	sld [smem:$0x3FB4]  }
0x2c: {  	s7 =	sld [smem:$0x3FB5]  }
0x2d: {  	s3 =	simm.s32 $0x108;
	s8 =	sld [smem:$0x3FB6]  }
0x2e: {  	s3 =	simm.s32 @!p0 $0x1082;
	s9 =	sld [smem:$0x3FB7]  }
0x2f: {  	lr =	sadd.s32 s0, s3;
	s0 =	sld [smem:$0x3FAE]  }
0x30: {  	s3 =	sld [smem:$0x3FB1]  }
0x31: {  	[smem:$0x3FBA] =	sst s10  }
0x32: {  	s10 =	sld [smem:$0x3FB8];
	_ =	sdelay $0x3  }
0x33: {  	p0 =	seq.s32 s10, $0x1;
	s10 =	sld [smem:$0x3FBA];
	_ =	sdelay $0x3  }
0x34: {  	[smem:$0x3FBA] =	sst s10  }
0x35: {  	s10 =	sld [smem:$0x3FB9];
	_ =	sdelay $0x3  }
0x36: {  	p1 =	seq.s32 s10, $0x1;
	s10 =	sld [smem:$0x3FBA];
	_ =	sdelay $0x3  }
0x37: {  	[smem:$0x3FBA] =	sst s10  }
0x38: {  	s10 =	sld [smem:$0x3FBB]  }
0x39: {  	_ = 	snop;
	(pc) =	sbr.ind lr, $3  }
0x3a: {  	_ = 	snop  }
0x3b: {  	_ = 	snop  }
0x3c: {  	p2 =	seq.s32 s10, $0x1;
	s10 =	sld [smem:$0x3FBA]  }
0x3d: {  	_ =	shalt  }
0x3e: {  	_ =	shalt  }
0x3f: {  	_ =	shalt  }
0x40: {  	_ =	shalt  }
0x41: {  	_ =	shalt  }
0x42: {  	_ =	shalt  }
0x43: {  	_ =	shalt  }
0x44: {  	_ =	shalt  }
0x45: {  	_ =	shalt  }
0x46: {  	_ =	shalt  }
0x47: {  	_ =	shalt  }
0x48: {  	_ =	shalt  }
0x49: {  	_ =	shalt  }
0x4a: {  	_ =	shalt  }
0x4b: {  	_ =	shalt  }
0x4c: {  	_ =	shalt  }
0x4d: {  	_ =	shalt  }
0x4e: {  	_ =	shalt  }
0x4f: {  	_ =	shalt  }
0x50: {  	_ =	shalt  }
0x51: {  	_ =	shalt  }
0x52: {  	_ =	shalt  }
0x53: {  	_ =	shalt  }
0x54: {  	_ =	shalt  }
0x55: {  	_ =	shalt  }
0x56: {  	_ =	shalt  }
0x57: {  	_ =	shalt  }
0x58: {  	_ =	shalt  }
0x59: {  	_ =	shalt  }
0x5a: {  	_ =	shalt  }
0x5b: {  	_ =	shalt  }
0x5c: {  	_ =	shalt  }
0x5d: {  	_ =	shalt  }
0x5e: {  	_ =	shalt  }
0x5f: {  	_ =	shalt  }
0x60: {  	_ =	shalt  }
0x61: {  	_ =	shalt  }
0x62: {  	_ =	shalt  }
0x63: {  	_ =	shalt  }
0x64: {  	_ =	shalt  }
0x65: {  	_ =	shalt  }
0x66: {  	_ =	shalt  }
0x67: {  	_ =	shalt  }
0x68: {  	_ =	shalt  }
0x69: {  	_ =	shalt  }
0x6a: {  	_ =	shalt  }
0x6b: {  	_ =	shalt  }
0x6c: {  	_ =	shalt  }
0x6d: {  	_ =	shalt  }
0x6e: {  	_ =	shalt  }
0x6f: {  	_ =	shalt  }
0x70: {  	_ =	shalt  }
0x71: {  	_ =	shalt  }
0x72: {  	_ =	shalt  }
0x73: {  	_ =	shalt  }
0x74: {  	_ =	shalt  }
0x75: {  	_ =	shalt  }
0x76: {  	_ =	shalt  }
0x77: {  	_ =	shalt  }
0x78: {  	_ =	shalt  }
0x79: {  	_ =	shalt  }
0x7a: {  	_ =	shalt  }
0x7b: {  	_ =	shalt  }
0x7c: {  	_ =	shalt  }
0x7d: {  	_ =	shalt  }
0x7e: {  	_ =	shalt  }
0x7f: {  	_ =	shalt  }
0x80: {  	_ =	shalt  }
0x81: {  	_ =	shalt  }
0x82: {  	_ =	shalt  }
0x83: {  	_ =	shalt  }
0x84: {  	_ =	shalt  }
0x85: {  	_ =	shalt  }
0x86: {  	_ =	shalt  }
0x87: {  	_ =	shalt  }
.Lfunc_end0:
.L_simem_size_0:
called_computation.3_lowered:
.L_overlay_start_0:
0x88: {  	s2 =	sld [smem:$0x3FD9]  }
0x89: {  	s3 =	sld [smem:$0x3FFE];
	_ =	sdelay $0x1  }
0x8a: {  	s1 =	srdreg.scid  }
0x8b: {  	s0 =	sand.u32 $0x1, s1  }
0x8c: {  	s17 =	sshll.u32 s0, $0xA;
	s2 =	sadd.s32 s3, s2  }
0x8d: {  	s2 =	sadd.s32 s2, s17  }
0x8e: {  	[smem:$0x3FC6] =	sst s2  }
0x8f: {  	_ = 	snop  }
0x90: {  	s18 =	sld [smem:$0x3FC9];
	(tm) =	ssettm $0x1  }
0x91: {  	s19 =	sld [smem:$0x3FFB];
	_ =	sdelay $0x3  }
0x92: {  	_ =	strace s19  }
0x93: {  	s2 =	sld [smem:$0x3FFC];
	_ =	sdelay $0x3  }
0x94: {  	_ =	strace s2  }
0x95: {  	s2 =	sld [smem:$0x3FFD];
	_ =	sdelay $0x3  }
0x96: {  	_ =	strace s2  }
0x97: {  	_ =	strace $0x8FFFFFFF  }
0x98: {  	s20 =	sld [smem:$0x3FDB];
	_ =	sdelay $0x1  }
0x99: {  	s4 =	simm.s32 $_scs_section_size  }
0x9a: {  	s5 =	simm.s32 $_size__tile_overlayer_lowered;
	s6 =	simm.s32 $_tile_overlayer_lowered  }
0x9b: {  	s7 =	simm.s32 $0x1BFF;
	s21 =	sshll.u32 s6, $0x1;
	s4 =	sadd.s32 s4, s20  }
0x9c: {  	s22 =	simm.s32 $0x0;
	s5 =	sshll.u32 s5, $0x1;
	s6 =	sadd.s32 s21, s4  }
0x9d: {  	[timem:s22], [sflag:s7] =	dma.local [hbm:s6], s5  }
0x9e: {  	_ =	swait.ge [sflag:s7], s5  }
0x9f: {  	s5 =	ssub.s32 $0x0, s5;
	[sflag:s7] =	ssyncset.done $0x0  }
0xa0: {  	[sflag:s7] =	ssyncadd.s32 s5;
	_ =	sdelay $0x1  }
0xa1: {  	s23 =	simm.s32 $0x1B8B  }
0xa2: {  	_ =	swait.ge [sflag:s23], $0x1  }
0xa3: {  	[sflag:s23] =	ssyncset.done $0x0  }
0xa4: {  	[sflag:s23] =	ssyncadd.s32 $0xFFFFFFFF  }
0xa5: {  	s5 =	sld [smem:$0x0]  }
0xa6: {  	s6 =	sand.u32 $0xFFFFFFFE, s1  }
0xa7: {  	p0 =	sne.s32 s1, s6  }
0xa8: {  	s6 =	sshll.u32 @p0 s6, $0xE  }
0xa9: {  	s6 =	sadd.s32 @p0 $0x11B8D, s6;
	s7 =	sshll.u32 @p0 s5, $0x11  }
0xaa: {  	s6 =	sor.u32 @p0 s7, s6  }
0xab: {  	[sflag:s6] =	ssyncadd.remote.s32 @p0 $0x1;
	_ =	sdelay $0x1  }
0xac: {  	s6 =	simm.s32 @p0 $0x1B8D  }
0xad: {  	_ =	swait.eq @p0 [sflag:s6], $0x1  }
0xae: {  	[sflag:s6] =	ssyncadd.s32 @p0 $0xFFFFFFFF  }
0xaf: {  	s7 =	sshll.u32 @!p0 s1, $0xE  }
0xb0: {  	s7 =	sor.u32 @!p0 $0x4000, s7;
	s6 =	simm.s32 @!p0 $0x1B8D  }
0xb1: {  	s5 =	sshll.u32 @!p0 s5, $0x11;
	s7 =	sadd.s32 @!p0 $0x11B8D, s7;
	_ =	swait.eq @!p0 [sflag:s6], $0x1  }
0xb2: {  	s5 =	sor.u32 @!p0 s5, s7;
	[sflag:s6] =	ssyncadd.s32 @!p0 $0xFFFFFFFF  }
0xb3: {  	s25 =	simm.s32 $0x1B8E;
	s24 =	sld [smem:$0x3FFE];
	[sflag:s5] =	ssyncadd.remote.s32 @!p0 $0x1  }
0xb4: {  	s26 =	simm.s32 $execute0_lowered;
	[smem:$0x3FD2] =	sst s25  }
0xb5: {  	s6 =	sshll.u32 s26, $0x1;
	_ =	strace $0x8000004F;
	[dreg:$0x1] =	wrdreg $0xFFFFFFFF  }
0xb6: {  	s28 =	simm.s32 $_size_execute0_lowered;
	s4 =	sadd.s32 s4, s6;
	[dreg:$0x0] =	wrdreg $0x0  }
0xb7: {  	s6 =	sshll.u32 s28, $0x1;
	[dreg:$0x2] =	wrdreg s4  }
0xb8: {  	[dreg:$0x3] =	wrdreg s6  }
0xb9: {  	[dreg:$0x4] =	wrdreg $0xC0  }
0xba: {  	_ =	task [dreg:s22], $0x5FFFF  }
0xbb: {  	[dreg:$0x1] =	wrdreg $0xFFFFFFFF  }
0xbc: {  	[dreg:$0x0] =	wrdreg $0x60  }
0xbd: {  	[dreg:$0x2] =	wrdreg s18  }
0xbe: {  	[dreg:$0x3] =	wrdreg s24  }
0xbf: {  	[dreg:$0x4] =	wrdreg $0x20000  }
0xc0: {  	[dreg:$0x5] =	wrdreg $0xC  }
0xc1: {  	_ =	task.clear_ibuf [dreg:s22], $0x6FFFF;
	_ =	strace $0x9000004F  }
0xc2: {  	s29 =	simm.s32 $0xC;
	_ =	strace $0x80000051  }
0xc3: {  	_ =	swait.ge [sflag:s29], $0x1  }
0xc4: {  	[sflag:s29] =	ssyncadd.s32 $0xFFFFFFFF  }
0xc5: {  	_ =	strace $0x90000051  }
0xc6: {  	_ =	sfence  }
0xc7: {  	s30 =	sld [smem:$0x0];
	_ =	sdelay $0x2  }
0xc8: {  	s31 =	sshll.u32 s1, $0xD;
	s1 =	sshrl.u32 s1, $0x2  }
0xc9: {  	s4 =	sand.u32 $0x4000, s31;
	s1 =	sadd.s32 s1, s30  }
0xca: {  	s0 =	sor.u32 s4, s0;
	s1 =	sshll.u32 s1, $0x11  }
0xcb: {  	s0 =	sor.u32 s1, s0  }
0xcc: {  	s0 =	sadd.s32 $0x8F2B, s0  }
0xcd: {  	[sflag:s0] =	ssyncadd.remote.s32 $0x1  }
0xce: {  	_ =	sfence.sel $0xFFFF  }
0xcf: {  	[dreg:$0x0] =	wrdreg $0xFFFFFFFF;
	(pc) =	sbr.abs _section_cstart, $3  }
0xd0: {  	[dreg:$0x1] =	wrdreg $0xFFFFFFFF  }
0xd1: {  	_ =	task.clear_ibuf [dreg:s22], $0x2FFFF;
	_ =	strace $0x9FFFFFFF  }
0xd2: {  	(tm) =	ssettm $0x7FFFFFFF  }
0xd3: {  	_ =	shalt  }
tec
execute0_lowered:
.L_overlay_start_1:
0x0: {  	(tag) =	ssettag $0x1  }
0x1: {  	s0 =	rddreg [dreg:$0x1]  }
0x2: {  	s2 =	rddreg [dreg:$0x2]  }
0x3: {  	s1 =	srdreg.scid;
	s4 =	stileid.u32  }
0x4: {  	s3 =	simm.s32 $0x0;
	s15 =	simm.s32 $0x9;
	s16 =	simm.s32 $0xA  }
0x5: {  	s17 =	simm.s32 $0x11A00;
	s19 =	simm.s32 $0x14200;
	s28 =	simm.s32 $0x4  }
0x6: {  	s29 =	simm.s32 $0x5;
	s30 =	simm.s32 $0x6;
	s31 =	simm.s32 $0x7  }
0x7: {  	s1 =	sand.u32 $0x1, s1;
	s5 =	sshll.u32 s4, $0x1;
	s8 =	smul.u32 $0x500, s4  }
0x8: {  	[smem:$0x7FF] =	sst s3;
	s12 =	sadd.s32 $0x79BE00, s0;
	s26 =	smul.u32 $0x28000, s4  }
0x9: {  	p0 =	sne.s32 s4, $0x0;
	s5 =	sor.u32 s1, s5;
	s10 =	smul.u32 $0x280, s1  }
0xa: {  	_ =	strace $0x80000050;
	s7 =	ssub.s32 $0x2, s1;
	s1 =	smul.u32 $0x14000, s1  }
0xb: {  	s6 =	sshll.u32 s5, $0xA;
	s5 =	smul.u32 $0xA0000, s5;
	s9 =	sshrl.u32 s7, $0x1  }
0xc: {  	s14 =	sshrl.u32 @!p0 s2, $0x3;
	s0 =	sadd.s32 s6, s0;
	s21 =	ssub.s32 s7, s9  }
0xd: {  	s23 =	sadd.s32 s10, s8;
	s5 =	sshrl.u32 s5, $0x3;
	s0 =	sadd.s32 $0x793E00, s0  }
0xe: {  	s9 =	smax.u32 s21, $0x1;
	s21 =	simm.s32 $0x16A00;
	s5 =	sadd.s32 s12, s5  }
0xf: {  	[dreg:$0x4] =	wrdreg s0;
	s0 =	sshll.u32 s23, $0x7;
	s23 =	simm.s32 $0x19200  }
0x10: {  	s22 =	sadd.s32 $0x12C00, s5;
	s24 =	sadd.s32 $0x13100, s5;
	s25 =	sadd.s32 $0x13600, s5  }
0x11: {  	s8 =	sadd.s32 $0x13B00, s5;
	s0 =	sadd.s32 s0, s12;
	[dreg:$0x5] =	wrdreg s22  }
0x12: {  	s5 =	sadd.s32 s26, s12;
	s26 =	simm.s32 $0x3;
	[dreg:$0x6] =	wrdreg s24  }
0x13: {  	[dreg:$0x7] =	wrdreg s25;
	s10 =	sadd.s32 $0xF00, s0;
	s11 =	sadd.s32 $0xA00, s0  }
0x14: {  	s12 =	sadd.s32 $0x500, s0;
	s13 =	sadd.s32 s1, s5;
	s24 =	simm.s32 $0x1  }
0x15: {  	s25 =	simm.s32 $0x2;
	s0 =	simm.s32 $0x8;
	s1 =	simm.s32 $0x0  }
.LBB2_1:
0x16: {  	s4 =	simm.s32 @!p0 $0x1C09;
	s5 =	rddreg [dreg:$0x0]  }
0x17: {  	[spmem:s14], [sflag:s4] =	dma.local @!p0 [hbm:s5], $0x1F400  }
0x18: {  	s4 =	simm.s32 @!p0 $0x9  }
0x19: {  	_ =	swait.ge @!p0 [sflag:s4], $0x1F400  }
0x1a: {  	[sflag:s4] =	ssyncset.done @!p0 $0x0  }
0x1b: {  	[sflag:s4] =	ssyncadd.s32 @!p0 $0xFFFE0C00  }
0x1c: {  	[bflag:$0x0] =	sbarrier.arrive $0xFFFF  }
0x1d: {  	s22 =	rddreg [dreg:$0x4]  }
0x1e: {  	[tilespmem:s3], [sflag:$0x9] =	stream.linear.gather [hbm4b:s22+s3], $0x2000, $0x38;
	[tilespmem:$0x1BA00] =	vst v63  }
0x1f: {  	_ =	swait.ge [sflag:s15], $0x2000  }
0x20: {  	[sflag:s15] =	ssyncset.done $0x0  }
0x21: {  	[sflag:s15] =	ssyncadd.s32 $0xFFFFE000  }
0x22: {  	[tilespmem:s17], [sflag:$0x1] =	stream.indirect.gather [spmem:s2], $0x400, s3, s16, $0xb8;
	[tilespmem:$0x1BA00] =	vst v63  }
0x23: {  	s5 =	simm.s32 $0x80  }
0x24: {  	[tilespmem:s19], [sflag:$0x2] =	stream.indirect.gather [spmem:s2], $0x400, s5, s16, $0xb8;
	[tilespmem:$0x1BA00] =	vst v63  }
0x25: {  	s6 =	simm.s32 $0x100  }
0x26: {  	[tilespmem:s21], [sflag:$0x3] =	stream.indirect.gather [spmem:s2], $0x400, s6, s16, $0xb8;
	[tilespmem:$0x1BA00] =	vst v63  }
0x27: {  	s7 =	simm.s32 $0x180  }
0x28: {  	[tilespmem:s23], [sflag:$0x4] =	stream.indirect.gather [spmem:s2], $0x400, s7, s16, $0xb8;
	[tilespmem:$0x1BA00] =	vst v63  }
0x29: {  	_ =	swait.ge [sflag:s24], $0x2800  }
0x2a: {  	[sflag:s24] =	ssyncset.done $0x0  }
0x2b: {  	[sflag:s24] =	ssyncadd.s32 $0xFFFFD800  }
0x2c: {  	[hbm4b:s13+s3] =	stream.linear.scatter [tilespmem:s17], [sflag:$0x5], $0x2800, $0x38;
	[tilespmem:$0x1BA00] =	vst v63  }
0x2d: {  	_ =	swait.ge [sflag:s25], $0x2800  }
0x2e: {  	[sflag:s25] =	ssyncset.done $0x0  }
0x2f: {  	[sflag:s25] =	ssyncadd.s32 $0xFFFFD800  }
0x30: {  	[hbm4b:s12+s3] =	stream.linear.scatter [tilespmem:s19], [sflag:$0x6], $0x2800, $0x38;
	[tilespmem:$0x1BA00] =	vst v63  }
0x31: {  	_ =	swait.ge [sflag:s26], $0x2800  }
0x32: {  	[sflag:s26] =	ssyncset.done $0x0  }
0x33: {  	[sflag:s26] =	ssyncadd.s32 $0xFFFFD800  }
0x34: {  	[hbm4b:s11+s3] =	stream.linear.scatter [tilespmem:s21], [sflag:$0x7], $0x2800, $0x38;
	[tilespmem:$0x1BA00] =	vst v63  }
0x35: {  	_ =	swait.ge [sflag:s28], $0x2800  }
0x36: {  	[sflag:s28] =	ssyncset.done $0x0  }
0x37: {  	[sflag:s28] =	ssyncadd.s32 $0xFFFFD800  }
0x38: {  	[hbm4b:s10+s3] =	stream.linear.scatter [tilespmem:s23], [sflag:$0x8], $0x2800, $0x38;
	[tilespmem:$0x1BA00] =	vst v63  }
0x39: {  	_ =	swait.ge [sflag:s29], $0x2800  }
0x3a: {  	[sflag:s29] =	ssyncset.done $0x0  }
0x3b: {  	s18 =	simm.s32 $0x200;
	[sflag:s29] =	ssyncadd.s32 $0xFFFFD800  }
0x3c: {  	[tilespmem:s17], [sflag:$0x1] =	stream.indirect.gather [spmem:s2], $0x400, s18, s16, $0xb8;
	[tilespmem:$0x1BA00] =	vst v63  }
0x3d: {  	_ =	swait.ge [sflag:s30], $0x2800  }
0x3e: {  	[sflag:s30] =	ssyncset.done $0x0  }
0x3f: {  	s20 =	simm.s32 $0x280;
	[sflag:s30] =	ssyncadd.s32 $0xFFFFD800  }
0x40: {  	[tilespmem:s19], [sflag:$0x2] =	stream.indirect.gather [spmem:s2], $0x400, s20, s16, $0xb8;
	[tilespmem:$0x1BA00] =	vst v63  }
0x41: {  	_ =	swait.ge [sflag:s31], $0x2800  }
0x42: {  	[sflag:s31] =	ssyncset.done $0x0  }
0x43: {  	s22 =	simm.s32 $0x300;
	[sflag:s31] =	ssyncadd.s32 $0xFFFFD800  }
0x44: {  	[tilespmem:s21], [sflag:$0x3] =	stream.indirect.gather [spmem:s2], $0x400, s22, s16, $0xb8;
	[tilespmem:$0x1BA00] =	vst v63  }
0x45: {  	s4 =	sadd.s32 $0x1400, s12;
	s5 =	sadd.s32 $0x1400, s10;
	_ =	swait.ge [sflag:s0], $0x2800  }
0x46: {  	s6 =	simm.s32 $0x380;
	s18 =	simm.s32 $0x800;
	[sflag:s0] =	ssyncset.done $0x0  }
0x47: {  	s20 =	sadd.s32 $0x1400, s13;
	s22 =	sadd.s32 $0x1400, s11;
	[sflag:s0] =	ssyncadd.s32 $0xFFFFD800  }
.LBB2_2:
0x48: {  	[tilespmem:s23], [sflag:$0x4] =	stream.indirect.gather [spmem:s2], $0x400, s6, s16, $0xb8;
	[tilespmem:$0x1BA00] =	vst v63  }
0x49: {  	s6 =	smov.u32 s18  }
0x4a: {  	p1 =	sne.s32 s18, $0x7000;
	s18 =	sadd.s32 $0x800, s18;
	_ =	swait.ge [sflag:s24], $0x2800  }
0x4b: {  	[sflag:s24] =	ssyncset.done $0x0  }
0x4c: {  	[sflag:s24] =	ssyncadd.s32 $0xFFFFD800  }
0x4d: {  	[hbm4b:s20+s3] =	stream.linear.scatter [tilespmem:s17], [sflag:$0x5], $0x2800, $0x38;
	[tilespmem:$0x1BA00] =	vst v63  }
0x4e: {  	_ =	swait.ge [sflag:s25], $0x2800  }
0x4f: {  	[sflag:s25] =	ssyncset.done $0x0  }
0x50: {  	[sflag:s25] =	ssyncadd.s32 $0xFFFFD800  }
0x51: {  	[hbm4b:s4+s3] =	stream.linear.scatter [tilespmem:s19], [sflag:$0x6], $0x2800, $0x38;
	[tilespmem:$0x1BA00] =	vst v63  }
0x52: {  	_ =	swait.ge [sflag:s26], $0x2800  }
0x53: {  	[sflag:s26] =	ssyncset.done $0x0  }
0x54: {  	[sflag:s26] =	ssyncadd.s32 $0xFFFFD800  }
0x55: {  	[hbm4b:s22+s3] =	stream.linear.scatter [tilespmem:s21], [sflag:$0x7], $0x2800, $0x38;
	[tilespmem:$0x1BA00] =	vst v63  }
0x56: {  	_ =	swait.ge [sflag:s28], $0x2800  }
0x57: {  	[sflag:s28] =	ssyncset.done $0x0  }
0x58: {  	[sflag:s28] =	ssyncadd.s32 $0xFFFFD800  }
0x59: {  	[hbm4b:s5+s3] =	stream.linear.scatter [tilespmem:s23], [sflag:$0x8], $0x2800, $0x38;
	[tilespmem:$0x1BA00] =	vst v63  }
0x5a: {  	_ =	swait.ge [sflag:s29], $0x2800  }
0x5b: {  	s6 =	sshra.s32 s6, $0x2;
	[sflag:s29] =	ssyncset.done $0x0  }
0x5c: {  	s7 =	sadd.s32 $0x200, s6;
	[sflag:s29] =	ssyncadd.s32 $0xFFFFD800  }
0x5d: {  	[tilespmem:s17], [sflag:$0x1] =	stream.indirect.gather [spmem:s2], $0x400, s7, s16, $0xb8;
	[tilespmem:$0x1BA00] =	vst v63  }
0x5e: {  	_ =	swait.ge [sflag:s30], $0x2800  }
0x5f: {  	[sflag:s30] =	ssyncset.done $0x0  }
0x60: {  	s7 =	sadd.s32 $0x280, s6;
	[sflag:s30] =	ssyncadd.s32 $0xFFFFD800  }
0x61: {  	[tilespmem:s19], [sflag:$0x2] =	stream.indirect.gather [spmem:s2], $0x400, s7, s16, $0xb8;
	[tilespmem:$0x1BA00] =	vst v63  }
0x62: {  	_ =	swait.ge [sflag:s31], $0x2800  }
0x63: {  	[sflag:s31] =	ssyncset.done $0x0  }
.Ltmp0:
0x64: {  	s7 =	sadd.s32 $0x300, s6;
	[sflag:s31] =	ssyncadd.s32 $0xFFFFD800;
	(pc) =	sbr.rel @p1 .LBB2_2-.Ltmp0, $4  }
0x65: {  	[tilespmem:s21], [sflag:$0x3] =	stream.indirect.gather [spmem:s2], $0x400, s7, s16, $0xb8;
	[tilespmem:$0x1BA00] =	vst v63  }
0x66: {  	s20 =	sadd.s32 $0x1400, s20;
	_ =	swait.ge [sflag:s0], $0x2800  }
0x67: {  	s4 =	sadd.s32 $0x1400, s4;
	s22 =	sadd.s32 $0x1400, s22;
	[sflag:s0] =	ssyncset.done $0x0  }
0x68: {  	s5 =	sadd.s32 $0x1400, s5;
	s6 =	sadd.s32 $0x380, s6;
	[sflag:s0] =	ssyncadd.s32 $0xFFFFD800  }
0x69: {  	[tilespmem:s23], [sflag:$0x4] =	stream.indirect.gather [spmem:s2], $0x400, s6, s16, $0xb8;
	[tilespmem:$0x1BA00] =	vst v63  }
0x6a: {  	_ =	swait.ge [sflag:s24], $0x2800  }
0x6b: {  	[sflag:s24] =	ssyncset.done $0x0  }
0x6c: {  	s4 =	rddreg [dreg:$0x5];
	[sflag:s24] =	ssyncadd.s32 $0xFFFFD800  }
0x6d: {  	[hbm4b:s4+s3] =	stream.linear.scatter [tilespmem:s17], [sflag:$0x5], $0x2800, $0x38;
	[tilespmem:$0x1BA00] =	vst v63  }
0x6e: {  	_ =	swait.ge [sflag:s25], $0x2800  }
0x6f: {  	[sflag:s25] =	ssyncset.done $0x0  }
0x70: {  	s20 =	rddreg [dreg:$0x6];
	[sflag:s25] =	ssyncadd.s32 $0xFFFFD800  }
0x71: {  	[hbm4b:s20+s3] =	stream.linear.scatter [tilespmem:s19], [sflag:$0x6], $0x2800, $0x38;
	[tilespmem:$0x1BA00] =	vst v63  }
0x72: {  	_ =	swait.ge [sflag:s26], $0x2800  }
0x73: {  	[sflag:s26] =	ssyncset.done $0x0  }
0x74: {  	s22 =	rddreg [dreg:$0x7];
	[sflag:s26] =	ssyncadd.s32 $0xFFFFD800  }
0x75: {  	[hbm4b:s22+s3] =	stream.linear.scatter [tilespmem:s21], [sflag:$0x7], $0x2800, $0x38;
	[tilespmem:$0x1BA00] =	vst v63  }
0x76: {  	_ =	swait.ge [sflag:s28], $0x2800  }
0x77: {  	[sflag:s28] =	ssyncset.done $0x0  }
0x78: {  	[sflag:s28] =	ssyncadd.s32 $0xFFFFD800  }
0x79: {  	[hbm4b:s8+s3] =	stream.linear.scatter [tilespmem:s23], [sflag:$0x8], $0x2800, $0x38;
	[tilespmem:$0x1BA00] =	vst v63  }
0x7a: {  	_ =	swait.ge [sflag:s29], $0x2800  }
0x7b: {  	[sflag:s29] =	ssyncset.done $0x0  }
0x7c: {  	[sflag:s29] =	ssyncadd.s32 $0xFFFFD800  }
0x7d: {  	_ =	swait.ge [sflag:s30], $0x2800  }
0x7e: {  	[sflag:s30] =	ssyncset.done $0x0  }
0x7f: {  	s1 =	sadd.s32 $0x1, s1;
	[sflag:s30] =	ssyncadd.s32 $0xFFFFD800  }
0x80: {  	p1 =	sne.s32 s1, s9;
	_ =	swait.ge [sflag:s31], $0x2800  }
.Ltmp1:
0x81: {  	[sflag:s31] =	ssyncset.done $0x0;
	(pc) =	sbr.rel @p1 .LBB2_1-.Ltmp1, $4  }
0x82: {  	[sflag:s31] =	ssyncadd.s32 $0xFFFFD800  }
0x83: {  	_ =	swait.ge [sflag:s0], $0x2800  }
0x84: {  	[sflag:s0] =	ssyncset.done $0x0  }
0x85: {  	[sflag:s0] =	ssyncadd.s32 $0xFFFFD800  }
0x86: {  	_ =	sfence.sel $0x180000  }
0x87: {  	[bflag:$0x0] =	sbarrier.arrive $0xFFFF  }
0x88: {  	_ =	strace $0x90000050  }
0x89: {  	[bflag:$0x2] =	sbarrier.arrive $0xFFFF  }
0x8a: {  	s0 =	rddreg [dreg:$0x3]  }
0x8b: {  	s0 =	sadd.s32 @!p0 $0x100000, s0  }
0x8c: {  	[sflag:s0] =	ssyncadd.tile.s32 @!p0 $0x1;
	_ =	shalt  }
.Lfunc_end2:
_tile_overlayer_lowered:
.L_overlay_start_2:
0x8d: {  	(tag) =	ssettag $0x2  }
0x8e: {  	s0 =	rddreg [dreg:$0x0];
	s2 =	stileid.u32  }
0x8f: {  	s1 =	rddreg [dreg:$0x1];
	p0 =	sne.s32 s2, $0x0  }
0x90: {  	s3 =	rddreg [dreg:$0x2];
	[bflag:$0x3] =	sbarrier.arrive $0xFFFF;
	s2 =	simm.s32 @!p0 $0x1C09  }
0x91: {  	[timem:s3], [sflag:s2] =	dma.local @!p0 [hbm:s0], s1  }
0x92: {  	s0 =	simm.s32 @!p0 $0x9  }
0x93: {  	_ =	swait.ge @!p0 [sflag:s0], s1  }
0x94: {  	s1 =	ssub.s32 @!p0 $0x0, s1;
	[sflag:s0] =	ssyncset.done @!p0 $0x0  }
0x95: {  	[sflag:s0] =	ssyncadd.s32 @!p0 s1  }
0x96: {  	[bflag:$0x3] =	sbarrier.arrive $0xFFFF  }
0x97: {  	_ =	shalt  }

</sc_bundles>
